<compile_context>
chip_gen: v7x
topology: tpu7x:2x2x1
jax: 0.10.2.dev20260603
libtpu: 0.0.44.dev20260713+nightly
codegen_flags: <defaults>
</compile_context>

<pallas_src>
import functools
import math

import jax
import jax.numpy as jnp
from jax import lax
from jax.experimental import pallas as pl
from jax.experimental.pallas import tpu as pltpu, tpu_sc as plsc

_CUTOFF = 4.5
_TD = 256
_CH = 128


def _sig(x):
    return 1.0 / (1.0 + jnp.exp(-x))


def _silu(x):
    return x * _sig(x)


def _softplus(x):
    return jnp.maximum(x, 0.0) + jnp.log(1.0 + jnp.exp(-jnp.abs(x)))



def _node_table_body(h_ref, sm_ref, w1_ref, b1_ref, w2_ref, b2_ref, out_ref):
    h = h_ref[...]
    t = _silu(jnp.dot(h, w1_ref[...], preferred_element_type=jnp.float32)
              + b1_ref[...])
    t2 = jnp.dot(t, w2_ref[...], preferred_element_type=jnp.float32) + b2_ref[...]
    lj = _softplus(t2[:, 0:2]) + 1e-3
    n = h.shape[0]
    out_ref[...] = jnp.concatenate(
        [h, sm_ref[...], lj, jnp.zeros((n, _TD - 145), jnp.float32)], axis=1)


def _node_tables(h, small, p):
    n, hid = h.shape
    blk = 2000 if n % 2000 == 0 else n
    w2p = jnp.pad(p['phys_W2'], ((0, 0), (0, 6)))
    b2p = jnp.pad(p['phys_b2'], (0, 6)).reshape(1, 8)
    return pl.pallas_call(
        _node_table_body,
        grid=(n // blk,),
        in_specs=[
            pl.BlockSpec((blk, hid), lambda i: (i, 0)),
            pl.BlockSpec((blk, 15), lambda i: (i, 0)),
            pl.BlockSpec((hid, hid), lambda i: (0, 0)),
            pl.BlockSpec((1, hid), lambda i: (0, 0)),
            pl.BlockSpec((hid, 8), lambda i: (0, 0)),
            pl.BlockSpec((1, 8), lambda i: (0, 0)),
        ],
        out_specs=pl.BlockSpec((blk, _TD), lambda i: (i, 0)),
        out_shape=jax.ShapeDtypeStruct((n, _TD), jnp.float32),
    )(h, small, p['phys_W1'], p['phys_b1'].reshape(1, hid), w2p, b2p)



def _gather(ts, tv, idx_s, idx_v):
    ne = idx_s.shape[0]
    nchunk = ne // _CH
    info = plsc.get_sparse_core_info()
    nc, nsub = info.num_cores, info.num_subcores
    nw = nc * nsub
    jmax = (nchunk + nw - 1) // nw
    mesh = plsc.VectorSubcoreMesh(core_axis_name="c", subcore_axis_name="s")

    @functools.partial(
        pl.kernel, mesh=mesh,
        out_type=(jax.ShapeDtypeStruct((ne, _TD), jnp.float32),
                  jax.ShapeDtypeStruct((ne, _TD), jnp.float32)),
        scratch_types=[
            pltpu.VMEM((_CH,), jnp.int32),
            pltpu.VMEM((_CH,), jnp.int32),
            pltpu.VMEM((_CH, _TD), jnp.float32),
            pltpu.VMEM((_CH, _TD), jnp.float32),
            pltpu.SemaphoreType.DMA,
            pltpu.SemaphoreType.DMA,
        ])
    def gk(ts_h, tv_h, is_h, iv_h, os_h, ov_h, ib_s, ib_v, rb_s, rb_v, sa, sb):
        wid = lax.axis_index("s") * nc + lax.axis_index("c")

        def body(j, carry):
            g = j * nw + wid

            @pl.when(g < nchunk)
            def _():
                base = g * _CH
                pltpu.sync_copy(is_h.at[pl.ds(base, _CH)], ib_s)
                pltpu.sync_copy(iv_h.at[pl.ds(base, _CH)], ib_v)
                a = pltpu.async_copy(ts_h.at[ib_s], rb_s, sa)
                b = pltpu.async_copy(tv_h.at[ib_v], rb_v, sb)
                a.wait()
                b.wait()
                pltpu.sync_copy(rb_s, os_h.at[pl.ds(base, _CH)])
                pltpu.sync_copy(rb_v, ov_h.at[pl.ds(base, _CH)])
            return carry

        lax.fori_loop(0, jmax, body, 0)

    return gk(ts, tv, idx_s, idx_v)



def _edge_body(rs_ref, rv_ref, w1b_ref, b1b_ref, gw2_ref, gb2_ref, ew2_ref,
               eb2_ref, tw1_ref, tb1_ref, tw2_ref, tb2_ref, eng_ref, enb_ref,
               w2b_ref, b2b_ref, cw2_ref, cb2_ref, os_ref, ov_ref, ot_ref,
               *, hid, nr, nexp, ed):
    rs = rs_ref[...]
    rv = rv_ref[...]
    e = rs.shape[0]
    pp_ = e // 128
    hs = rs[:, 0:hid]
    hv = rv[:, 0:hid]

    ss = jnp.transpose(rs[:, hid:hid + 32]).reshape(32, pp_, 128)
    vv = jnp.transpose(rv[:, hid:hid + 32]).reshape(32, pp_, 128)
    relx = ss[0] - vv[0]
    rely = ss[1] - vv[1]
    relz = ss[2] - vv[2]
    dist = jnp.sqrt(relx * relx + rely * rely + relz * relz + 1e-8)
    safe = jnp.maximum(dist, 0.5)
    inv_safe = 1.0 / safe
    ux = relx * inv_safe
    uy = rely * inv_safe
    uz = relz * inv_safe
    eps_ij = jnp.sqrt(ss[15] * vv[15] + 1e-8)
    ratio = jnp.minimum(0.5 * (ss[16] + vv[16]) * inv_safe, 1.5)
    r2 = ratio * ratio
    r6 = r2 * r2 * r2
    e_lj = 4.0 * eps_ij * (r6 * r6 - r6)
    cp = ss[3] * vv[3]
    e_coul = cp * inv_safe
    cd = jnp.abs(ss[3] - vv[3])
    da = ss[4] * vv[5] + ss[5] * vv[4]
    ar = ss[6] * vv[6]
    ndot = ss[9] * vv[9] + ss[10] * vv[10] + ss[11] * vv[11]
    na = ar * jnp.abs(ndot)
    ddot = ss[12] * vv[12] + ss[13] * vv[13] + ss[14] * vv[14]
    dop = 1.0 - jnp.abs(ddot)
    hp = ss[7] * vv[7]
    ppair = ss[8] * vv[8]
    hpp = ss[7] * vv[8] + ss[8] * vv[7]

    clip = jnp.maximum(dist, 1e-6)
    rclip = 1.0 / clip
    theta = (math.pi / _CUTOFF) * clip
    s1 = jnp.sin(theta)
    twoc = 2.0 * jnp.cos(theta)
    rad = [s1, twoc * s1]
    for _ in range(nr - 2):
        rad.append(twoc * rad[-1] - rad[-2])
    rows = ([r * rclip for r in rad]
            + [dist * (1.0 / _CUTOFF), inv_safe, cp, cd, e_lj, e_coul,
               da, na, hp, da, ar, na, ddot, dop, hp, ppair, hpp])
    tt = jnp.transpose(jnp.stack(rows).reshape(nr + 17, e))
    itype = tt[:, nr + 9:nr + 17]
    th = _silu(jnp.dot(
        jnp.concatenate([itype, jnp.zeros((e, 8), jnp.float32)], axis=1),
        tw1_ref[...], preferred_element_type=jnp.float32) + tb1_ref[...])
    th = jnp.dot(th, tw2_ref[...], preferred_element_type=jnp.float32) + tb2_ref[...]

    esp = w1b_ref.shape[0]
    es = jnp.concatenate(
        [hs, hv, tt[:, 0:nr + 9], th, jnp.zeros((e, esp - ed), jnp.float32)],
        axis=1)
    sums = jnp.dot(jnp.concatenate([es, es * es], axis=0),
                   jnp.ones((esp, 8), jnp.float32),
                   preferred_element_type=jnp.float32)
    mu = sums[0:e, 0:1] * (1.0 / ed)
    msq = sums[e:2 * e, 0:1] * (1.0 / ed)
    var = msq - mu * mu
    esn = (es - mu) * lax.rsqrt(var + 1e-5) * eng_ref[...] + enb_ref[...]

    h1 = jnp.dot(esn.astype(jnp.bfloat16), w1b_ref[...],
                 preferred_element_type=jnp.float32) + b1b_ref[...]
    a = _silu(h1)
    gl = jnp.dot(a[:, 0:hid], gw2_ref[...], preferred_element_type=jnp.float32) \
        + gb2_ref[...]
    gl = gl[:, 0:nexp]
    gmax = jnp.max(gl, axis=1, keepdims=True)
    ge = jnp.exp(gl - gmax)
    gw = ge / jnp.sum(ge, axis=1, keepdims=True)

    m = jnp.zeros((e, hid), jnp.float32)
    for k in range(nexp):
        ak = a[:, hid * (k + 1):hid * (k + 2)].astype(jnp.bfloat16)
        hk = _silu(jnp.dot(ak, ew2_ref[hid * k:hid * (k + 1), :],
                           preferred_element_type=jnp.float32)
                   + eb2_ref[k:k + 1, :])
        m = m + gw[:, k:k + 1] * hk

    mo = jnp.dot(m.astype(jnp.bfloat16), w2b_ref[...],
                 preferred_element_type=jnp.float32) + b2b_ref[...]
    hh = hid // 2
    wsv = jnp.dot(_silu(mo[:, 2 * hid:2 * hid + 2 * hh]), cw2_ref[...],
                  preferred_element_type=jnp.float32) + cb2_ref[...]
    wp = jnp.transpose(wsv).reshape(2, pp_, 128)
    one_p = jnp.ones((pp_, 128), jnp.float32)
    os_ref[...] = mo[:, 0:hid]
    ov_ref[...] = mo[:, hid:2 * hid]
    ot_ref[...] = jnp.stack(
        [wp[0] * ux, wp[0] * uy, wp[0] * uz, one_p,
         -wp[1] * ux, -wp[1] * uy, -wp[1] * uz, one_p]).reshape(8, e)


def _edge_compute(es_rows, ev_rows, p):
    ne = es_rows.shape[0]
    hid = p['phys_W1'].shape[0]
    hh = hid // 2
    ed = p['en_g'].shape[0]
    nr = ed - 2 * hid - 9 - hh
    nexp = p['exp_W1'].shape[0]
    esp = ((ed + 127) // 128) * 128
    eblk = 1280 if ne % 1280 == 0 else (640 if ne % 640 == 0 else ne)

    w1b = jnp.pad(
        jnp.concatenate([p['gate_W1']] + [p['exp_W1'][k] for k in range(nexp)],
                        axis=1), ((0, esp - ed), (0, 0))).astype(jnp.bfloat16)
    b1b = jnp.concatenate([p['gate_b1']] + [p['exp_b1'][k] for k in range(nexp)]
                          ).reshape(1, -1)
    gw2 = jnp.pad(p['gate_W2'], ((0, 0), (0, 8 - nexp)))
    gb2 = jnp.pad(p['gate_b2'], (0, 8 - nexp)).reshape(1, 8)
    ew2 = jnp.concatenate([p['exp_W2'][k] for k in range(nexp)],
                          axis=0).astype(jnp.bfloat16)
    eb2 = p['exp_b2']
    tw1 = jnp.pad(p['type_W1'], ((0, 8), (0, 0)))
    tb1 = p['type_b1'].reshape(1, hh)
    tw2 = p['type_W2']
    tb2 = p['type_b2'].reshape(1, hh)
    eng = jnp.pad(p['en_g'], (0, esp - ed)).reshape(1, esp)
    enb = jnp.pad(p['en_b'], (0, esp - ed)).reshape(1, esp)
    w2b = jnp.concatenate([p['msgv_W'], p['msgs_W'], p['cs_W1'], p['cv_W1']],
                          axis=1).astype(jnp.bfloat16)
    b2b = jnp.concatenate([p['msgv_b'], p['msgs_b'], p['cs_b1'], p['cv_b1']]
                          ).reshape(1, -1)
    cw2 = jnp.concatenate([
        jnp.concatenate([p['cs_W2'], jnp.zeros((hh, 1), jnp.float32)], axis=1),
        jnp.concatenate([jnp.zeros((hh, 1), jnp.float32), p['cv_W2']], axis=1),
    ], axis=0)
    cb2 = jnp.concatenate([p['cs_b2'], p['cv_b2']]).reshape(1, 2)

    body = functools.partial(_edge_body, hid=hid, nr=nr, nexp=nexp, ed=ed)
    wspec = lambda w: pl.BlockSpec(w.shape, lambda i: tuple(0 for _ in w.shape))
    weights = [w1b, b1b, gw2, gb2, ew2, eb2, tw1, tb1, tw2, tb2, eng, enb,
               w2b, b2b, cw2, cb2]
    return pl.pallas_call(
        body,
        grid=(ne // eblk,),
        in_specs=[pl.BlockSpec((eblk, _TD), lambda i: (i, 0)),
                  pl.BlockSpec((eblk, _TD), lambda i: (i, 0))]
        + [wspec(w) for w in weights],
        out_specs=[pl.BlockSpec((eblk, hid), lambda i: (i, 0)),
                   pl.BlockSpec((eblk, hid), lambda i: (i, 0)),
                   pl.BlockSpec((8, eblk), lambda i: (0, i))],
        out_shape=[jax.ShapeDtypeStruct((ne, hid), jnp.float32),
                   jax.ShapeDtypeStruct((ne, hid), jnp.float32),
                   jax.ShapeDtypeStruct((8, ne), jnp.float32)],
    )(es_rows, ev_rows, *weights)



def _scatter(msg_s, msg_v, tails, idx_s, idx_v, ns, nv):
    ne = idx_s.shape[0]
    hid = msg_s.shape[1]
    nchunk = ne // _CH
    info = plsc.get_sparse_core_info()
    nsub = info.num_subcores
    jmax = (nchunk + nsub - 1) // nsub
    rpt = (ns // nsub) // 8 * 8
    rlast = ns - rpt * (nsub - 1)
    mesh = plsc.VectorSubcoreMesh(core_axis_name="c", subcore_axis_name="s")
    zz = jnp.zeros((ns, hid), jnp.float32)
    zt = jnp.zeros((2 * ns,), jnp.float32)

    @functools.partial(
        pl.kernel, mesh=mesh,
        compiler_params=pltpu.CompilerParams(needs_layout_passes=False),
        out_type=(jax.ShapeDtypeStruct((ns, hid), jnp.float32),
                  jax.ShapeDtypeStruct((nv, hid), jnp.float32),
                  jax.ShapeDtypeStruct((nsub * 4 * ns,), jnp.float32),
                  jax.ShapeDtypeStruct((nsub * 4 * nv,), jnp.float32)),
        scratch_types=[
            pltpu.VMEM((_CH,), jnp.int32),
            pltpu.VMEM((_CH, hid), jnp.float32),
            pltpu.VMEM((8, _CH), jnp.float32),
            pltpu.VMEM((2 * ns,), jnp.float32),
            pltpu.VMEM_SHARED((ns, hid), jnp.float32),
        ])
    def sk(ms_h, mv_h, tl_h, is_h, iv_h, zz_h, zt_h, os_h, ov_h, ts_h, tv_h,
           ib, rb, tb, tacc, acc):
        c = lax.axis_index("c")
        sid = lax.axis_index("s")
        r0 = sid * rpt

        @pl.when(sid < nsub - 1)
        def _():
            pltpu.sync_copy(zz_h.at[pl.ds(r0, rpt)], acc.at[pl.ds(r0, rpt)])

        @pl.when(sid == nsub - 1)
        def _():
            pltpu.sync_copy(zz_h.at[pl.ds(r0, rlast)], acc.at[pl.ds(r0, rlast)])

        plsc.subcore_barrier()

        def side(rows_h, idx_h, trow0, t_out):
            for pp in range(2):
                pltpu.sync_copy(zt_h, tacc)

                def body(j, carry):
                    g = j * nsub + sid

                    @pl.when(g < nchunk)
                    def _():
                        base = g * _CH
                        pltpu.sync_copy(idx_h.at[pl.ds(base, _CH)], ib)
                        pltpu.sync_copy(tl_h.at[:, pl.ds(base, _CH)], tb)
                        if pp == 0:
                            pltpu.sync_copy(rows_h.at[pl.ds(base, _CH)], rb)
                            pltpu.sync_copy(rb, acc.at[ib], add=True)
                        for grp in range(8):
                            iv = ib[pl.ds(grp * 16, 16)]
                            for j2 in range(2):
                                val = tb[trow0 + 2 * pp + j2,
                                         pl.ds(grp * 16, 16)]
                                plsc.addupdate_scatter(
                                    tacc, [iv + j2 * ns], val)
                    return carry

                lax.fori_loop(0, jmax, body, 0)
                pltpu.sync_copy(
                    tacc,
                    t_out.at[pl.ds((pp * nsub + sid) * 2 * ns, 2 * ns)])

        @pl.when(c == 0)
        def _():
            side(ms_h, is_h, 0, ts_h)

        @pl.when(c == 1)
        def _():
            side(mv_h, iv_h, 4, tv_h)

        plsc.subcore_barrier()

        def dump(o_h):
            @pl.when(sid < nsub - 1)
            def _():
                pltpu.sync_copy(acc.at[pl.ds(r0, rpt)], o_h.at[pl.ds(r0, rpt)])

            @pl.when(sid == nsub - 1)
            def _():
                pltpu.sync_copy(acc.at[pl.ds(r0, rlast)],
                                o_h.at[pl.ds(r0, rlast)])

        @pl.when(c == 0)
        def _():
            dump(os_h)

        @pl.when(c == 1)
        def _():
            dump(ov_h)

    return sk(msg_s, msg_v, tails, idx_s, idx_v, zz, zt)



def _update_body(hs_ref, ps_ref, ms_ref, ts_ref, hv_ref, pv_ref, mv_ref,
                 tv_ref, rsel_ref, usw_ref, usb_ref, usg_ref, usbeta_ref,
                 uvw_ref, uvb_ref, uvg_ref, uvbeta_ref,
                 hso_ref, pso_ref, hvo_ref, pvo_ref):
    def one(h_ref, p_ref, m_ref, t_ref, w_ref, b_ref, g_ref, beta_ref,
            ho_ref, po_ref):
        h = h_ref[...]
        msum = m_ref[...]
        t4 = jnp.dot(t_ref[...], rsel_ref[...],
                     preferred_element_type=jnp.float32)
        wxy = t4[:, 0:2]
        wzc = t4[:, 2:4]
        rc = 1.0 / jnp.maximum(wzc[:, 1:2], 1.0)
        agg = msum * rc
        x = jnp.dot(jnp.concatenate([h, agg], axis=1), w_ref[...],
                    preferred_element_type=jnp.float32) + b_ref[...]
        y = _silu(x)
        mu = jnp.mean(y, axis=1, keepdims=True)
        yc = y - mu
        var = jnp.mean(yc * yc, axis=1, keepdims=True)
        ho_ref[...] = h + yc * lax.rsqrt(var + 1e-5) * g_ref[...] + beta_ref[...]
        po_ref[...] = p_ref[...] + jnp.concatenate(
            [wxy, wzc[:, 0:1]], axis=1) * rc

    one(hs_ref, ps_ref, ms_ref, ts_ref, usw_ref, usb_ref, usg_ref, usbeta_ref,
        hso_ref, pso_ref)
    one(hv_ref, pv_ref, mv_ref, tv_ref, uvw_ref, uvb_ref, uvg_ref, uvbeta_ref,
        hvo_ref, pvo_ref)


def _node_update(h_s, p_s, msum_s, traw_s, h_v, p_v, msum_v, traw_v, p):
    n, hid = h_s.shape
    blk = 2000 if n % 2000 == 0 else n
    ts3 = jnp.transpose(traw_s.reshape(2, 16, 2, n), (3, 0, 1, 2)).reshape(n, 64)
    tv3 = jnp.transpose(traw_v.reshape(2, 16, 2, n), (3, 0, 1, 2)).reshape(n, 64)
    rsel = jnp.zeros((2, 16, 2, 8), jnp.float32)
    for pp in range(2):
        for j in range(2):
            rsel = rsel.at[pp, :, j, 2 * pp + j].set(1.0)
    rsel = rsel.reshape(64, 8)
    ws = [p['ups_W'], p['ups_b'].reshape(1, hid), p['ups_g'].reshape(1, hid),
          p['ups_beta'].reshape(1, hid),
          p['upv_W'], p['upv_b'].reshape(1, hid), p['upv_g'].reshape(1, hid),
          p['upv_beta'].reshape(1, hid)]
    wspec = lambda w: pl.BlockSpec(w.shape, lambda i: tuple(0 for _ in w.shape))
    return pl.pallas_call(
        _update_body,
        grid=(n // blk,),
        in_specs=[pl.BlockSpec((blk, hid), lambda i: (i, 0)),
                  pl.BlockSpec((blk, 3), lambda i: (i, 0)),
                  pl.BlockSpec((blk, hid), lambda i: (i, 0)),
                  pl.BlockSpec((blk, 64), lambda i: (i, 0)),
                  pl.BlockSpec((blk, hid), lambda i: (i, 0)),
                  pl.BlockSpec((blk, 3), lambda i: (i, 0)),
                  pl.BlockSpec((blk, hid), lambda i: (i, 0)),
                  pl.BlockSpec((blk, 64), lambda i: (i, 0)),
                  pl.BlockSpec((64, 8), lambda i: (0, 0))]
        + [wspec(w) for w in ws],
        out_specs=[pl.BlockSpec((blk, hid), lambda i: (i, 0)),
                   pl.BlockSpec((blk, 3), lambda i: (i, 0)),
                   pl.BlockSpec((blk, hid), lambda i: (i, 0)),
                   pl.BlockSpec((blk, 3), lambda i: (i, 0))],
        out_shape=[jax.ShapeDtypeStruct((n, hid), jnp.float32),
                   jax.ShapeDtypeStruct((n, 3), jnp.float32),
                   jax.ShapeDtypeStruct((n, hid), jnp.float32),
                   jax.ShapeDtypeStruct((n, 3), jnp.float32)],
    )(h_s, p_s, msum_s, ts3, h_v, p_v, msum_v, tv3, rsel, *ws)



def kernel(h_s, p_s, bs, h_v, p_v, bv, q_s, q_v, role_s, role_v, normal_s,
           normal_v, dipole_s, dipole_v, cross_edge_index, params):
    ns = h_s.shape[0]
    nv = h_v.shape[0]
    idx_s = cross_edge_index[0]
    idx_v = cross_edge_index[1]
    small_s = jnp.concatenate([p_s, q_s, role_s, normal_s, dipole_s], axis=1)
    small_v = jnp.concatenate([p_v, q_v, role_v, normal_v, dipole_v], axis=1)
    ts = _node_tables(h_s, small_s, params)
    tv = _node_tables(h_v, small_v, params)
    es_rows, ev_rows = _gather(ts, tv, idx_s, idx_v)
    msg_s, msg_v, tails = _edge_compute(es_rows, ev_rows, params)
    msum_s, msum_v, traw_s, traw_v = _scatter(msg_s, msg_v, tails, idx_s,
                                              idx_v, ns, nv)
    return _node_update(h_s, p_s, msum_s, traw_s, h_v, p_v, msum_v, traw_v,
                        params)

# --- scband reference (transcript-rebuilt; emitter-appended) ---
"""Pipeline reference for scband-typed-cross-interaction-82214263980113 (READ-ONLY COPY).

The authoritative reference and input builder live on the scoring server;
editing this copy changes nothing except your own understanding.
"""

import math
import jax, jax.numpy as jnp
import numpy as np

HID = 128
NUM_RADIAL = 24
NUM_EXPERTS = 4
CUTOFF = 4.5
NS = 10000
NV = 10000
NE = 160000
EDGE_DIM = HID * 2 + NUM_RADIAL + 9 + HID // 2


def _lin(key, fi, fo):
    k1, k2 = jax.random.split(key)
    bnd = 1.0 / np.sqrt(fi)
    W = jax.random.uniform(k1, (fi, fo), minval=-bnd, maxval=bnd, dtype=jnp.float32)
    b = jax.random.uniform(k2, (fo,), minval=-bnd, maxval=bnd, dtype=jnp.float32)
    return W, b


def _make_params(key):
    ks = iter(jax.random.split(key, 40))
    p = {}
    p['phys_W1'], p['phys_b1'] = _lin(next(ks), HID, HID)
    p['phys_W2'], p['phys_b2'] = _lin(next(ks), HID, 2)
    p['type_W1'], p['type_b1'] = _lin(next(ks), 8, HID // 2)
    p['type_W2'], p['type_b2'] = _lin(next(ks), HID // 2, HID // 2)
    p['en_g'] = jnp.ones((EDGE_DIM,), jnp.float32)
    p['en_b'] = jnp.zeros((EDGE_DIM,), jnp.float32)
    eW1, eb1, eW2, eb2 = [], [], [], []
    for _ in range(NUM_EXPERTS):
        w, b = _lin(next(ks), EDGE_DIM, HID); eW1.append(w); eb1.append(b)
        w, b = _lin(next(ks), HID, HID); eW2.append(w); eb2.append(b)
    p['exp_W1'] = jnp.stack(eW1); p['exp_b1'] = jnp.stack(eb1)
    p['exp_W2'] = jnp.stack(eW2); p['exp_b2'] = jnp.stack(eb2)
    p['gate_W1'], p['gate_b1'] = _lin(next(ks), EDGE_DIM, HID)
    p['gate_W2'], p['gate_b2'] = _lin(next(ks), HID, NUM_EXPERTS)
    p['msgs_W'], p['msgs_b'] = _lin(next(ks), HID, HID)
    p['msgv_W'], p['msgv_b'] = _lin(next(ks), HID, HID)
    p['ups_W'], p['ups_b'] = _lin(next(ks), HID * 2, HID)
    p['ups_g'] = jnp.ones((HID,), jnp.float32); p['ups_beta'] = jnp.zeros((HID,), jnp.float32)
    p['upv_W'], p['upv_b'] = _lin(next(ks), HID * 2, HID)
    p['upv_g'] = jnp.ones((HID,), jnp.float32); p['upv_beta'] = jnp.zeros((HID,), jnp.float32)
    p['cs_W1'], p['cs_b1'] = _lin(next(ks), HID, HID // 2)
    p['cs_W2'], p['cs_b2'] = _lin(next(ks), HID // 2, 1)
    p['cv_W1'], p['cv_b1'] = _lin(next(ks), HID, HID // 2)
    p['cv_W2'], p['cv_b2'] = _lin(next(ks), HID // 2, 1)
    return p


def _silu(x):
    return x * jax.nn.sigmoid(x)


def _ln(x, g, b):
    mu = jnp.mean(x, axis=-1, keepdims=True)
    var = jnp.mean((x - mu) ** 2, axis=-1, keepdims=True)
    return (x - mu) / jnp.sqrt(var + 1e-5) * g + b


def _seg_mean(src, idx, n):
    s = jax.ops.segment_sum(src, idx, num_segments=n)
    c = jax.ops.segment_sum(jnp.ones((src.shape[0], 1), src.dtype), idx, num_segments=n)
    return s / jnp.maximum(c, 1.0)


def _forward(h_s, p_s, h_v, p_v, q_s, q_v, role_s, role_v, normal_s, normal_v, dipole_s, dipole_v, params, idx_s, idx_v):
    p = params
    fm = jnp.ones((13,), jnp.float32)  # interaction_feature_mask=None -> all ones
    rel_vec = p_s[idx_s] - p_v[idx_v]
    dist = jnp.sqrt(jnp.sum(rel_vec ** 2, axis=-1, keepdims=True) + 1e-8)
    safe_dist = jnp.maximum(dist, 0.5)
    unit_vec = rel_vec / safe_dist
    masked_dist = dist * fm[0]
    masked_inv_dist = (1.0 / safe_dist) * fm[0]
    lj_s = jax.nn.softplus(_silu(h_s @ p['phys_W1'] + p['phys_b1']) @ p['phys_W2'] + p['phys_b2']) + 1e-3
    lj_v = jax.nn.softplus(_silu(h_v @ p['phys_W1'] + p['phys_b1']) @ p['phys_W2'] + p['phys_b2']) + 1e-3
    eps_ij = jnp.sqrt(lj_s[idx_s, 0:1] * lj_v[idx_v, 0:1] + 1e-8)
    sig_ij = 0.5 * (lj_s[idx_s, 1:2] + lj_v[idx_v, 1:2])
    ratio = jnp.minimum(sig_ij / safe_dist, 1.5)
    e_lj = 4.0 * eps_ij * (ratio ** 12 - ratio ** 6)
    qe_s = q_s[idx_s]
    qe_v = q_v[idx_v]
    e_coul = qe_s * qe_v / safe_dist
    charge_product = qe_s * qe_v
    charge_difference = jnp.abs(qe_s - qe_v)
    e_lj = e_lj * fm[1]
    e_coul = e_coul * fm[2]
    charge_product = charge_product * fm[3]
    charge_difference = charge_difference * fm[4]
    rs = role_s[idx_s]; rv = role_v[idx_v]
    ns_ = normal_s[idx_s]; nv_ = normal_v[idx_v]
    ds_ = dipole_s[idx_s]; dv_ = dipole_v[idx_v]
    donor_acceptor = rs[:, 0:1] * rv[:, 1:2] + rs[:, 1:2] * rv[:, 0:1]
    aromatic_pair = rs[:, 2:3] * rv[:, 2:3]
    normal_align = aromatic_pair * jnp.abs(jnp.sum(ns_ * nv_, axis=-1, keepdims=True))
    dipole_align = jnp.sum(ds_ * dv_, axis=-1, keepdims=True)
    dipole_opposition = 1.0 - jnp.abs(dipole_align)
    hydrophobic_pair = rs[:, 3:4] * rv[:, 3:4]
    polar_pair = rs[:, 4:5] * rv[:, 4:5]
    hydrophobic_polar = rs[:, 3:4] * rv[:, 4:5] + rs[:, 4:5] * rv[:, 3:4]
    itype = jnp.concatenate([donor_acceptor, aromatic_pair, normal_align, dipole_align, dipole_opposition, hydrophobic_pair, polar_pair, hydrophobic_polar], axis=-1)
    itype = itype * fm[5:13][None, :]
    type_hidden = _silu(itype @ p['type_W1'] + p['type_b1']) @ p['type_W2'] + p['type_b2']
    freq = jnp.arange(1, NUM_RADIAL + 1, dtype=jnp.float32) * math.pi / CUTOFF
    clipped = jnp.maximum(dist, 1e-6)
    radial = jnp.sin(freq * clipped) / clipped
    edge_scalar = jnp.concatenate([h_s[idx_s], h_v[idx_v], radial * fm[0], masked_dist / CUTOFF, masked_inv_dist, charge_product, charge_difference, e_lj, e_coul, itype[:, 0:1], itype[:, 2:3], itype[:, 5:6], type_hidden], axis=-1)
    edge_scalar = _ln(edge_scalar, p['en_g'], p['en_b'])
    gate_logits = _silu(edge_scalar @ p['gate_W1'] + p['gate_b1']) @ p['gate_W2'] + p['gate_b2']
    gate_w = jax.nn.softmax(gate_logits, axis=-1)
    m = jnp.zeros((edge_scalar.shape[0], HID), jnp.float32)
    for k in range(NUM_EXPERTS):
        hk = _silu(edge_scalar @ p['exp_W1'][k] + p['exp_b1'][k])
        hk = _silu(hk @ p['exp_W2'][k] + p['exp_b2'][k])
        m = m + gate_w[:, k:k + 1] * hk
    agg_s = _seg_mean(m @ p['msgv_W'] + p['msgv_b'], idx_s, h_s.shape[0])
    agg_v = _seg_mean(m @ p['msgs_W'] + p['msgs_b'], idx_v, h_v.shape[0])
    h_s_new = h_s + _ln(_silu(jnp.concatenate([h_s, agg_s], axis=-1) @ p['ups_W'] + p['ups_b']), p['ups_g'], p['ups_beta'])
    h_v_new = h_v + _ln(_silu(jnp.concatenate([h_v, agg_v], axis=-1) @ p['upv_W'] + p['upv_b']), p['upv_g'], p['upv_beta'])
    w_s = _silu(m @ p['cs_W1'] + p['cs_b1']) @ p['cs_W2'] + p['cs_b2']
    w_v = _silu(m @ p['cv_W1'] + p['cv_b1']) @ p['cv_W2'] + p['cv_b2']
    p_s_new = p_s + _seg_mean(w_s * unit_vec, idx_s, p_s.shape[0])
    p_v_new = p_v + _seg_mean(-w_v * unit_vec, idx_v, p_v.shape[0])
    return (h_s_new, p_s_new, h_v_new, p_v_new)


def setup_inputs(seed: int = 0):
    key = jax.random.key(seed)
    ks = jax.random.split(key, 20)
    inp = {}
    inp['h_s'] = jax.random.normal(ks[0], (NS, HID), dtype=jnp.float32)
    inp['p_s'] = jax.random.normal(ks[1], (NS, 3), dtype=jnp.float32)
    inp['bs'] = jnp.zeros((NS,), jnp.int32)
    inp['h_v'] = jax.random.normal(ks[2], (NV, HID), dtype=jnp.float32)
    inp['p_v'] = jax.random.normal(ks[3], (NV, 3), dtype=jnp.float32)
    inp['bv'] = jnp.zeros((NV,), jnp.int32)
    inp['q_s'] = jax.random.normal(ks[4], (NS, 1), dtype=jnp.float32)
    inp['q_v'] = jax.random.normal(ks[5], (NV, 1), dtype=jnp.float32)
    inp['role_s'] = jax.random.uniform(ks[6], (NS, 5), dtype=jnp.float32)
    inp['role_v'] = jax.random.uniform(ks[7], (NV, 5), dtype=jnp.float32)
    inp['normal_s'] = jax.random.normal(ks[8], (NS, 3), dtype=jnp.float32)
    inp['normal_v'] = jax.random.normal(ks[9], (NV, 3), dtype=jnp.float32)
    inp['dipole_s'] = jax.random.normal(ks[10], (NS, 3), dtype=jnp.float32)
    inp['dipole_v'] = jax.random.normal(ks[11], (NV, 3), dtype=jnp.float32)
    inp['cross_edge_index'] = jax.random.randint(ks[12], (2, NE), 0, NS, dtype=jnp.int32)
    inp['params'] = _make_params(ks[13])
    return inp


def reference(h_s, p_s, bs, h_v, p_v, bv, q_s, q_v, role_s, role_v, normal_s, normal_v, dipole_s, dipole_v, cross_edge_index, params):
    idx_s = cross_edge_index[0]
    idx_v = cross_edge_index[1]
    return _forward(h_s, p_s, h_v, p_v, q_s, q_v, role_s, role_v, normal_s, normal_v, dipole_s, dipole_v, params, idx_s, idx_v)

if __name__ == "__main__":
    import jax
    _d = setup_inputs()
    print(jax.jit(kernel)(*tuple(_d.values())))

</pallas_src>

<mosaic_0001>
#map = affine_map<(d0, d1) -> (0, 0)>
#map1 = affine_map<(d0, d1) -> (0)>
module attributes {stable_mosaic.version = 14 : i64} {
  func.func @gk(%arg0: i32, %arg1: i32, %arg2: memref<10000x256xf32, #tpu.memory_space<hbm>>, %arg3: memref<10000x256xf32, #tpu.memory_space<hbm>>, %arg4: memref<160000xi32, #tpu.memory_space<hbm>>, %arg5: memref<160000xi32, #tpu.memory_space<hbm>>, %arg6: memref<160000x256xf32, #tpu.memory_space<hbm>>, %arg7: memref<160000x256xf32, #tpu.memory_space<hbm>>, %arg8: memref<128xi32, #tpu.memory_space<vmem>>, %arg9: memref<128xi32, #tpu.memory_space<vmem>>, %arg10: memref<128x256xf32, #tpu.memory_space<vmem>>, %arg11: memref<128x256xf32, #tpu.memory_space<vmem>>, %arg12: memref<!tpu.dma_semaphore, #tpu.memory_space<semaphore_mem>>, %arg13: memref<!tpu.dma_semaphore, #tpu.memory_space<semaphore_mem>>) attributes {dimension_semantics = [#tpu.dimension_semantics<core_parallel>, #tpu.dimension_semantics<subcore_parallel>], iteration_bounds = array<i64: 2, 16>, scalar_prefetch = 0 : i64, scratch_operands = 6 : i64, tpu.core_type = #tpu.core_type<sc_vector_subcore>, window_params = [{transform_indices = #map}, {transform_indices = #map}, {transform_indices = #map1}, {transform_indices = #map1}, {transform_indices = #map}, {transform_indices = #map}]} {
    %mul3A = arith.constant 2 : i32
    %mul3A_0 = arith.muli %arg1, %mul3A : i32
    %add3A = arith.addi %mul3A_0, %arg0 : i32
    %scan3A = arith.constant 0 : i32
    %scan3A_1 = arith.constant 0 : i32
    %scan3A_2 = arith.constant 40 : i32
    %scan3A_3 = arith.addi %scan3A_1, %scan3A_2 : i32
    %scan3A_4 = arith.constant 1 : i32
    scf.for %scan3A_6 = %scan3A_1 to %scan3A_3 step %scan3A_4  : i32 {
      %mul3A_7 = arith.constant 32 : i32
      %mul3A_8 = arith.muli %scan3A_6, %mul3A_7 : i32
      %add3A_9 = arith.addi %mul3A_8, %add3A : i32
      %lt3A = arith.constant 1250 : i32
      %lt3A_10 = arith.cmpi slt, %add3A_9, %lt3A : i32
      %convert_element_type3A = arith.extui %lt3A_10 : i1 to i32
      %cond3A = arith.constant 0 : i32
      %cond3A_11 = arith.cmpi ne, %convert_element_type3A, %cond3A : i32
      scf.if %cond3A_11 {
        %mul3A_12 = arith.constant 128 : i32
        %mul3A_13 = arith.muli %add3A_9, %mul3A_12 : i32
        "tpu.region"() ({
          %run_scoped3A = tpu.sem_alloc : memref<!tpu.dma_semaphore, #tpu.memory_space<semaphore_mem>>
          %dma_start3A_24 = tpu.memref_slice %arg4[%mul3A_13] : memref<160000xi32, #tpu.memory_space<hbm>> -> memref<128xi32, #tpu.memory_space<hbm>>
          %dma_start3A_25 = tpu.memref_slice %arg4[%mul3A_13] : memref<160000xi32, #tpu.memory_space<hbm>> -> memref<128xi32, #tpu.memory_space<hbm>>
          tpu.enqueue_dma source(%dma_start3A_25 : memref<128xi32, #tpu.memory_space<hbm>>) target(%arg8 : memref<128xi32, #tpu.memory_space<vmem>>) target_semaphore(%run_scoped3A : memref<!tpu.dma_semaphore, #tpu.memory_space<semaphore_mem>>)
          %dma_wait3A_26 = tpu.memref_slice %arg4[%mul3A_13] : memref<160000xi32, #tpu.memory_space<hbm>> -> memref<128xi32, #tpu.memory_space<hbm>>
          %dma_wait3A_27 = tpu.memref_slice %arg4[%mul3A_13] : memref<160000xi32, #tpu.memory_space<hbm>> -> memref<128xi32, #tpu.memory_space<hbm>>
          tpu.wait_dma2 semaphore(%run_scoped3A : memref<!tpu.dma_semaphore, #tpu.memory_space<semaphore_mem>>) src(%dma_wait3A_27 : memref<128xi32, #tpu.memory_space<hbm>>) dst(%arg8 : memref<128xi32, #tpu.memory_space<vmem>>)
          tpu.yield
        }) : () -> ()
        "tpu.region"() ({
          %run_scoped3A = tpu.sem_alloc : memref<!tpu.dma_semaphore, #tpu.memory_space<semaphore_mem>>
          %dma_start3A_24 = tpu.memref_slice %arg5[%mul3A_13] : memref<160000xi32, #tpu.memory_space<hbm>> -> memref<128xi32, #tpu.memory_space<hbm>>
          %dma_start3A_25 = tpu.memref_slice %arg5[%mul3A_13] : memref<160000xi32, #tpu.memory_space<hbm>> -> memref<128xi32, #tpu.memory_space<hbm>>
          tpu.enqueue_dma source(%dma_start3A_25 : memref<128xi32, #tpu.memory_space<hbm>>) target(%arg9 : memref<128xi32, #tpu.memory_space<vmem>>) target_semaphore(%run_scoped3A : memref<!tpu.dma_semaphore, #tpu.memory_space<semaphore_mem>>)
          %dma_wait3A_26 = tpu.memref_slice %arg5[%mul3A_13] : memref<160000xi32, #tpu.memory_space<hbm>> -> memref<128xi32, #tpu.memory_space<hbm>>
          %dma_wait3A_27 = tpu.memref_slice %arg5[%mul3A_13] : memref<160000xi32, #tpu.memory_space<hbm>> -> memref<128xi32, #tpu.memory_space<hbm>>
          tpu.wait_dma2 semaphore(%run_scoped3A : memref<!tpu.dma_semaphore, #tpu.memory_space<semaphore_mem>>) src(%dma_wait3A_27 : memref<128xi32, #tpu.memory_space<hbm>>) dst(%arg9 : memref<128xi32, #tpu.memory_space<vmem>>)
          tpu.yield
        }) : () -> ()
        %dma_start3A = arith.constant 0 : i32
        %dma_start3A_14 = arith.constant 0 : i32
        %dma_start3A_15 = tpu.memref_slice %arg2[%dma_start3A, %dma_start3A_14] : memref<10000x256xf32, #tpu.memory_space<hbm>> -> memref<10000x256xf32, #tpu.memory_space<hbm>>
        tpu.enqueue_indirect_dma source(%dma_start3A_15 : memref<10000x256xf32, #tpu.memory_space<hbm>>) target(%arg10 : memref<128x256xf32, #tpu.memory_space<vmem>>) offsets(%arg8 : memref<128xi32, #tpu.memory_space<vmem>>) semaphore(%arg12 : memref<!tpu.dma_semaphore, #tpu.memory_space<semaphore_mem>>)
        %dma_start3A_16 = arith.constant 0 : i32
        %dma_start3A_17 = arith.constant 0 : i32
        %dma_start3A_18 = tpu.memref_slice %arg3[%dma_start3A_16, %dma_start3A_17] : memref<10000x256xf32, #tpu.memory_space<hbm>> -> memref<10000x256xf32, #tpu.memory_space<hbm>>
        tpu.enqueue_indirect_dma source(%dma_start3A_18 : memref<10000x256xf32, #tpu.memory_space<hbm>>) target(%arg11 : memref<128x256xf32, #tpu.memory_space<vmem>>) offsets(%arg9 : memref<128xi32, #tpu.memory_space<vmem>>) semaphore(%arg13 : memref<!tpu.dma_semaphore, #tpu.memory_space<semaphore_mem>>)
        %dma_wait3A = arith.constant 0 : i32
        %dma_wait3A_19 = arith.constant 0 : i32
        %dma_wait3A_20 = tpu.memref_slice %arg2[%dma_wait3A, %dma_wait3A_19] : memref<10000x256xf32, #tpu.memory_space<hbm>> -> memref<10000x256xf32, #tpu.memory_space<hbm>>
        tpu.wait_indirect_dma semaphore(%arg12 : memref<!tpu.dma_semaphore, #tpu.memory_space<semaphore_mem>>) src(%dma_wait3A_20 : memref<10000x256xf32, #tpu.memory_space<hbm>>) dst(%arg10 : memref<128x256xf32, #tpu.memory_space<vmem>>)
        %dma_wait3A_21 = arith.constant 0 : i32
        %dma_wait3A_22 = arith.constant 0 : i32
        %dma_wait3A_23 = tpu.memref_slice %arg3[%dma_wait3A_21, %dma_wait3A_22] : memref<10000x256xf32, #tpu.memory_space<hbm>> -> memref<10000x256xf32, #tpu.memory_space<hbm>>
        tpu.wait_indirect_dma semaphore(%arg13 : memref<!tpu.dma_semaphore, #tpu.memory_space<semaphore_mem>>) src(%dma_wait3A_23 : memref<10000x256xf32, #tpu.memory_space<hbm>>) dst(%arg11 : memref<128x256xf32, #tpu.memory_space<vmem>>)
        "tpu.region"() ({
          %run_scoped3A = tpu.sem_alloc : memref<!tpu.dma_semaphore, #tpu.memory_space<semaphore_mem>>
          %dma_start3A_24 = arith.constant 0 : i32
          %dma_start3A_25 = tpu.memref_slice %arg6[%mul3A_13, %dma_start3A_24] : memref<160000x256xf32, #tpu.memory_space<hbm>> -> memref<128x256xf32, #tpu.memory_space<hbm>>
          %dma_start3A_26 = arith.constant 0 : i32
          %dma_start3A_27 = tpu.memref_slice %arg6[%mul3A_13, %dma_start3A_26] : memref<160000x256xf32, #tpu.memory_space<hbm>> -> memref<128x256xf32, #tpu.memory_space<hbm>>
          tpu.enqueue_dma source(%arg10 : memref<128x256xf32, #tpu.memory_space<vmem>>) target(%dma_start3A_27 : memref<128x256xf32, #tpu.memory_space<hbm>>) target_semaphore(%run_scoped3A : memref<!tpu.dma_semaphore, #tpu.memory_space<semaphore_mem>>)
          %dma_wait3A_28 = arith.constant 0 : i32
          %dma_wait3A_29 = tpu.memref_slice %arg6[%mul3A_13, %dma_wait3A_28] : memref<160000x256xf32, #tpu.memory_space<hbm>> -> memref<128x256xf32, #tpu.memory_space<hbm>>
          %dma_wait3A_30 = arith.constant 0 : i32
          %dma_wait3A_31 = tpu.memref_slice %arg6[%mul3A_13, %dma_wait3A_30] : memref<160000x256xf32, #tpu.memory_space<hbm>> -> memref<128x256xf32, #tpu.memory_space<hbm>>
          tpu.wait_dma2 semaphore(%run_scoped3A : memref<!tpu.dma_semaphore, #tpu.memory_space<semaphore_mem>>) src(%arg10 : memref<128x256xf32, #tpu.memory_space<vmem>>) dst(%dma_wait3A_31 : memref<128x256xf32, #tpu.memory_space<hbm>>)
          tpu.yield
        }) : () -> ()
        "tpu.region"() ({
          %run_scoped3A = tpu.sem_alloc : memref<!tpu.dma_semaphore, #tpu.memory_space<semaphore_mem>>
          %dma_start3A_24 = arith.constant 0 : i32
          %dma_start3A_25 = tpu.memref_slice %arg7[%mul3A_13, %dma_start3A_24] : memref<160000x256xf32, #tpu.memory_space<hbm>> -> memref<128x256xf32, #tpu.memory_space<hbm>>
          %dma_start3A_26 = arith.constant 0 : i32
          %dma_start3A_27 = tpu.memref_slice %arg7[%mul3A_13, %dma_start3A_26] : memref<160000x256xf32, #tpu.memory_space<hbm>> -> memref<128x256xf32, #tpu.memory_space<hbm>>
          tpu.enqueue_dma source(%arg11 : memref<128x256xf32, #tpu.memory_space<vmem>>) target(%dma_start3A_27 : memref<128x256xf32, #tpu.memory_space<hbm>>) target_semaphore(%run_scoped3A : memref<!tpu.dma_semaphore, #tpu.memory_space<semaphore_mem>>)
          %dma_wait3A_28 = arith.constant 0 : i32
          %dma_wait3A_29 = tpu.memref_slice %arg7[%mul3A_13, %dma_wait3A_28] : memref<160000x256xf32, #tpu.memory_space<hbm>> -> memref<128x256xf32, #tpu.memory_space<hbm>>
          %dma_wait3A_30 = arith.constant 0 : i32
          %dma_wait3A_31 = tpu.memref_slice %arg7[%mul3A_13, %dma_wait3A_30] : memref<160000x256xf32, #tpu.memory_space<hbm>> -> memref<128x256xf32, #tpu.memory_space<hbm>>
          tpu.wait_dma2 semaphore(%run_scoped3A : memref<!tpu.dma_semaphore, #tpu.memory_space<semaphore_mem>>) src(%arg11 : memref<128x256xf32, #tpu.memory_space<vmem>>) dst(%dma_wait3A_31 : memref<128x256xf32, #tpu.memory_space<hbm>>)
          tpu.yield
        }) : () -> ()
      } else {
      }
    }
    %scan3A_5 = arith.constant 40 : i32
    return
  }
}

#map = affine_map<(d0, d1) -> (0, 0)>
#map1 = affine_map<(d0, d1) -> (0)>
module attributes {stable_mosaic.version = 14 : i64} {
  func.func @sk(%arg0: i32, %arg1: i32, %arg2: memref<160000x128xf32, #tpu.memory_space<hbm>>, %arg3: memref<160000x128xf32, #tpu.memory_space<hbm>>, %arg4: memref<8x160000xf32, #tpu.memory_space<hbm>>, %arg5: memref<160000xi32, #tpu.memory_space<hbm>>, %arg6: memref<160000xi32, #tpu.memory_space<hbm>>, %arg7: memref<10000x128xf32, #tpu.memory_space<hbm>>, %arg8: memref<20000xf32, #tpu.memory_space<hbm>>, %arg9: memref<10000x128xf32, #tpu.memory_space<hbm>>, %arg10: memref<10000x128xf32, #tpu.memory_space<hbm>>, %arg11: memref<640000xf32, #tpu.memory_space<hbm>>, %arg12: memref<640000xf32, #tpu.memory_space<hbm>>, %arg13: memref<128xi32, #tpu.memory_space<vmem>>, %arg14: memref<128x128xf32, #tpu.memory_space<vmem>>, %arg15: memref<8x128xf32, #tpu.memory_space<vmem>>, %arg16: memref<20000xf32, #tpu.memory_space<vmem>>, %arg17: memref<10000x128xf32, #tpu.memory_space<vmem_shared>>) attributes {dimension_semantics = [#tpu.dimension_semantics<core_parallel>, #tpu.dimension_semantics<subcore_parallel>], iteration_bounds = array<i64: 2, 16>, scalar_prefetch = 0 : i64, scratch_operands = 5 : i64, tpu.core_type = #tpu.core_type<sc_vector_subcore>, window_params = [{transform_indices = #map}, {transform_indices = #map}, {transform_indices = #map}, {transform_indices = #map1}, {transform_indices = #map1}, {transform_indices = #map}, {transform_indices = #map1}, {transform_indices = #map}, {transform_indices = #map}, {transform_indices = #map1}, {transform_indices = #map1}]} {
    %mul3A = arith.constant 624 : i32
    %mul3A_0 = arith.muli %arg1, %mul3A : i32
    %lt3A = arith.constant 15 : i32
    %lt3A_1 = arith.cmpi slt, %arg1, %lt3A : i32
    %convert_element_type3A = arith.extui %lt3A_1 : i1 to i32
    %cond3A = arith.constant 0 : i32
    %cond3A_2 = arith.cmpi ne, %convert_element_type3A, %cond3A : i32
    scf.if %cond3A_2 {
      "tpu.region"() ({
        %run_scoped3A = tpu.sem_alloc : memref<!tpu.dma_semaphore, #tpu.memory_space<semaphore_mem>>
        %dma_start3A = arith.constant 0 : i32
        %dma_start3A_28 = tpu.memref_slice %arg17[%mul3A_0, %dma_start3A] : memref<10000x128xf32, #tpu.memory_space<vmem_shared>> -> memref<624x128xf32, #tpu.memory_space<vmem_shared>>
        %dma_start3A_29 = arith.constant 0 : i32
        %dma_start3A_30 = tpu.memref_slice %arg7[%mul3A_0, %dma_start3A_29] : memref<10000x128xf32, #tpu.memory_space<hbm>> -> memref<624x128xf32, #tpu.memory_space<hbm>>
        tpu.enqueue_dma source(%dma_start3A_30 : memref<624x128xf32, #tpu.memory_space<hbm>>) target(%dma_start3A_28 : memref<624x128xf32, #tpu.memory_space<vmem_shared>>) target_semaphore(%run_scoped3A : memref<!tpu.dma_semaphore, #tpu.memory_space<semaphore_mem>>)
        %dma_wait3A = arith.constant 0 : i32
        %dma_wait3A_31 = tpu.memref_slice %arg17[%mul3A_0, %dma_wait3A] : memref<10000x128xf32, #tpu.memory_space<vmem_shared>> -> memref<624x128xf32, #tpu.memory_space<vmem_shared>>
        %dma_wait3A_32 = arith.constant 0 : i32
        %dma_wait3A_33 = tpu.memref_slice %arg7[%mul3A_0, %dma_wait3A_32] : memref<10000x128xf32, #tpu.memory_space<hbm>> -> memref<624x128xf32, #tpu.memory_space<hbm>>
        tpu.wait_dma2 semaphore(%run_scoped3A : memref<!tpu.dma_semaphore, #tpu.memory_space<semaphore_mem>>) src(%dma_wait3A_33 : memref<624x128xf32, #tpu.memory_space<hbm>>) dst(%dma_wait3A_31 : memref<624x128xf32, #tpu.memory_space<vmem_shared>>)
        tpu.yield
      }) : () -> ()
    } else {
    }
    %eq3A = arith.constant 15 : i32
    %eq3A_3 = arith.cmpi eq, %arg1, %eq3A : i32
    %convert_element_type3A_4 = arith.extui %eq3A_3 : i1 to i32
    %cond3A_5 = arith.constant 0 : i32
    %cond3A_6 = arith.cmpi ne, %convert_element_type3A_4, %cond3A_5 : i32
    scf.if %cond3A_6 {
      "tpu.region"() ({
        %run_scoped3A = tpu.sem_alloc : memref<!tpu.dma_semaphore, #tpu.memory_space<semaphore_mem>>
        %dma_start3A = arith.constant 0 : i32
        %dma_start3A_28 = tpu.memref_slice %arg17[%mul3A_0, %dma_start3A] : memref<10000x128xf32, #tpu.memory_space<vmem_shared>> -> memref<640x128xf32, #tpu.memory_space<vmem_shared>>
        %dma_start3A_29 = arith.constant 0 : i32
        %dma_start3A_30 = tpu.memref_slice %arg7[%mul3A_0, %dma_start3A_29] : memref<10000x128xf32, #tpu.memory_space<hbm>> -> memref<640x128xf32, #tpu.memory_space<hbm>>
        tpu.enqueue_dma source(%dma_start3A_30 : memref<640x128xf32, #tpu.memory_space<hbm>>) target(%dma_start3A_28 : memref<640x128xf32, #tpu.memory_space<vmem_shared>>) target_semaphore(%run_scoped3A : memref<!tpu.dma_semaphore, #tpu.memory_space<semaphore_mem>>)
        %dma_wait3A = arith.constant 0 : i32
        %dma_wait3A_31 = tpu.memref_slice %arg17[%mul3A_0, %dma_wait3A] : memref<10000x128xf32, #tpu.memory_space<vmem_shared>> -> memref<640x128xf32, #tpu.memory_space<vmem_shared>>
        %dma_wait3A_32 = arith.constant 0 : i32
        %dma_wait3A_33 = tpu.memref_slice %arg7[%mul3A_0, %dma_wait3A_32] : memref<10000x128xf32, #tpu.memory_space<hbm>> -> memref<640x128xf32, #tpu.memory_space<hbm>>
        tpu.wait_dma2 semaphore(%run_scoped3A : memref<!tpu.dma_semaphore, #tpu.memory_space<semaphore_mem>>) src(%dma_wait3A_33 : memref<640x128xf32, #tpu.memory_space<hbm>>) dst(%dma_wait3A_31 : memref<640x128xf32, #tpu.memory_space<vmem_shared>>)
        tpu.yield
      }) : () -> ()
    } else {
    }
    %barrier3A = arith.constant 0 : index
    tpu.barrier barrier_id(%barrier3A)
    %eq3A_7 = arith.constant 0 : i32
    %eq3A_8 = arith.cmpi eq, %arg0, %eq3A_7 : i32
    %convert_element_type3A_9 = arith.extui %eq3A_8 : i1 to i32
    %cond3A_10 = arith.constant 0 : i32
    %cond3A_11 = arith.cmpi ne, %convert_element_type3A_9, %cond3A_10 : i32
    scf.if %cond3A_11 {
      "tpu.region"() ({
        %run_scoped3A = tpu.sem_alloc : memref<!tpu.dma_semaphore, #tpu.memory_space<semaphore_mem>>
        tpu.enqueue_dma source(%arg8 : memref<20000xf32, #tpu.memory_space<hbm>>) target(%arg16 : memref<20000xf32, #tpu.memory_space<vmem>>) target_semaphore(%run_scoped3A : memref<!tpu.dma_semaphore, #tpu.memory_space<semaphore_mem>>)
        tpu.wait_dma2 semaphore(%run_scoped3A : memref<!tpu.dma_semaphore, #tpu.memory_space<semaphore_mem>>) src(%arg8 : memref<20000xf32, #tpu.memory_space<hbm>>) dst(%arg16 : memref<20000xf32, #tpu.memory_space<vmem>>)
        tpu.yield
      }) : () -> ()
      %scan3A = arith.constant 0 : i32
      %scan3A_28 = arith.constant 0 : i32
      %scan3A_29 = arith.constant 79 : i32
      %scan3A_30 = arith.addi %scan3A_28, %scan3A_29 : i32
      %scan3A_31 = arith.constant 1 : i32
      scf.for %scan3A_50 = %scan3A_28 to %scan3A_30 step %scan3A_31  : i32 {
        %mul3A_51 = arith.constant 16 : i32
        %mul3A_52 = arith.muli %scan3A_50, %mul3A_51 : i32
        %add3A_53 = arith.addi %mul3A_52, %arg1 : i32
        %lt3A_54 = arith.constant 1250 : i32
        %lt3A_55 = arith.cmpi slt, %add3A_53, %lt3A_54 : i32
        %convert_element_type3A_56 = arith.extui %lt3A_55 : i1 to i32
        %cond3A_57 = arith.constant 0 : i32
        %cond3A_58 = arith.cmpi ne, %convert_element_type3A_56, %cond3A_57 : i32
        scf.if %cond3A_58 {
          %mul3A_59 = arith.constant 128 : i32
          %mul3A_60 = arith.muli %add3A_53, %mul3A_59 : i32
          "tpu.region"() ({
            %run_scoped3A = tpu.sem_alloc : memref<!tpu.dma_semaphore, #tpu.memory_space<semaphore_mem>>
            %dma_start3A = tpu.memref_slice %arg5[%mul3A_60] : memref<160000xi32, #tpu.memory_space<hbm>> -> memref<128xi32, #tpu.memory_space<hbm>>
            %dma_start3A_188 = tpu.memref_slice %arg5[%mul3A_60] : memref<160000xi32, #tpu.memory_space<hbm>> -> memref<128xi32, #tpu.memory_space<hbm>>
            tpu.enqueue_dma source(%dma_start3A_188 : memref<128xi32, #tpu.memory_space<hbm>>) target(%arg13 : memref<128xi32, #tpu.memory_space<vmem>>) target_semaphore(%run_scoped3A : memref<!tpu.dma_semaphore, #tpu.memory_space<semaphore_mem>>)
            %dma_wait3A = tpu.memref_slice %arg5[%mul3A_60] : memref<160000xi32, #tpu.memory_space<hbm>> -> memref<128xi32, #tpu.memory_space<hbm>>
            %dma_wait3A_189 = tpu.memref_slice %arg5[%mul3A_60] : memref<160000xi32, #tpu.memory_space<hbm>> -> memref<128xi32, #tpu.memory_space<hbm>>
            tpu.wait_dma2 semaphore(%run_scoped3A : memref<!tpu.dma_semaphore, #tpu.memory_space<semaphore_mem>>) src(%dma_wait3A_189 : memref<128xi32, #tpu.memory_space<hbm>>) dst(%arg13 : memref<128xi32, #tpu.memory_space<vmem>>)
            tpu.yield
          }) : () -> ()
          "tpu.region"() ({
            %run_scoped3A = tpu.sem_alloc : memref<!tpu.dma_semaphore, #tpu.memory_space<semaphore_mem>>
            %dma_start3A = arith.constant 0 : i32
            %dma_start3A_188 = tpu.memref_slice %arg4[%dma_start3A, %mul3A_60] : memref<8x160000xf32, #tpu.memory_space<hbm>> -> memref<8x128xf32, #tpu.memory_space<hbm>>
            %dma_start3A_189 = arith.constant 0 : i32
            %dma_start3A_190 = tpu.memref_slice %arg4[%dma_start3A_189, %mul3A_60] : memref<8x160000xf32, #tpu.memory_space<hbm>> -> memref<8x128xf32, #tpu.memory_space<hbm>>
            tpu.enqueue_dma source(%dma_start3A_190 : memref<8x128xf32, #tpu.memory_space<hbm>>) target(%arg15 : memref<8x128xf32, #tpu.memory_space<vmem>>) target_semaphore(%run_scoped3A : memref<!tpu.dma_semaphore, #tpu.memory_space<semaphore_mem>>)
            %dma_wait3A = arith.constant 0 : i32
            %dma_wait3A_191 = tpu.memref_slice %arg4[%dma_wait3A, %mul3A_60] : memref<8x160000xf32, #tpu.memory_space<hbm>> -> memref<8x128xf32, #tpu.memory_space<hbm>>
            %dma_wait3A_192 = arith.constant 0 : i32
            %dma_wait3A_193 = tpu.memref_slice %arg4[%dma_wait3A_192, %mul3A_60] : memref<8x160000xf32, #tpu.memory_space<hbm>> -> memref<8x128xf32, #tpu.memory_space<hbm>>
            tpu.wait_dma2 semaphore(%run_scoped3A : memref<!tpu.dma_semaphore, #tpu.memory_space<semaphore_mem>>) src(%dma_wait3A_193 : memref<8x128xf32, #tpu.memory_space<hbm>>) dst(%arg15 : memref<8x128xf32, #tpu.memory_space<vmem>>)
            tpu.yield
          }) : () -> ()
          "tpu.region"() ({
            %run_scoped3A = tpu.sem_alloc : memref<!tpu.dma_semaphore, #tpu.memory_space<semaphore_mem>>
            %dma_start3A = arith.constant 0 : i32
            %dma_start3A_188 = tpu.memref_slice %arg2[%mul3A_60, %dma_start3A] : memref<160000x128xf32, #tpu.memory_space<hbm>> -> memref<128x128xf32, #tpu.memory_space<hbm>>
            %dma_start3A_189 = arith.constant 0 : i32
            %dma_start3A_190 = tpu.memref_slice %arg2[%mul3A_60, %dma_start3A_189] : memref<160000x128xf32, #tpu.memory_space<hbm>> -> memref<128x128xf32, #tpu.memory_space<hbm>>
            tpu.enqueue_dma source(%dma_start3A_190 : memref<128x128xf32, #tpu.memory_space<hbm>>) target(%arg14 : memref<128x128xf32, #tpu.memory_space<vmem>>) target_semaphore(%run_scoped3A : memref<!tpu.dma_semaphore, #tpu.memory_space<semaphore_mem>>)
            %dma_wait3A = arith.constant 0 : i32
            %dma_wait3A_191 = tpu.memref_slice %arg2[%mul3A_60, %dma_wait3A] : memref<160000x128xf32, #tpu.memory_space<hbm>> -> memref<128x128xf32, #tpu.memory_space<hbm>>
            %dma_wait3A_192 = arith.constant 0 : i32
            %dma_wait3A_193 = tpu.memref_slice %arg2[%mul3A_60, %dma_wait3A_192] : memref<160000x128xf32, #tpu.memory_space<hbm>> -> memref<128x128xf32, #tpu.memory_space<hbm>>
            tpu.wait_dma2 semaphore(%run_scoped3A : memref<!tpu.dma_semaphore, #tpu.memory_space<semaphore_mem>>) src(%dma_wait3A_193 : memref<128x128xf32, #tpu.memory_space<hbm>>) dst(%arg14 : memref<128x128xf32, #tpu.memory_space<vmem>>)
            tpu.yield
          }) : () -> ()
          "tpu.region"() ({
            %run_scoped3A = tpu.sem_alloc : memref<!tpu.dma_semaphore, #tpu.memory_space<semaphore_mem>>
            %dma_start3A = arith.constant 0 : i32
            %dma_start3A_188 = arith.constant 0 : i32
            %dma_start3A_189 = tpu.memref_slice %arg17[%dma_start3A, %dma_start3A_188] : memref<10000x128xf32, #tpu.memory_space<vmem_shared>> -> memref<10000x128xf32, #tpu.memory_space<vmem_shared>>
            tpu.enqueue_indirect_dma source(%arg14 : memref<128x128xf32, #tpu.memory_space<vmem>>) target(%dma_start3A_189 : memref<10000x128xf32, #tpu.memory_space<vmem_shared>>) offsets(%arg13 : memref<128xi32, #tpu.memory_space<vmem>>) semaphore(%run_scoped3A : memref<!tpu.dma_semaphore, #tpu.memory_space<semaphore_mem>>) {add = true}
            %dma_wait3A = arith.constant 0 : i32
            %dma_wait3A_190 = arith.constant 0 : i32
            %dma_wait3A_191 = tpu.memref_slice %arg17[%dma_wait3A, %dma_wait3A_190] : memref<10000x128xf32, #tpu.memory_space<vmem_shared>> -> memref<10000x128xf32, #tpu.memory_space<vmem_shared>>
            tpu.wait_indirect_dma semaphore(%run_scoped3A : memref<!tpu.dma_semaphore, #tpu.memory_space<semaphore_mem>>) src(%arg14 : memref<128x128xf32, #tpu.memory_space<vmem>>) dst(%dma_wait3A_191 : memref<10000x128xf32, #tpu.memory_space<vmem_shared>>)
            tpu.yield
          }) : () -> ()
          %get3A = arith.constant 0 : index
          %get3A_61 = tpu.vector_load %arg13[%get3A] {strides = array<i32>} : memref<128xi32, #tpu.memory_space<vmem>>, vector<16xi32>,
          %get3A_62 = arith.constant 0 : i32
          %get3A_63 = arith.index_cast %get3A_62 : i32 to index
          %get3A_64 = arith.constant 0 : index
          %get3A_65 = tpu.vector_load %arg15[%get3A_63, %get3A_64] {strides = array<i32>} : memref<8x128xf32, #tpu.memory_space<vmem>>, vector<16xf32>,
          %add3A_66 = arith.constant 0 : i32
          %add3A_67 = vector.broadcast %add3A_66 : i32 to vector<16xi32>
          %add3A_68 = arith.addi %get3A_61, %add3A_67 : vector<16xi32>
          tpu.vector_store_idx %arg16[%add3A_68], %get3A_65 {add = true} : memref<20000xf32, #tpu.memory_space<vmem>>[vector<16xi32>], vector<16xf32>,
          %get3A_69 = arith.constant 1 : i32
          %get3A_70 = arith.index_cast %get3A_69 : i32 to index
          %get3A_71 = arith.constant 0 : index
          %get3A_72 = tpu.vector_load %arg15[%get3A_70, %get3A_71] {strides = array<i32>} : memref<8x128xf32, #tpu.memory_space<vmem>>, vector<16xf32>,
          %add3A_73 = arith.constant 10000 : i32
          %add3A_74 = vector.broadcast %add3A_73 : i32 to vector<16xi32>
          %add3A_75 = arith.addi %get3A_61, %add3A_74 : vector<16xi32>
          tpu.vector_store_idx %arg16[%add3A_75], %get3A_72 {add = true} : memref<20000xf32, #tpu.memory_space<vmem>>[vector<16xi32>], vector<16xf32>,
          %get3A_76 = arith.constant 16 : index
          %get3A_77 = tpu.vector_load %arg13[%get3A_76] {strides = array<i32>} : memref<128xi32, #tpu.memory_space<vmem>>, vector<16xi32>,
          %get3A_78 = arith.constant 0 : i32
          %get3A_79 = arith.index_cast %get3A_78 : i32 to index
          %get3A_80 = arith.constant 16 : index
          %get3A_81 = tpu.vector_load %arg15[%get3A_79, %get3A_80] {strides = array<i32>} : memref<8x128xf32, #tpu.memory_space<vmem>>, vector<16xf32>,
          %add3A_82 = arith.constant 0 : i32
          %add3A_83 = vector.broadcast %add3A_82 : i32 to vector<16xi32>
          %add3A_84 = arith.addi %get3A_77, %add3A_83 : vector<16xi32>
          tpu.vector_store_idx %arg16[%add3A_84], %get3A_81 {add = true} : memref<20000xf32, #tpu.memory_space<vmem>>[vector<16xi32>], vector<16xf32>,
          %get3A_85 = arith.constant 1 : i32
          %get3A_86 = arith.index_cast %get3A_85 : i32 to index
          %get3A_87 = arith.constant 16 : index
          %get3A_88 = tpu.vector_load %arg15[%get3A_86, %get3A_87] {strides = array<i32>} : memref<8x128xf32, #tpu.memory_space<vmem>>, vector<16xf32>,
          %add3A_89 = arith.constant 10000 : i32
          %add3A_90 = vector.broadcast %add3A_89 : i32 to vector<16xi32>
          %add3A_91 = arith.addi %get3A_77, %add3A_90 : vector<16xi32>
          tpu.vector_store_idx %arg16[%add3A_91], %get3A_88 {add = true} : memref<20000xf32, #tpu.memory_space<vmem>>[vector<16xi32>], vector<16xf32>,
          %get3A_92 = arith.constant 32 : index
          %get3A_93 = tpu.vector_load %arg13[%get3A_92] {strides = array<i32>} : memref<128xi32, #tpu.memory_space<vmem>>, vector<16xi32>,
          %get3A_94 = arith.constant 0 : i32
          %get3A_95 = arith.index_cast %get3A_94 : i32 to index
          %get3A_96 = arith.constant 32 : index
          %get3A_97 = tpu.vector_load %arg15[%get3A_95, %get3A_96] {strides = array<i32>} : memref<8x128xf32, #tpu.memory_space<vmem>>, vector<16xf32>,
          %add3A_98 = arith.constant 0 : i32
          %add3A_99 = vector.broadcast %add3A_98 : i32 to vector<16xi32>
          %add3A_100 = arith.addi %get3A_93, %add3A_99 : vector<16xi32>
          tpu.vector_store_idx %arg16[%add3A_100], %get3A_97 {add = true} : memref<20000xf32, #tpu.memory_space<vmem>>[vector<16xi32>], vector<16xf32>,
          %get3A_101 = arith.constant 1 : i32
          %get3A_102 = arith.index_cast %get3A_101 : i32 to index
          %get3A_103 = arith.constant 32 : index
          %get3A_104 = tpu.vector_load %arg15[%get3A_102, %get3A_103] {strides = array<i32>} : memref<8x128xf32, #tpu.memory_space<vmem>>, vector<16xf32>,
          %add3A_105 = arith.constant 10000 : i32
          %add3A_106 = vector.broadcast %add3A_105 : i32 to vector<16xi32>
          %add3A_107 = arith.addi %get3A_93, %add3A_106 : vector<16xi32>
          tpu.vector_store_idx %arg16[%add3A_107], %get3A_104 {add = true} : memref<20000xf32, #tpu.memory_space<vmem>>[vector<16xi32>], vector<16xf32>,
          %get3A_108 = arith.constant 48 : index
          %get3A_109 = tpu.vector_load %arg13[%get3A_108] {strides = array<i32>} : memref<128xi32, #tpu.memory_space<vmem>>, vector<16xi32>,
          %get3A_110 = arith.constant 0 : i32
          %get3A_111 = arith.index_cast %get3A_110 : i32 to index
          %get3A_112 = arith.constant 48 : index
          %get3A_113 = tpu.vector_load %arg15[%get3A_111, %get3A_112] {strides = array<i32>} : memref<8x128xf32, #tpu.memory_space<vmem>>, vector<16xf32>,
          %add3A_114 = arith.constant 0 : i32
          %add3A_115 = vector.broadcast %add3A_114 : i32 to vector<16xi32>
          %add3A_116 = arith.addi %get3A_109, %add3A_115 : vector<16xi32>
          tpu.vector_store_idx %arg16[%add3A_116], %get3A_113 {add = true} : memref<20000xf32, #tpu.memory_space<vmem>>[vector<16xi32>], vector<16xf32>,
          %get3A_117 = arith.constant 1 : i32
          %get3A_118 = arith.index_cast %get3A_117 : i32 to index
          %get3A_119 = arith.constant 48 : index
          %get3A_120 = tpu.vector_load %arg15[%get3A_118, %get3A_119] {strides = array<i32>} : memref<8x128xf32, #tpu.memory_space<vmem>>, vector<16xf32>,
          %add3A_121 = arith.constant 10000 : i32
          %add3A_122 = vector.broadcast %add3A_121 : i32 to vector<16xi32>
          %add3A_123 = arith.addi %get3A_109, %add3A_122 : vector<16xi32>
          tpu.vector_store_idx %arg16[%add3A_123], %get3A_120 {add = true} : memref<20000xf32, #tpu.memory_space<vmem>>[vector<16xi32>], vector<16xf32>,
          %get3A_124 = arith.constant 64 : index
          %get3A_125 = tpu.vector_load %arg13[%get3A_124] {strides = array<i32>} : memref<128xi32, #tpu.memory_space<vmem>>, vector<16xi32>,
          %get3A_126 = arith.constant 0 : i32
          %get3A_127 = arith.index_cast %get3A_126 : i32 to index
          %get3A_128 = arith.constant 64 : index
          %get3A_129 = tpu.vector_load %arg15[%get3A_127, %get3A_128] {strides = array<i32>} : memref<8x128xf32, #tpu.memory_space<vmem>>, vector<16xf32>,
          %add3A_130 = arith.constant 0 : i32
          %add3A_131 = vector.broadcast %add3A_130 : i32 to vector<16xi32>
          %add3A_132 = arith.addi %get3A_125, %add3A_131 : vector<16xi32>
          tpu.vector_store_idx %arg16[%add3A_132], %get3A_129 {add = true} : memref<20000xf32, #tpu.memory_space<vmem>>[vector<16xi32>], vector<16xf32>,
          %get3A_133 = arith.constant 1 : i32
          %get3A_134 = arith.index_cast %get3A_133 : i32 to index
          %get3A_135 = arith.constant 64 : index
          %get3A_136 = tpu.vector_load %arg15[%get3A_134, %get3A_135] {strides = array<i32>} : memref<8x128xf32, #tpu.memory_space<vmem>>, vector<16xf32>,
          %add3A_137 = arith.constant 10000 : i32
          %add3A_138 = vector.broadcast %add3A_137 : i32 to vector<16xi32>
          %add3A_139 = arith.addi %get3A_125, %add3A_138 : vector<16xi32>
          tpu.vector_store_idx %arg16[%add3A_139], %get3A_136 {add = true} : memref<20000xf32, #tpu.memory_space<vmem>>[vector<16xi32>], vector<16xf32>,
          %get3A_140 = arith.constant 80 : index
          %get3A_141 = tpu.vector_load %arg13[%get3A_140] {strides = array<i32>} : memref<128xi32, #tpu.memory_space<vmem>>, vector<16xi32>,
          %get3A_142 = arith.constant 0 : i32
          %get3A_143 = arith.index_cast %get3A_142 : i32 to index
          %get3A_144 = arith.constant 80 : index
          %get3A_145 = tpu.vector_load %arg15[%get3A_143, %get3A_144] {strides = array<i32>} : memref<8x128xf32, #tpu.memory_space<vmem>>, vector<16xf32>,
          %add3A_146 = arith.constant 0 : i32
          %add3A_147 = vector.broadcast %add3A_146 : i32 to vector<16xi32>
          %add3A_148 = arith.addi %get3A_141, %add3A_147 : vector<16xi32>
          tpu.vector_store_idx %arg16[%add3A_148], %get3A_145 {add = true} : memref<20000xf32, #tpu.memory_space<vmem>>[vector<16xi32>], vector<16xf32>,
          %get3A_149 = arith.constant 1 : i32
          %get3A_150 = arith.index_cast %get3A_149 : i32 to index
          %get3A_151 = arith.constant 80 : index
          %get3A_152 = tpu.vector_load %arg15[%get3A_150, %get3A_151] {strides = array<i32>} : memref<8x128xf32, #tpu.memory_space<vmem>>, vector<16xf32>,
          %add3A_153 = arith.constant 10000 : i32
          %add3A_154 = vector.broadcast %add3A_153 : i32 to vector<16xi32>
          %add3A_155 = arith.addi %get3A_141, %add3A_154 : vector<16xi32>
          tpu.vector_store_idx %arg16[%add3A_155], %get3A_152 {add = true} : memref<20000xf32, #tpu.memory_space<vmem>>[vector<16xi32>], vector<16xf32>,
          %get3A_156 = arith.constant 96 : index
          %get3A_157 = tpu.vector_load %arg13[%get3A_156] {strides = array<i32>} : memref<128xi32, #tpu.memory_space<vmem>>, vector<16xi32>,
          %get3A_158 = arith.constant 0 : i32
          %get3A_159 = arith.index_cast %get3A_158 : i32 to index
          %get3A_160 = arith.constant 96 : index
          %get3A_161 = tpu.vector_load %arg15[%get3A_159, %get3A_160] {strides = array<i32>} : memref<8x128xf32, #tpu.memory_space<vmem>>, vector<16xf32>,
          %add3A_162 = arith.constant 0 : i32
          %add3A_163 = vector.broadcast %add3A_162 : i32 to vector<16xi32>
          %add3A_164 = arith.addi %get3A_157, %add3A_163 : vector<16xi32>
          tpu.vector_store_idx %arg16[%add3A_164], %get3A_161 {add = true} : memref<20000xf32, #tpu.memory_space<vmem>>[vector<16xi32>], vector<16xf32>,
          %get3A_165 = arith.constant 1 : i32
          %get3A_166 = arith.index_cast %get3A_165 : i32 to index
          %get3A_167 = arith.constant 96 : index
          %get3A_168 = tpu.vector_load %arg15[%get3A_166, %get3A_167] {strides = array<i32>} : memref<8x128xf32, #tpu.memory_space<vmem>>, vector<16xf32>,
          %add3A_169 = arith.constant 10000 : i32
          %add3A_170 = vector.broadcast %add3A_169 : i32 to vector<16xi32>
          %add3A_171 = arith.addi %get3A_157, %add3A_170 : vector<16xi32>
          tpu.vector_store_idx %arg16[%add3A_171], %get3A_168 {add = true} : memref<20000xf32, #tpu.memory_space<vmem>>[vector<16xi32>], vector<16xf32>,
          %get3A_172 = arith.constant 112 : index
          %get3A_173 = tpu.vector_load %arg13[%get3A_172] {strides = array<i32>} : memref<128xi32, #tpu.memory_space<vmem>>, vector<16xi32>,
          %get3A_174 = arith.constant 0 : i32
          %get3A_175 = arith.index_cast %get3A_174 : i32 to index
          %get3A_176 = arith.constant 112 : index
          %get3A_177 = tpu.vector_load %arg15[%get3A_175, %get3A_176] {strides = array<i32>} : memref<8x128xf32, #tpu.memory_space<vmem>>, vector<16xf32>,
          %add3A_178 = arith.constant 0 : i32
          %add3A_179 = vector.broadcast %add3A_178 : i32 to vector<16xi32>
          %add3A_180 = arith.addi %get3A_173, %add3A_179 : vector<16xi32>
          tpu.vector_store_idx %arg16[%add3A_180], %get3A_177 {add = true} : memref<20000xf32, #tpu.memory_space<vmem>>[vector<16xi32>], vector<16xf32>,
          %get3A_181 = arith.constant 1 : i32
          %get3A_182 = arith.index_cast %get3A_181 : i32 to index
          %get3A_183 = arith.constant 112 : index
          %get3A_184 = tpu.vector_load %arg15[%get3A_182, %get3A_183] {strides = array<i32>} : memref<8x128xf32, #tpu.memory_space<vmem>>, vector<16xf32>,
          %add3A_185 = arith.constant 10000 : i32
          %add3A_186 = vector.broadcast %add3A_185 : i32 to vector<16xi32>
          %add3A_187 = arith.addi %get3A_173, %add3A_186 : vector<16xi32>
          tpu.vector_store_idx %arg16[%add3A_187], %get3A_184 {add = true} : memref<20000xf32, #tpu.memory_space<vmem>>[vector<16xi32>], vector<16xf32>,
        } else {
        }
      }
      %scan3A_32 = arith.constant 79 : i32
      %add3A = arith.constant 0 : i32
      %add3A_33 = arith.addi %add3A, %arg1 : i32
      %mul3A_34 = arith.constant 2 : i32
      %mul3A_35 = arith.muli %add3A_33, %mul3A_34 : i32
      %mul3A_36 = arith.constant 10000 : i32
      %mul3A_37 = arith.muli %mul3A_35, %mul3A_36 : i32
      "tpu.region"() ({
        %run_scoped3A = tpu.sem_alloc : memref<!tpu.dma_semaphore, #tpu.memory_space<semaphore_mem>>
        %dma_start3A = tpu.memref_slice %arg11[%mul3A_37] : memref<640000xf32, #tpu.memory_space<hbm>> -> memref<20000xf32, #tpu.memory_space<hbm>>
        %dma_start3A_50 = tpu.memref_slice %arg11[%mul3A_37] : memref<640000xf32, #tpu.memory_space<hbm>> -> memref<20000xf32, #tpu.memory_space<hbm>>
        tpu.enqueue_dma source(%arg16 : memref<20000xf32, #tpu.memory_space<vmem>>) target(%dma_start3A_50 : memref<20000xf32, #tpu.memory_space<hbm>>) target_semaphore(%run_scoped3A : memref<!tpu.dma_semaphore, #tpu.memory_space<semaphore_mem>>)
        %dma_wait3A = tpu.memref_slice %arg11[%mul3A_37] : memref<640000xf32, #tpu.memory_space<hbm>> -> memref<20000xf32, #tpu.memory_space<hbm>>
        %dma_wait3A_51 = tpu.memref_slice %arg11[%mul3A_37] : memref<640000xf32, #tpu.memory_space<hbm>> -> memref<20000xf32, #tpu.memory_space<hbm>>
        tpu.wait_dma2 semaphore(%run_scoped3A : memref<!tpu.dma_semaphore, #tpu.memory_space<semaphore_mem>>) src(%arg16 : memref<20000xf32, #tpu.memory_space<vmem>>) dst(%dma_wait3A_51 : memref<20000xf32, #tpu.memory_space<hbm>>)
        tpu.yield
      }) : () -> ()
      "tpu.region"() ({
        %run_scoped3A = tpu.sem_alloc : memref<!tpu.dma_semaphore, #tpu.memory_space<semaphore_mem>>
        tpu.enqueue_dma source(%arg8 : memref<20000xf32, #tpu.memory_space<hbm>>) target(%arg16 : memref<20000xf32, #tpu.memory_space<vmem>>) target_semaphore(%run_scoped3A : memref<!tpu.dma_semaphore, #tpu.memory_space<semaphore_mem>>)
        tpu.wait_dma2 semaphore(%run_scoped3A : memref<!tpu.dma_semaphore, #tpu.memory_space<semaphore_mem>>) src(%arg8 : memref<20000xf32, #tpu.memory_space<hbm>>) dst(%arg16 : memref<20000xf32, #tpu.memory_space<vmem>>)
        tpu.yield
      }) : () -> ()
      %scan3A_38 = arith.constant 0 : i32
      %scan3A_39 = arith.constant 0 : i32
      %scan3A_40 = arith.constant 79 : i32
      %scan3A_41 = arith.addi %scan3A_39, %scan3A_40 : i32
      %scan3A_42 = arith.constant 1 : i32
      scf.for %scan3A_50 = %scan3A_39 to %scan3A_41 step %scan3A_42  : i32 {
        %mul3A_51 = arith.constant 16 : i32
        %mul3A_52 = arith.muli %scan3A_50, %mul3A_51 : i32
        %add3A_53 = arith.addi %mul3A_52, %arg1 : i32
        %lt3A_54 = arith.constant 1250 : i32
        %lt3A_55 = arith.cmpi slt, %add3A_53, %lt3A_54 : i32
        %convert_element_type3A_56 = arith.extui %lt3A_55 : i1 to i32
        %cond3A_57 = arith.constant 0 : i32
        %cond3A_58 = arith.cmpi ne, %convert_element_type3A_56, %cond3A_57 : i32
        scf.if %cond3A_58 {
          %mul3A_59 = arith.constant 128 : i32
          %mul3A_60 = arith.muli %add3A_53, %mul3A_59 : i32
          "tpu.region"() ({
            %run_scoped3A = tpu.sem_alloc : memref<!tpu.dma_semaphore, #tpu.memory_space<semaphore_mem>>
            %dma_start3A = tpu.memref_slice %arg5[%mul3A_60] : memref<160000xi32, #tpu.memory_space<hbm>> -> memref<128xi32, #tpu.memory_space<hbm>>
            %dma_start3A_188 = tpu.memref_slice %arg5[%mul3A_60] : memref<160000xi32, #tpu.memory_space<hbm>> -> memref<128xi32, #tpu.memory_space<hbm>>
            tpu.enqueue_dma source(%dma_start3A_188 : memref<128xi32, #tpu.memory_space<hbm>>) target(%arg13 : memref<128xi32, #tpu.memory_space<vmem>>) target_semaphore(%run_scoped3A : memref<!tpu.dma_semaphore, #tpu.memory_space<semaphore_mem>>)
            %dma_wait3A = tpu.memref_slice %arg5[%mul3A_60] : memref<160000xi32, #tpu.memory_space<hbm>> -> memref<128xi32, #tpu.memory_space<hbm>>
            %dma_wait3A_189 = tpu.memref_slice %arg5[%mul3A_60] : memref<160000xi32, #tpu.memory_space<hbm>> -> memref<128xi32, #tpu.memory_space<hbm>>
            tpu.wait_dma2 semaphore(%run_scoped3A : memref<!tpu.dma_semaphore, #tpu.memory_space<semaphore_mem>>) src(%dma_wait3A_189 : memref<128xi32, #tpu.memory_space<hbm>>) dst(%arg13 : memref<128xi32, #tpu.memory_space<vmem>>)
            tpu.yield
          }) : () -> ()
          "tpu.region"() ({
            %run_scoped3A = tpu.sem_alloc : memref<!tpu.dma_semaphore, #tpu.memory_space<semaphore_mem>>
            %dma_start3A = arith.constant 0 : i32
            %dma_start3A_188 = tpu.memref_slice %arg4[%dma_start3A, %mul3A_60] : memref<8x160000xf32, #tpu.memory_space<hbm>> -> memref<8x128xf32, #tpu.memory_space<hbm>>
            %dma_start3A_189 = arith.constant 0 : i32
            %dma_start3A_190 = tpu.memref_slice %arg4[%dma_start3A_189, %mul3A_60] : memref<8x160000xf32, #tpu.memory_space<hbm>> -> memref<8x128xf32, #tpu.memory_space<hbm>>
            tpu.enqueue_dma source(%dma_start3A_190 : memref<8x128xf32, #tpu.memory_space<hbm>>) target(%arg15 : memref<8x128xf32, #tpu.memory_space<vmem>>) target_semaphore(%run_scoped3A : memref<!tpu.dma_semaphore, #tpu.memory_space<semaphore_mem>>)
            %dma_wait3A = arith.constant 0 : i32
            %dma_wait3A_191 = tpu.memref_slice %arg4[%dma_wait3A, %mul3A_60] : memref<8x160000xf32, #tpu.memory_space<hbm>> -> memref<8x128xf32, #tpu.memory_space<hbm>>
            %dma_wait3A_192 = arith.constant 0 : i32
            %dma_wait3A_193 = tpu.memref_slice %arg4[%dma_wait3A_192, %mul3A_60] : memref<8x160000xf32, #tpu.memory_space<hbm>> -> memref<8x128xf32, #tpu.memory_space<hbm>>
            tpu.wait_dma2 semaphore(%run_scoped3A : memref<!tpu.dma_semaphore, #tpu.memory_space<semaphore_mem>>) src(%dma_wait3A_193 : memref<8x128xf32, #tpu.memory_space<hbm>>) dst(%arg15 : memref<8x128xf32, #tpu.memory_space<vmem>>)
            tpu.yield
          }) : () -> ()
          %get3A = arith.constant 0 : index
          %get3A_61 = tpu.vector_load %arg13[%get3A] {strides = array<i32>} : memref<128xi32, #tpu.memory_space<vmem>>, vector<16xi32>,
          %get3A_62 = arith.constant 2 : i32
          %get3A_63 = arith.index_cast %get3A_62 : i32 to index
          %get3A_64 = arith.constant 0 : index
          %get3A_65 = tpu.vector_load %arg15[%get3A_63, %get3A_64] {strides = array<i32>} : memref<8x128xf32, #tpu.memory_space<vmem>>, vector<16xf32>,
          %add3A_66 = arith.constant 0 : i32
          %add3A_67 = vector.broadcast %add3A_66 : i32 to vector<16xi32>
          %add3A_68 = arith.addi %get3A_61, %add3A_67 : vector<16xi32>
          tpu.vector_store_idx %arg16[%add3A_68], %get3A_65 {add = true} : memref<20000xf32, #tpu.memory_space<vmem>>[vector<16xi32>], vector<16xf32>,
          %get3A_69 = arith.constant 3 : i32
          %get3A_70 = arith.index_cast %get3A_69 : i32 to index
          %get3A_71 = arith.constant 0 : index
          %get3A_72 = tpu.vector_load %arg15[%get3A_70, %get3A_71] {strides = array<i32>} : memref<8x128xf32, #tpu.memory_space<vmem>>, vector<16xf32>,
          %add3A_73 = arith.constant 10000 : i32
          %add3A_74 = vector.broadcast %add3A_73 : i32 to vector<16xi32>
          %add3A_75 = arith.addi %get3A_61, %add3A_74 : vector<16xi32>
          tpu.vector_store_idx %arg16[%add3A_75], %get3A_72 {add = true} : memref<20000xf32, #tpu.memory_space<vmem>>[vector<16xi32>], vector<16xf32>,
          %get3A_76 = arith.constant 16 : index
          %get3A_77 = tpu.vector_load %arg13[%get3A_76] {strides = array<i32>} : memref<128xi32, #tpu.memory_space<vmem>>, vector<16xi32>,
          %get3A_78 = arith.constant 2 : i32
          %get3A_79 = arith.index_cast %get3A_78 : i32 to index
          %get3A_80 = arith.constant 16 : index
          %get3A_81 = tpu.vector_load %arg15[%get3A_79, %get3A_80] {strides = array<i32>} : memref<8x128xf32, #tpu.memory_space<vmem>>, vector<16xf32>,
          %add3A_82 = arith.constant 0 : i32
          %add3A_83 = vector.broadcast %add3A_82 : i32 to vector<16xi32>
          %add3A_84 = arith.addi %get3A_77, %add3A_83 : vector<16xi32>
          tpu.vector_store_idx %arg16[%add3A_84], %get3A_81 {add = true} : memref<20000xf32, #tpu.memory_space<vmem>>[vector<16xi32>], vector<16xf32>,
          %get3A_85 = arith.constant 3 : i32
          %get3A_86 = arith.index_cast %get3A_85 : i32 to index
          %get3A_87 = arith.constant 16 : index
          %get3A_88 = tpu.vector_load %arg15[%get3A_86, %get3A_87] {strides = array<i32>} : memref<8x128xf32, #tpu.memory_space<vmem>>, vector<16xf32>,
          %add3A_89 = arith.constant 10000 : i32
          %add3A_90 = vector.broadcast %add3A_89 : i32 to vector<16xi32>
          %add3A_91 = arith.addi %get3A_77, %add3A_90 : vector<16xi32>
          tpu.vector_store_idx %arg16[%add3A_91], %get3A_88 {add = true} : memref<20000xf32, #tpu.memory_space<vmem>>[vector<16xi32>], vector<16xf32>,
          %get3A_92 = arith.constant 32 : index
          %get3A_93 = tpu.vector_load %arg13[%get3A_92] {strides = array<i32>} : memref<128xi32, #tpu.memory_space<vmem>>, vector<16xi32>,
          %get3A_94 = arith.constant 2 : i32
          %get3A_95 = arith.index_cast %get3A_94 : i32 to index
          %get3A_96 = arith.constant 32 : index
          %get3A_97 = tpu.vector_load %arg15[%get3A_95, %get3A_96] {strides = array<i32>} : memref<8x128xf32, #tpu.memory_space<vmem>>, vector<16xf32>,
          %add3A_98 = arith.constant 0 : i32
          %add3A_99 = vector.broadcast %add3A_98 : i32 to vector<16xi32>
          %add3A_100 = arith.addi %get3A_93, %add3A_99 : vector<16xi32>
          tpu.vector_store_idx %arg16[%add3A_100], %get3A_97 {add = true} : memref<20000xf32, #tpu.memory_space<vmem>>[vector<16xi32>], vector<16xf32>,
          %get3A_101 = arith.constant 3 : i32
          %get3A_102 = arith.index_cast %get3A_101 : i32 to index
          %get3A_103 = arith.constant 32 : index
          %get3A_104 = tpu.vector_load %arg15[%get3A_102, %get3A_103] {strides = array<i32>} : memref<8x128xf32, #tpu.memory_space<vmem>>, vector<16xf32>,
          %add3A_105 = arith.constant 10000 : i32
          %add3A_106 = vector.broadcast %add3A_105 : i32 to vector<16xi32>
          %add3A_107 = arith.addi %get3A_93, %add3A_106 : vector<16xi32>
          tpu.vector_store_idx %arg16[%add3A_107], %get3A_104 {add = true} : memref<20000xf32, #tpu.memory_space<vmem>>[vector<16xi32>], vector<16xf32>,
          %get3A_108 = arith.constant 48 : index
          %get3A_109 = tpu.vector_load %arg13[%get3A_108] {strides = array<i32>} : memref<128xi32, #tpu.memory_space<vmem>>, vector<16xi32>,
          %get3A_110 = arith.constant 2 : i32
          %get3A_111 = arith.index_cast %get3A_110 : i32 to index
          %get3A_112 = arith.constant 48 : index
          %get3A_113 = tpu.vector_load %arg15[%get3A_111, %get3A_112] {strides = array<i32>} : memref<8x128xf32, #tpu.memory_space<vmem>>, vector<16xf32>,
          %add3A_114 = arith.constant 0 : i32
          %add3A_115 = vector.broadcast %add3A_114 : i32 to vector<16xi32>
          %add3A_116 = arith.addi %get3A_109, %add3A_115 : vector<16xi32>
          tpu.vector_store_idx %arg16[%add3A_116], %get3A_113 {add = true} : memref<20000xf32, #tpu.memory_space<vmem>>[vector<16xi32>], vector<16xf32>,
          %get3A_117 = arith.constant 3 : i32
          %get3A_118 = arith.index_cast %get3A_117 : i32 to index
          %get3A_119 = arith.constant 48 : index
          %get3A_120 = tpu.vector_load %arg15[%get3A_118, %get3A_119] {strides = array<i32>} : memref<8x128xf32, #tpu.memory_space<vmem>>, vector<16xf32>,
          %add3A_121 = arith.constant 10000 : i32
          %add3A_122 = vector.broadcast %add3A_121 : i32 to vector<16xi32>
          %add3A_123 = arith.addi %get3A_109, %add3A_122 : vector<16xi32>
          tpu.vector_store_idx %arg16[%add3A_123], %get3A_120 {add = true} : memref<20000xf32, #tpu.memory_space<vmem>>[vector<16xi32>], vector<16xf32>,
          %get3A_124 = arith.constant 64 : index
          %get3A_125 = tpu.vector_load %arg13[%get3A_124] {strides = array<i32>} : memref<128xi32, #tpu.memory_space<vmem>>, vector<16xi32>,
          %get3A_126 = arith.constant 2 : i32
          %get3A_127 = arith.index_cast %get3A_126 : i32 to index
          %get3A_128 = arith.constant 64 : index
          %get3A_129 = tpu.vector_load %arg15[%get3A_127, %get3A_128] {strides = array<i32>} : memref<8x128xf32, #tpu.memory_space<vmem>>, vector<16xf32>,
          %add3A_130 = arith.constant 0 : i32
          %add3A_131 = vector.broadcast %add3A_130 : i32 to vector<16xi32>
          %add3A_132 = arith.addi %get3A_125, %add3A_131 : vector<16xi32>
          tpu.vector_store_idx %arg16[%add3A_132], %get3A_129 {add = true} : memref<20000xf32, #tpu.memory_space<vmem>>[vector<16xi32>], vector<16xf32>,
          %get3A_133 = arith.constant 3 : i32
          %get3A_134 = arith.index_cast %get3A_133 : i32 to index
          %get3A_135 = arith.constant 64 : index
          %get3A_136 = tpu.vector_load %arg15[%get3A_134, %get3A_135] {strides = array<i32>} : memref<8x128xf32, #tpu.memory_space<vmem>>, vector<16xf32>,
          %add3A_137 = arith.constant 10000 : i32
          %add3A_138 = vector.broadcast %add3A_137 : i32 to vector<16xi32>
          %add3A_139 = arith.addi %get3A_125, %add3A_138 : vector<16xi32>
          tpu.vector_store_idx %arg16[%add3A_139], %get3A_136 {add = true} : memref<20000xf32, #tpu.memory_space<vmem>>[vector<16xi32>], vector<16xf32>,
          %get3A_140 = arith.constant 80 : index
          %get3A_141 = tpu.vector_load %arg13[%get3A_140] {strides = array<i32>} : memref<128xi32, #tpu.memory_space<vmem>>, vector<16xi32>,
          %get3A_142 = arith.constant 2 : i32
          %get3A_143 = arith.index_cast %get3A_142 : i32 to index
          %get3A_144 = arith.constant 80 : index
          %get3A_145 = tpu.vector_load %arg15[%get3A_143, %get3A_144] {strides = array<i32>} : memref<8x128xf32, #tpu.memory_space<vmem>>, vector<16xf32>,
          %add3A_146 = arith.constant 0 : i32
          %add3A_147 = vector.broadcast %add3A_146 : i32 to vector<16xi32>
          %add3A_148 = arith.addi %get3A_141, %add3A_147 : vector<16xi32>
          tpu.vector_store_idx %arg16[%add3A_148], %get3A_145 {add = true} : memref<20000xf32, #tpu.memory_space<vmem>>[vector<16xi32>], vector<16xf32>,
          %get3A_149 = arith.constant 3 : i32
          %get3A_150 = arith.index_cast %get3A_149 : i32 to index
          %get3A_151 = arith.constant 80 : index
          %get3A_152 = tpu.vector_load %arg15[%get3A_150, %get3A_151] {strides = array<i32>} : memref<8x128xf32, #tpu.memory_space<vmem>>, vector<16xf32>,
          %add3A_153 = arith.constant 10000 : i32
          %add3A_154 = vector.broadcast %add3A_153 : i32 to vector<16xi32>
          %add3A_155 = arith.addi %get3A_141, %add3A_154 : vector<16xi32>
          tpu.vector_store_idx %arg16[%add3A_155], %get3A_152 {add = true} : memref<20000xf32, #tpu.memory_space<vmem>>[vector<16xi32>], vector<16xf32>,
          %get3A_156 = arith.constant 96 : index
          %get3A_157 = tpu.vector_load %arg13[%get3A_156] {strides = array<i32>} : memref<128xi32, #tpu.memory_space<vmem>>, vector<16xi32>,
          %get3A_158 = arith.constant 2 : i32
          %get3A_159 = arith.index_cast %get3A_158 : i32 to index
          %get3A_160 = arith.constant 96 : index
          %get3A_161 = tpu.vector_load %arg15[%get3A_159, %get3A_160] {strides = array<i32>} : memref<8x128xf32, #tpu.memory_space<vmem>>, vector<16xf32>,
          %add3A_162 = arith.constant 0 : i32
          %add3A_163 = vector.broadcast %add3A_162 : i32 to vector<16xi32>
          %add3A_164 = arith.addi %get3A_157, %add3A_163 : vector<16xi32>
          tpu.vector_store_idx %arg16[%add3A_164], %get3A_161 {add = true} : memref<20000xf32, #tpu.memory_space<vmem>>[vector<16xi32>], vector<16xf32>,
          %get3A_165 = arith.constant 3 : i32
          %get3A_166 = arith.index_cast %get3A_165 : i32 to index
          %get3A_167 = arith.constant 96 : index
          %get3A_168 = tpu.vector_load %arg15[%get3A_166, %get3A_167] {strides = array<i32>} : memref<8x128xf32, #tpu.memory_space<vmem>>, vector<16xf32>,
          %add3A_169 = arith.constant 10000 : i32
          %add3A_170 = vector.broadcast %add3A_169 : i32 to vector<16xi32>
          %add3A_171 = arith.addi %get3A_157, %add3A_170 : vector<16xi32>
          tpu.vector_store_idx %arg16[%add3A_171], %get3A_168 {add = true} : memref<20000xf32, #tpu.memory_space<vmem>>[vector<16xi32>], vector<16xf32>,
          %get3A_172 = arith.constant 112 : index
          %get3A_173 = tpu.vector_load %arg13[%get3A_172] {strides = array<i32>} : memref<128xi32, #tpu.memory_space<vmem>>, vector<16xi32>,
          %get3A_174 = arith.constant 2 : i32
          %get3A_175 = arith.index_cast %get3A_174 : i32 to index
          %get3A_176 = arith.constant 112 : index
          %get3A_177 = tpu.vector_load %arg15[%get3A_175, %get3A_176] {strides = array<i32>} : memref<8x128xf32, #tpu.memory_space<vmem>>, vector<16xf32>,
          %add3A_178 = arith.constant 0 : i32
          %add3A_179 = vector.broadcast %add3A_178 : i32 to vector<16xi32>
          %add3A_180 = arith.addi %get3A_173, %add3A_179 : vector<16xi32>
          tpu.vector_store_idx %arg16[%add3A_180], %get3A_177 {add = true} : memref<20000xf32, #tpu.memory_space<vmem>>[vector<16xi32>], vector<16xf32>,
          %get3A_181 = arith.constant 3 : i32
          %get3A_182 = arith.index_cast %get3A_181 : i32 to index
          %get3A_183 = arith.constant 112 : index
          %get3A_184 = tpu.vector_load %arg15[%get3A_182, %get3A_183] {strides = array<i32>} : memref<8x128xf32, #tpu.memory_space<vmem>>, vector<16xf32>,
          %add3A_185 = arith.constant 10000 : i32
          %add3A_186 = vector.broadcast %add3A_185 : i32 to vector<16xi32>
          %add3A_187 = arith.addi %get3A_173, %add3A_186 : vector<16xi32>
          tpu.vector_store_idx %arg16[%add3A_187], %get3A_184 {add = true} : memref<20000xf32, #tpu.memory_space<vmem>>[vector<16xi32>], vector<16xf32>,
        } else {
        }
      }
      %scan3A_43 = arith.constant 79 : i32
      %add3A_44 = arith.constant 16 : i32
      %add3A_45 = arith.addi %add3A_44, %arg1 : i32
      %mul3A_46 = arith.constant 2 : i32
      %mul3A_47 = arith.muli %add3A_45, %mul3A_46 : i32
      %mul3A_48 = arith.constant 10000 : i32
      %mul3A_49 = arith.muli %mul3A_47, %mul3A_48 : i32
      "tpu.region"() ({
        %run_scoped3A = tpu.sem_alloc : memref<!tpu.dma_semaphore, #tpu.memory_space<semaphore_mem>>
        %dma_start3A = tpu.memref_slice %arg11[%mul3A_49] : memref<640000xf32, #tpu.memory_space<hbm>> -> memref<20000xf32, #tpu.memory_space<hbm>>
        %dma_start3A_50 = tpu.memref_slice %arg11[%mul3A_49] : memref<640000xf32, #tpu.memory_space<hbm>> -> memref<20000xf32, #tpu.memory_space<hbm>>
        tpu.enqueue_dma source(%arg16 : memref<20000xf32, #tpu.memory_space<vmem>>) target(%dma_start3A_50 : memref<20000xf32, #tpu.memory_space<hbm>>) target_semaphore(%run_scoped3A : memref<!tpu.dma_semaphore, #tpu.memory_space<semaphore_mem>>)
        %dma_wait3A = tpu.memref_slice %arg11[%mul3A_49] : memref<640000xf32, #tpu.memory_space<hbm>> -> memref<20000xf32, #tpu.memory_space<hbm>>
        %dma_wait3A_51 = tpu.memref_slice %arg11[%mul3A_49] : memref<640000xf32, #tpu.memory_space<hbm>> -> memref<20000xf32, #tpu.memory_space<hbm>>
        tpu.wait_dma2 semaphore(%run_scoped3A : memref<!tpu.dma_semaphore, #tpu.memory_space<semaphore_mem>>) src(%arg16 : memref<20000xf32, #tpu.memory_space<vmem>>) dst(%dma_wait3A_51 : memref<20000xf32, #tpu.memory_space<hbm>>)
        tpu.yield
      }) : () -> ()
    } else {
    }
    %eq3A_12 = arith.constant 1 : i32
    %eq3A_13 = arith.cmpi eq, %arg0, %eq3A_12 : i32
    %convert_element_type3A_14 = arith.extui %eq3A_13 : i1 to i32
    %cond3A_15 = arith.constant 0 : i32
    %cond3A_16 = arith.cmpi ne, %convert_element_type3A_14, %cond3A_15 : i32
    scf.if %cond3A_16 {
      "tpu.region"() ({
        %run_scoped3A = tpu.sem_alloc : memref<!tpu.dma_semaphore, #tpu.memory_space<semaphore_mem>>
        tpu.enqueue_dma source(%arg8 : memref<20000xf32, #tpu.memory_space<hbm>>) target(%arg16 : memref<20000xf32, #tpu.memory_space<vmem>>) target_semaphore(%run_scoped3A : memref<!tpu.dma_semaphore, #tpu.memory_space<semaphore_mem>>)
        tpu.wait_dma2 semaphore(%run_scoped3A : memref<!tpu.dma_semaphore, #tpu.memory_space<semaphore_mem>>) src(%arg8 : memref<20000xf32, #tpu.memory_space<hbm>>) dst(%arg16 : memref<20000xf32, #tpu.memory_space<vmem>>)
        tpu.yield
      }) : () -> ()
      %scan3A = arith.constant 0 : i32
      %scan3A_28 = arith.constant 0 : i32
      %scan3A_29 = arith.constant 79 : i32
      %scan3A_30 = arith.addi %scan3A_28, %scan3A_29 : i32
      %scan3A_31 = arith.constant 1 : i32
      scf.for %scan3A_50 = %scan3A_28 to %scan3A_30 step %scan3A_31  : i32 {
        %mul3A_51 = arith.constant 16 : i32
        %mul3A_52 = arith.muli %scan3A_50, %mul3A_51 : i32
        %add3A_53 = arith.addi %mul3A_52, %arg1 : i32
        %lt3A_54 = arith.constant 1250 : i32
        %lt3A_55 = arith.cmpi slt, %add3A_53, %lt3A_54 : i32
        %convert_element_type3A_56 = arith.extui %lt3A_55 : i1 to i32
        %cond3A_57 = arith.constant 0 : i32
        %cond3A_58 = arith.cmpi ne, %convert_element_type3A_56, %cond3A_57 : i32
        scf.if %cond3A_58 {
          %mul3A_59 = arith.constant 128 : i32
          %mul3A_60 = arith.muli %add3A_53, %mul3A_59 : i32
          "tpu.region"() ({
            %run_scoped3A = tpu.sem_alloc : memref<!tpu.dma_semaphore, #tpu.memory_space<semaphore_mem>>
            %dma_start3A = tpu.memref_slice %arg6[%mul3A_60] : memref<160000xi32, #tpu.memory_space<hbm>> -> memref<128xi32, #tpu.memory_space<hbm>>
            %dma_start3A_188 = tpu.memref_slice %arg6[%mul3A_60] : memref<160000xi32, #tpu.memory_space<hbm>> -> memref<128xi32, #tpu.memory_space<hbm>>
            tpu.enqueue_dma source(%dma_start3A_188 : memref<128xi32, #tpu.memory_space<hbm>>) target(%arg13 : memref<128xi32, #tpu.memory_space<vmem>>) target_semaphore(%run_scoped3A : memref<!tpu.dma_semaphore, #tpu.memory_space<semaphore_mem>>)
            %dma_wait3A = tpu.memref_slice %arg6[%mul3A_60] : memref<160000xi32, #tpu.memory_space<hbm>> -> memref<128xi32, #tpu.memory_space<hbm>>
            %dma_wait3A_189 = tpu.memref_slice %arg6[%mul3A_60] : memref<160000xi32, #tpu.memory_space<hbm>> -> memref<128xi32, #tpu.memory_space<hbm>>
            tpu.wait_dma2 semaphore(%run_scoped3A : memref<!tpu.dma_semaphore, #tpu.memory_space<semaphore_mem>>) src(%dma_wait3A_189 : memref<128xi32, #tpu.memory_space<hbm>>) dst(%arg13 : memref<128xi32, #tpu.memory_space<vmem>>)
            tpu.yield
          }) : () -> ()
          "tpu.region"() ({
            %run_scoped3A = tpu.sem_alloc : memref<!tpu.dma_semaphore, #tpu.memory_space<semaphore_mem>>
            %dma_start3A = arith.constant 0 : i32
            %dma_start3A_188 = tpu.memref_slice %arg4[%dma_start3A, %mul3A_60] : memref<8x160000xf32, #tpu.memory_space<hbm>> -> memref<8x128xf32, #tpu.memory_space<hbm>>
            %dma_start3A_189 = arith.constant 0 : i32
            %dma_start3A_190 = tpu.memref_slice %arg4[%dma_start3A_189, %mul3A_60] : memref<8x160000xf32, #tpu.memory_space<hbm>> -> memref<8x128xf32, #tpu.memory_space<hbm>>
            tpu.enqueue_dma source(%dma_start3A_190 : memref<8x128xf32, #tpu.memory_space<hbm>>) target(%arg15 : memref<8x128xf32, #tpu.memory_space<vmem>>) target_semaphore(%run_scoped3A : memref<!tpu.dma_semaphore, #tpu.memory_space<semaphore_mem>>)
            %dma_wait3A = arith.constant 0 : i32
            %dma_wait3A_191 = tpu.memref_slice %arg4[%dma_wait3A, %mul3A_60] : memref<8x160000xf32, #tpu.memory_space<hbm>> -> memref<8x128xf32, #tpu.memory_space<hbm>>
            %dma_wait3A_192 = arith.constant 0 : i32
            %dma_wait3A_193 = tpu.memref_slice %arg4[%dma_wait3A_192, %mul3A_60] : memref<8x160000xf32, #tpu.memory_space<hbm>> -> memref<8x128xf32, #tpu.memory_space<hbm>>
            tpu.wait_dma2 semaphore(%run_scoped3A : memref<!tpu.dma_semaphore, #tpu.memory_space<semaphore_mem>>) src(%dma_wait3A_193 : memref<8x128xf32, #tpu.memory_space<hbm>>) dst(%arg15 : memref<8x128xf32, #tpu.memory_space<vmem>>)
            tpu.yield
          }) : () -> ()
          "tpu.region"() ({
            %run_scoped3A = tpu.sem_alloc : memref<!tpu.dma_semaphore, #tpu.memory_space<semaphore_mem>>
            %dma_start3A = arith.constant 0 : i32
            %dma_start3A_188 = tpu.memref_slice %arg3[%mul3A_60, %dma_start3A] : memref<160000x128xf32, #tpu.memory_space<hbm>> -> memref<128x128xf32, #tpu.memory_space<hbm>>
            %dma_start3A_189 = arith.constant 0 : i32
            %dma_start3A_190 = tpu.memref_slice %arg3[%mul3A_60, %dma_start3A_189] : memref<160000x128xf32, #tpu.memory_space<hbm>> -> memref<128x128xf32, #tpu.memory_space<hbm>>
            tpu.enqueue_dma source(%dma_start3A_190 : memref<128x128xf32, #tpu.memory_space<hbm>>) target(%arg14 : memref<128x128xf32, #tpu.memory_space<vmem>>) target_semaphore(%run_scoped3A : memref<!tpu.dma_semaphore, #tpu.memory_space<semaphore_mem>>)
            %dma_wait3A = arith.constant 0 : i32
            %dma_wait3A_191 = tpu.memref_slice %arg3[%mul3A_60, %dma_wait3A] : memref<160000x128xf32, #tpu.memory_space<hbm>> -> memref<128x128xf32, #tpu.memory_space<hbm>>
            %dma_wait3A_192 = arith.constant 0 : i32
            %dma_wait3A_193 = tpu.memref_slice %arg3[%mul3A_60, %dma_wait3A_192] : memref<160000x128xf32, #tpu.memory_space<hbm>> -> memref<128x128xf32, #tpu.memory_space<hbm>>
            tpu.wait_dma2 semaphore(%run_scoped3A : memref<!tpu.dma_semaphore, #tpu.memory_space<semaphore_mem>>) src(%dma_wait3A_193 : memref<128x128xf32, #tpu.memory_space<hbm>>) dst(%arg14 : memref<128x128xf32, #tpu.memory_space<vmem>>)
            tpu.yield
          }) : () -> ()
          "tpu.region"() ({
            %run_scoped3A = tpu.sem_alloc : memref<!tpu.dma_semaphore, #tpu.memory_space<semaphore_mem>>
            %dma_start3A = arith.constant 0 : i32
            %dma_start3A_188 = arith.constant 0 : i32
            %dma_start3A_189 = tpu.memref_slice %arg17[%dma_start3A, %dma_start3A_188] : memref<10000x128xf32, #tpu.memory_space<vmem_shared>> -> memref<10000x128xf32, #tpu.memory_space<vmem_shared>>
            tpu.enqueue_indirect_dma source(%arg14 : memref<128x128xf32, #tpu.memory_space<vmem>>) target(%dma_start3A_189 : memref<10000x128xf32, #tpu.memory_space<vmem_shared>>) offsets(%arg13 : memref<128xi32, #tpu.memory_space<vmem>>) semaphore(%run_scoped3A : memref<!tpu.dma_semaphore, #tpu.memory_space<semaphore_mem>>) {add = true}
            %dma_wait3A = arith.constant 0 : i32
            %dma_wait3A_190 = arith.constant 0 : i32
            %dma_wait3A_191 = tpu.memref_slice %arg17[%dma_wait3A, %dma_wait3A_190] : memref<10000x128xf32, #tpu.memory_space<vmem_shared>> -> memref<10000x128xf32, #tpu.memory_space<vmem_shared>>
            tpu.wait_indirect_dma semaphore(%run_scoped3A : memref<!tpu.dma_semaphore, #tpu.memory_space<semaphore_mem>>) src(%arg14 : memref<128x128xf32, #tpu.memory_space<vmem>>) dst(%dma_wait3A_191 : memref<10000x128xf32, #tpu.memory_space<vmem_shared>>)
            tpu.yield
          }) : () -> ()
          %get3A = arith.constant 0 : index
          %get3A_61 = tpu.vector_load %arg13[%get3A] {strides = array<i32>} : memref<128xi32, #tpu.memory_space<vmem>>, vector<16xi32>,
          %get3A_62 = arith.constant 4 : i32
          %get3A_63 = arith.index_cast %get3A_62 : i32 to index
          %get3A_64 = arith.constant 0 : index
          %get3A_65 = tpu.vector_load %arg15[%get3A_63, %get3A_64] {strides = array<i32>} : memref<8x128xf32, #tpu.memory_space<vmem>>, vector<16xf32>,
          %add3A_66 = arith.constant 0 : i32
          %add3A_67 = vector.broadcast %add3A_66 : i32 to vector<16xi32>
          %add3A_68 = arith.addi %get3A_61, %add3A_67 : vector<16xi32>
          tpu.vector_store_idx %arg16[%add3A_68], %get3A_65 {add = true} : memref<20000xf32, #tpu.memory_space<vmem>>[vector<16xi32>], vector<16xf32>,
          %get3A_69 = arith.constant 5 : i32
          %get3A_70 = arith.index_cast %get3A_69 : i32 to index
          %get3A_71 = arith.constant 0 : index
          %get3A_72 = tpu.vector_load %arg15[%get3A_70, %get3A_71] {strides = array<i32>} : memref<8x128xf32, #tpu.memory_space<vmem>>, vector<16xf32>,
          %add3A_73 = arith.constant 10000 : i32
          %add3A_74 = vector.broadcast %add3A_73 : i32 to vector<16xi32>
          %add3A_75 = arith.addi %get3A_61, %add3A_74 : vector<16xi32>
          tpu.vector_store_idx %arg16[%add3A_75], %get3A_72 {add = true} : memref<20000xf32, #tpu.memory_space<vmem>>[vector<16xi32>], vector<16xf32>,
          %get3A_76 = arith.constant 16 : index
          %get3A_77 = tpu.vector_load %arg13[%get3A_76] {strides = array<i32>} : memref<128xi32, #tpu.memory_space<vmem>>, vector<16xi32>,
          %get3A_78 = arith.constant 4 : i32
          %get3A_79 = arith.index_cast %get3A_78 : i32 to index
          %get3A_80 = arith.constant 16 : index
          %get3A_81 = tpu.vector_load %arg15[%get3A_79, %get3A_80] {strides = array<i32>} : memref<8x128xf32, #tpu.memory_space<vmem>>, vector<16xf32>,
          %add3A_82 = arith.constant 0 : i32
          %add3A_83 = vector.broadcast %add3A_82 : i32 to vector<16xi32>
          %add3A_84 = arith.addi %get3A_77, %add3A_83 : vector<16xi32>
          tpu.vector_store_idx %arg16[%add3A_84], %get3A_81 {add = true} : memref<20000xf32, #tpu.memory_space<vmem>>[vector<16xi32>], vector<16xf32>,
          %get3A_85 = arith.constant 5 : i32
          %get3A_86 = arith.index_cast %get3A_85 : i32 to index
          %get3A_87 = arith.constant 16 : index
          %get3A_88 = tpu.vector_load %arg15[%get3A_86, %get3A_87] {strides = array<i32>} : memref<8x128xf32, #tpu.memory_space<vmem>>, vector<16xf32>,
          %add3A_89 = arith.constant 10000 : i32
          %add3A_90 = vector.broadcast %add3A_89 : i32 to vector<16xi32>
          %add3A_91 = arith.addi %get3A_77, %add3A_90 : vector<16xi32>
          tpu.vector_store_idx %arg16[%add3A_91], %get3A_88 {add = true} : memref<20000xf32, #tpu.memory_space<vmem>>[vector<16xi32>], vector<16xf32>,
          %get3A_92 = arith.constant 32 : index
          %get3A_93 = tpu.vector_load %arg13[%get3A_92] {strides = array<i32>} : memref<128xi32, #tpu.memory_space<vmem>>, vector<16xi32>,
          %get3A_94 = arith.constant 4 : i32
          %get3A_95 = arith.index_cast %get3A_94 : i32 to index
          %get3A_96 = arith.constant 32 : index
          %get3A_97 = tpu.vector_load %arg15[%get3A_95, %get3A_96] {strides = array<i32>} : memref<8x128xf32, #tpu.memory_space<vmem>>, vector<16xf32>,
          %add3A_98 = arith.constant 0 : i32
          %add3A_99 = vector.broadcast %add3A_98 : i32 to vector<16xi32>
          %add3A_100 = arith.addi %get3A_93, %add3A_99 : vector<16xi32>
          tpu.vector_store_idx %arg16[%add3A_100], %get3A_97 {add = true} : memref<20000xf32, #tpu.memory_space<vmem>>[vector<16xi32>], vector<16xf32>,
          %get3A_101 = arith.constant 5 : i32
          %get3A_102 = arith.index_cast %get3A_101 : i32 to index
          %get3A_103 = arith.constant 32 : index
          %get3A_104 = tpu.vector_load %arg15[%get3A_102, %get3A_103] {strides = array<i32>} : memref<8x128xf32, #tpu.memory_space<vmem>>, vector<16xf32>,
          %add3A_105 = arith.constant 10000 : i32
          %add3A_106 = vector.broadcast %add3A_105 : i32 to vector<16xi32>
          %add3A_107 = arith.addi %get3A_93, %add3A_106 : vector<16xi32>
          tpu.vector_store_idx %arg16[%add3A_107], %get3A_104 {add = true} : memref<20000xf32, #tpu.memory_space<vmem>>[vector<16xi32>], vector<16xf32>,
          %get3A_108 = arith.constant 48 : index
          %get3A_109 = tpu.vector_load %arg13[%get3A_108] {strides = array<i32>} : memref<128xi32, #tpu.memory_space<vmem>>, vector<16xi32>,
          %get3A_110 = arith.constant 4 : i32
          %get3A_111 = arith.index_cast %get3A_110 : i32 to index
          %get3A_112 = arith.constant 48 : index
          %get3A_113 = tpu.vector_load %arg15[%get3A_111, %get3A_112] {strides = array<i32>} : memref<8x128xf32, #tpu.memory_space<vmem>>, vector<16xf32>,
          %add3A_114 = arith.constant 0 : i32
          %add3A_115 = vector.broadcast %add3A_114 : i32 to vector<16xi32>
          %add3A_116 = arith.addi %get3A_109, %add3A_115 : vector<16xi32>
          tpu.vector_store_idx %arg16[%add3A_116], %get3A_113 {add = true} : memref<20000xf32, #tpu.memory_space<vmem>>[vector<16xi32>], vector<16xf32>,
          %get3A_117 = arith.constant 5 : i32
          %get3A_118 = arith.index_cast %get3A_117 : i32 to index
          %get3A_119 = arith.constant 48 : index
          %get3A_120 = tpu.vector_load %arg15[%get3A_118, %get3A_119] {strides = array<i32>} : memref<8x128xf32, #tpu.memory_space<vmem>>, vector<16xf32>,
          %add3A_121 = arith.constant 10000 : i32
          %add3A_122 = vector.broadcast %add3A_121 : i32 to vector<16xi32>
          %add3A_123 = arith.addi %get3A_109, %add3A_122 : vector<16xi32>
          tpu.vector_store_idx %arg16[%add3A_123], %get3A_120 {add = true} : memref<20000xf32, #tpu.memory_space<vmem>>[vector<16xi32>], vector<16xf32>,
          %get3A_124 = arith.constant 64 : index
          %get3A_125 = tpu.vector_load %arg13[%get3A_124] {strides = array<i32>} : memref<128xi32, #tpu.memory_space<vmem>>, vector<16xi32>,
          %get3A_126 = arith.constant 4 : i32
          %get3A_127 = arith.index_cast %get3A_126 : i32 to index
          %get3A_128 = arith.constant 64 : index
          %get3A_129 = tpu.vector_load %arg15[%get3A_127, %get3A_128] {strides = array<i32>} : memref<8x128xf32, #tpu.memory_space<vmem>>, vector<16xf32>,
          %add3A_130 = arith.constant 0 : i32
          %add3A_131 = vector.broadcast %add3A_130 : i32 to vector<16xi32>
          %add3A_132 = arith.addi %get3A_125, %add3A_131 : vector<16xi32>
          tpu.vector_store_idx %arg16[%add3A_132], %get3A_129 {add = true} : memref<20000xf32, #tpu.memory_space<vmem>>[vector<16xi32>], vector<16xf32>,
          %get3A_133 = arith.constant 5 : i32
          %get3A_134 = arith.index_cast %get3A_133 : i32 to index
          %get3A_135 = arith.constant 64 : index
          %get3A_136 = tpu.vector_load %arg15[%get3A_134, %get3A_135] {strides = array<i32>} : memref<8x128xf32, #tpu.memory_space<vmem>>, vector<16xf32>,
          %add3A_137 = arith.constant 10000 : i32
          %add3A_138 = vector.broadcast %add3A_137 : i32 to vector<16xi32>
          %add3A_139 = arith.addi %get3A_125, %add3A_138 : vector<16xi32>
          tpu.vector_store_idx %arg16[%add3A_139], %get3A_136 {add = true} : memref<20000xf32, #tpu.memory_space<vmem>>[vector<16xi32>], vector<16xf32>,
          %get3A_140 = arith.constant 80 : index
          %get3A_141 = tpu.vector_load %arg13[%get3A_140] {strides = array<i32>} : memref<128xi32, #tpu.memory_space<vmem>>, vector<16xi32>,
          %get3A_142 = arith.constant 4 : i32
          %get3A_143 = arith.index_cast %get3A_142 : i32 to index
          %get3A_144 = arith.constant 80 : index
          %get3A_145 = tpu.vector_load %arg15[%get3A_143, %get3A_144] {strides = array<i32>} : memref<8x128xf32, #tpu.memory_space<vmem>>, vector<16xf32>,
          %add3A_146 = arith.constant 0 : i32
          %add3A_147 = vector.broadcast %add3A_146 : i32 to vector<16xi32>
          %add3A_148 = arith.addi %get3A_141, %add3A_147 : vector<16xi32>
          tpu.vector_store_idx %arg16[%add3A_148], %get3A_145 {add = true} : memref<20000xf32, #tpu.memory_space<vmem>>[vector<16xi32>], vector<16xf32>,
          %get3A_149 = arith.constant 5 : i32
          %get3A_150 = arith.index_cast %get3A_149 : i32 to index
          %get3A_151 = arith.constant 80 : index
          %get3A_152 = tpu.vector_load %arg15[%get3A_150, %get3A_151] {strides = array<i32>} : memref<8x128xf32, #tpu.memory_space<vmem>>, vector<16xf32>,
          %add3A_153 = arith.constant 10000 : i32
          %add3A_154 = vector.broadcast %add3A_153 : i32 to vector<16xi32>
          %add3A_155 = arith.addi %get3A_141, %add3A_154 : vector<16xi32>
          tpu.vector_store_idx %arg16[%add3A_155], %get3A_152 {add = true} : memref<20000xf32, #tpu.memory_space<vmem>>[vector<16xi32>], vector<16xf32>,
          %get3A_156 = arith.constant 96 : index
          %get3A_157 = tpu.vector_load %arg13[%get3A_156] {strides = array<i32>} : memref<128xi32, #tpu.memory_space<vmem>>, vector<16xi32>,
          %get3A_158 = arith.constant 4 : i32
          %get3A_159 = arith.index_cast %get3A_158 : i32 to index
          %get3A_160 = arith.constant 96 : index
          %get3A_161 = tpu.vector_load %arg15[%get3A_159, %get3A_160] {strides = array<i32>} : memref<8x128xf32, #tpu.memory_space<vmem>>, vector<16xf32>,
          %add3A_162 = arith.constant 0 : i32
          %add3A_163 = vector.broadcast %add3A_162 : i32 to vector<16xi32>
          %add3A_164 = arith.addi %get3A_157, %add3A_163 : vector<16xi32>
          tpu.vector_store_idx %arg16[%add3A_164], %get3A_161 {add = true} : memref<20000xf32, #tpu.memory_space<vmem>>[vector<16xi32>], vector<16xf32>,
          %get3A_165 = arith.constant 5 : i32
          %get3A_166 = arith.index_cast %get3A_165 : i32 to index
          %get3A_167 = arith.constant 96 : index
          %get3A_168 = tpu.vector_load %arg15[%get3A_166, %get3A_167] {strides = array<i32>} : memref<8x128xf32, #tpu.memory_space<vmem>>, vector<16xf32>,
          %add3A_169 = arith.constant 10000 : i32
          %add3A_170 = vector.broadcast %add3A_169 : i32 to vector<16xi32>
          %add3A_171 = arith.addi %get3A_157, %add3A_170 : vector<16xi32>
          tpu.vector_store_idx %arg16[%add3A_171], %get3A_168 {add = true} : memref<20000xf32, #tpu.memory_space<vmem>>[vector<16xi32>], vector<16xf32>,
          %get3A_172 = arith.constant 112 : index
          %get3A_173 = tpu.vector_load %arg13[%get3A_172] {strides = array<i32>} : memref<128xi32, #tpu.memory_space<vmem>>, vector<16xi32>,
          %get3A_174 = arith.constant 4 : i32
          %get3A_175 = arith.index_cast %get3A_174 : i32 to index
          %get3A_176 = arith.constant 112 : index
          %get3A_177 = tpu.vector_load %arg15[%get3A_175, %get3A_176] {strides = array<i32>} : memref<8x128xf32, #tpu.memory_space<vmem>>, vector<16xf32>,
          %add3A_178 = arith.constant 0 : i32
          %add3A_179 = vector.broadcast %add3A_178 : i32 to vector<16xi32>
          %add3A_180 = arith.addi %get3A_173, %add3A_179 : vector<16xi32>
          tpu.vector_store_idx %arg16[%add3A_180], %get3A_177 {add = true} : memref<20000xf32, #tpu.memory_space<vmem>>[vector<16xi32>], vector<16xf32>,
          %get3A_181 = arith.constant 5 : i32
          %get3A_182 = arith.index_cast %get3A_181 : i32 to index
          %get3A_183 = arith.constant 112 : index
          %get3A_184 = tpu.vector_load %arg15[%get3A_182, %get3A_183] {strides = array<i32>} : memref<8x128xf32, #tpu.memory_space<vmem>>, vector<16xf32>,
          %add3A_185 = arith.constant 10000 : i32
          %add3A_186 = vector.broadcast %add3A_185 : i32 to vector<16xi32>
          %add3A_187 = arith.addi %get3A_173, %add3A_186 : vector<16xi32>
          tpu.vector_store_idx %arg16[%add3A_187], %get3A_184 {add = true} : memref<20000xf32, #tpu.memory_space<vmem>>[vector<16xi32>], vector<16xf32>,
        } else {
        }
      }
      %scan3A_32 = arith.constant 79 : i32
      %add3A = arith.constant 0 : i32
      %add3A_33 = arith.addi %add3A, %arg1 : i32
      %mul3A_34 = arith.constant 2 : i32
      %mul3A_35 = arith.muli %add3A_33, %mul3A_34 : i32
      %mul3A_36 = arith.constant 10000 : i32
      %mul3A_37 = arith.muli %mul3A_35, %mul3A_36 : i32
      "tpu.region"() ({
        %run_scoped3A = tpu.sem_alloc : memref<!tpu.dma_semaphore, #tpu.memory_space<semaphore_mem>>
        %dma_start3A = tpu.memref_slice %arg12[%mul3A_37] : memref<640000xf32, #tpu.memory_space<hbm>> -> memref<20000xf32, #tpu.memory_space<hbm>>
        %dma_start3A_50 = tpu.memref_slice %arg12[%mul3A_37] : memref<640000xf32, #tpu.memory_space<hbm>> -> memref<20000xf32, #tpu.memory_space<hbm>>
        tpu.enqueue_dma source(%arg16 : memref<20000xf32, #tpu.memory_space<vmem>>) target(%dma_start3A_50 : memref<20000xf32, #tpu.memory_space<hbm>>) target_semaphore(%run_scoped3A : memref<!tpu.dma_semaphore, #tpu.memory_space<semaphore_mem>>)
        %dma_wait3A = tpu.memref_slice %arg12[%mul3A_37] : memref<640000xf32, #tpu.memory_space<hbm>> -> memref<20000xf32, #tpu.memory_space<hbm>>
        %dma_wait3A_51 = tpu.memref_slice %arg12[%mul3A_37] : memref<640000xf32, #tpu.memory_space<hbm>> -> memref<20000xf32, #tpu.memory_space<hbm>>
        tpu.wait_dma2 semaphore(%run_scoped3A : memref<!tpu.dma_semaphore, #tpu.memory_space<semaphore_mem>>) src(%arg16 : memref<20000xf32, #tpu.memory_space<vmem>>) dst(%dma_wait3A_51 : memref<20000xf32, #tpu.memory_space<hbm>>)
        tpu.yield
      }) : () -> ()
      "tpu.region"() ({
        %run_scoped3A = tpu.sem_alloc : memref<!tpu.dma_semaphore, #tpu.memory_space<semaphore_mem>>
        tpu.enqueue_dma source(%arg8 : memref<20000xf32, #tpu.memory_space<hbm>>) target(%arg16 : memref<20000xf32, #tpu.memory_space<vmem>>) target_semaphore(%run_scoped3A : memref<!tpu.dma_semaphore, #tpu.memory_space<semaphore_mem>>)
        tpu.wait_dma2 semaphore(%run_scoped3A : memref<!tpu.dma_semaphore, #tpu.memory_space<semaphore_mem>>) src(%arg8 : memref<20000xf32, #tpu.memory_space<hbm>>) dst(%arg16 : memref<20000xf32, #tpu.memory_space<vmem>>)
        tpu.yield
      }) : () -> ()
      %scan3A_38 = arith.constant 0 : i32
      %scan3A_39 = arith.constant 0 : i32
      %scan3A_40 = arith.constant 79 : i32
      %scan3A_41 = arith.addi %scan3A_39, %scan3A_40 : i32
      %scan3A_42 = arith.constant 1 : i32
      scf.for %scan3A_50 = %scan3A_39 to %scan3A_41 step %scan3A_42  : i32 {
        %mul3A_51 = arith.constant 16 : i32
        %mul3A_52 = arith.muli %scan3A_50, %mul3A_51 : i32
        %add3A_53 = arith.addi %mul3A_52, %arg1 : i32
        %lt3A_54 = arith.constant 1250 : i32
        %lt3A_55 = arith.cmpi slt, %add3A_53, %lt3A_54 : i32
        %convert_element_type3A_56 = arith.extui %lt3A_55 : i1 to i32
        %cond3A_57 = arith.constant 0 : i32
        %cond3A_58 = arith.cmpi ne, %convert_element_type3A_56, %cond3A_57 : i32
        scf.if %cond3A_58 {
          %mul3A_59 = arith.constant 128 : i32
          %mul3A_60 = arith.muli %add3A_53, %mul3A_59 : i32
          "tpu.region"() ({
            %run_scoped3A = tpu.sem_alloc : memref<!tpu.dma_semaphore, #tpu.memory_space<semaphore_mem>>
            %dma_start3A = tpu.memref_slice %arg6[%mul3A_60] : memref<160000xi32, #tpu.memory_space<hbm>> -> memref<128xi32, #tpu.memory_space<hbm>>
            %dma_start3A_188 = tpu.memref_slice %arg6[%mul3A_60] : memref<160000xi32, #tpu.memory_space<hbm>> -> memref<128xi32, #tpu.memory_space<hbm>>
            tpu.enqueue_dma source(%dma_start3A_188 : memref<128xi32, #tpu.memory_space<hbm>>) target(%arg13 : memref<128xi32, #tpu.memory_space<vmem>>) target_semaphore(%run_scoped3A : memref<!tpu.dma_semaphore, #tpu.memory_space<semaphore_mem>>)
            %dma_wait3A = tpu.memref_slice %arg6[%mul3A_60] : memref<160000xi32, #tpu.memory_space<hbm>> -> memref<128xi32, #tpu.memory_space<hbm>>
            %dma_wait3A_189 = tpu.memref_slice %arg6[%mul3A_60] : memref<160000xi32, #tpu.memory_space<hbm>> -> memref<128xi32, #tpu.memory_space<hbm>>
            tpu.wait_dma2 semaphore(%run_scoped3A : memref<!tpu.dma_semaphore, #tpu.memory_space<semaphore_mem>>) src(%dma_wait3A_189 : memref<128xi32, #tpu.memory_space<hbm>>) dst(%arg13 : memref<128xi32, #tpu.memory_space<vmem>>)
            tpu.yield
          }) : () -> ()
          "tpu.region"() ({
            %run_scoped3A = tpu.sem_alloc : memref<!tpu.dma_semaphore, #tpu.memory_space<semaphore_mem>>
            %dma_start3A = arith.constant 0 : i32
            %dma_start3A_188 = tpu.memref_slice %arg4[%dma_start3A, %mul3A_60] : memref<8x160000xf32, #tpu.memory_space<hbm>> -> memref<8x128xf32, #tpu.memory_space<hbm>>
            %dma_start3A_189 = arith.constant 0 : i32
            %dma_start3A_190 = tpu.memref_slice %arg4[%dma_start3A_189, %mul3A_60] : memref<8x160000xf32, #tpu.memory_space<hbm>> -> memref<8x128xf32, #tpu.memory_space<hbm>>
            tpu.enqueue_dma source(%dma_start3A_190 : memref<8x128xf32, #tpu.memory_space<hbm>>) target(%arg15 : memref<8x128xf32, #tpu.memory_space<vmem>>) target_semaphore(%run_scoped3A : memref<!tpu.dma_semaphore, #tpu.memory_space<semaphore_mem>>)
            %dma_wait3A = arith.constant 0 : i32
            %dma_wait3A_191 = tpu.memref_slice %arg4[%dma_wait3A, %mul3A_60] : memref<8x160000xf32, #tpu.memory_space<hbm>> -> memref<8x128xf32, #tpu.memory_space<hbm>>
            %dma_wait3A_192 = arith.constant 0 : i32
            %dma_wait3A_193 = tpu.memref_slice %arg4[%dma_wait3A_192, %mul3A_60] : memref<8x160000xf32, #tpu.memory_space<hbm>> -> memref<8x128xf32, #tpu.memory_space<hbm>>
            tpu.wait_dma2 semaphore(%run_scoped3A : memref<!tpu.dma_semaphore, #tpu.memory_space<semaphore_mem>>) src(%dma_wait3A_193 : memref<8x128xf32, #tpu.memory_space<hbm>>) dst(%arg15 : memref<8x128xf32, #tpu.memory_space<vmem>>)
            tpu.yield
          }) : () -> ()
          %get3A = arith.constant 0 : index
          %get3A_61 = tpu.vector_load %arg13[%get3A] {strides = array<i32>} : memref<128xi32, #tpu.memory_space<vmem>>, vector<16xi32>,
          %get3A_62 = arith.constant 6 : i32
          %get3A_63 = arith.index_cast %get3A_62 : i32 to index
          %get3A_64 = arith.constant 0 : index
          %get3A_65 = tpu.vector_load %arg15[%get3A_63, %get3A_64] {strides = array<i32>} : memref<8x128xf32, #tpu.memory_space<vmem>>, vector<16xf32>,
          %add3A_66 = arith.constant 0 : i32
          %add3A_67 = vector.broadcast %add3A_66 : i32 to vector<16xi32>
          %add3A_68 = arith.addi %get3A_61, %add3A_67 : vector<16xi32>
          tpu.vector_store_idx %arg16[%add3A_68], %get3A_65 {add = true} : memref<20000xf32, #tpu.memory_space<vmem>>[vector<16xi32>], vector<16xf32>,
          %get3A_69 = arith.constant 7 : i32
          %get3A_70 = arith.index_cast %get3A_69 : i32 to index
          %get3A_71 = arith.constant 0 : index
          %get3A_72 = tpu.vector_load %arg15[%get3A_70, %get3A_71] {strides = array<i32>} : memref<8x128xf32, #tpu.memory_space<vmem>>, vector<16xf32>,
          %add3A_73 = arith.constant 10000 : i32
          %add3A_74 = vector.broadcast %add3A_73 : i32 to vector<16xi32>
          %add3A_75 = arith.addi %get3A_61, %add3A_74 : vector<16xi32>
          tpu.vector_store_idx %arg16[%add3A_75], %get3A_72 {add = true} : memref<20000xf32, #tpu.memory_space<vmem>>[vector<16xi32>], vector<16xf32>,
          %get3A_76 = arith.constant 16 : index
          %get3A_77 = tpu.vector_load %arg13[%get3A_76] {strides = array<i32>} : memref<128xi32, #tpu.memory_space<vmem>>, vector<16xi32>,
          %get3A_78 = arith.constant 6 : i32
          %get3A_79 = arith.index_cast %get3A_78 : i32 to index
          %get3A_80 = arith.constant 16 : index
          %get3A_81 = tpu.vector_load %arg15[%get3A_79, %get3A_80] {strides = array<i32>} : memref<8x128xf32, #tpu.memory_space<vmem>>, vector<16xf32>,
          %add3A_82 = arith.constant 0 : i32
          %add3A_83 = vector.broadcast %add3A_82 : i32 to vector<16xi32>
          %add3A_84 = arith.addi %get3A_77, %add3A_83 : vector<16xi32>
          tpu.vector_store_idx %arg16[%add3A_84], %get3A_81 {add = true} : memref<20000xf32, #tpu.memory_space<vmem>>[vector<16xi32>], vector<16xf32>,
          %get3A_85 = arith.constant 7 : i32
          %get3A_86 = arith.index_cast %get3A_85 : i32 to index
          %get3A_87 = arith.constant 16 : index
          %get3A_88 = tpu.vector_load %arg15[%get3A_86, %get3A_87] {strides = array<i32>} : memref<8x128xf32, #tpu.memory_space<vmem>>, vector<16xf32>,
          %add3A_89 = arith.constant 10000 : i32
          %add3A_90 = vector.broadcast %add3A_89 : i32 to vector<16xi32>
          %add3A_91 = arith.addi %get3A_77, %add3A_90 : vector<16xi32>
          tpu.vector_store_idx %arg16[%add3A_91], %get3A_88 {add = true} : memref<20000xf32, #tpu.memory_space<vmem>>[vector<16xi32>], vector<16xf32>,
          %get3A_92 = arith.constant 32 : index
          %get3A_93 = tpu.vector_load %arg13[%get3A_92] {strides = array<i32>} : memref<128xi32, #tpu.memory_space<vmem>>, vector<16xi32>,
          %get3A_94 = arith.constant 6 : i32
          %get3A_95 = arith.index_cast %get3A_94 : i32 to index
          %get3A_96 = arith.constant 32 : index
          %get3A_97 = tpu.vector_load %arg15[%get3A_95, %get3A_96] {strides = array<i32>} : memref<8x128xf32, #tpu.memory_space<vmem>>, vector<16xf32>,
          %add3A_98 = arith.constant 0 : i32
          %add3A_99 = vector.broadcast %add3A_98 : i32 to vector<16xi32>
          %add3A_100 = arith.addi %get3A_93, %add3A_99 : vector<16xi32>
          tpu.vector_store_idx %arg16[%add3A_100], %get3A_97 {add = true} : memref<20000xf32, #tpu.memory_space<vmem>>[vector<16xi32>], vector<16xf32>,
          %get3A_101 = arith.constant 7 : i32
          %get3A_102 = arith.index_cast %get3A_101 : i32 to index
          %get3A_103 = arith.constant 32 : index
          %get3A_104 = tpu.vector_load %arg15[%get3A_102, %get3A_103] {strides = array<i32>} : memref<8x128xf32, #tpu.memory_space<vmem>>, vector<16xf32>,
          %add3A_105 = arith.constant 10000 : i32
          %add3A_106 = vector.broadcast %add3A_105 : i32 to vector<16xi32>
          %add3A_107 = arith.addi %get3A_93, %add3A_106 : vector<16xi32>
          tpu.vector_store_idx %arg16[%add3A_107], %get3A_104 {add = true} : memref<20000xf32, #tpu.memory_space<vmem>>[vector<16xi32>], vector<16xf32>,
          %get3A_108 = arith.constant 48 : index
          %get3A_109 = tpu.vector_load %arg13[%get3A_108] {strides = array<i32>} : memref<128xi32, #tpu.memory_space<vmem>>, vector<16xi32>,
          %get3A_110 = arith.constant 6 : i32
          %get3A_111 = arith.index_cast %get3A_110 : i32 to index
          %get3A_112 = arith.constant 48 : index
          %get3A_113 = tpu.vector_load %arg15[%get3A_111, %get3A_112] {strides = array<i32>} : memref<8x128xf32, #tpu.memory_space<vmem>>, vector<16xf32>,
          %add3A_114 = arith.constant 0 : i32
          %add3A_115 = vector.broadcast %add3A_114 : i32 to vector<16xi32>
          %add3A_116 = arith.addi %get3A_109, %add3A_115 : vector<16xi32>
          tpu.vector_store_idx %arg16[%add3A_116], %get3A_113 {add = true} : memref<20000xf32, #tpu.memory_space<vmem>>[vector<16xi32>], vector<16xf32>,
          %get3A_117 = arith.constant 7 : i32
          %get3A_118 = arith.index_cast %get3A_117 : i32 to index
          %get3A_119 = arith.constant 48 : index
          %get3A_120 = tpu.vector_load %arg15[%get3A_118, %get3A_119] {strides = array<i32>} : memref<8x128xf32, #tpu.memory_space<vmem>>, vector<16xf32>,
          %add3A_121 = arith.constant 10000 : i32
          %add3A_122 = vector.broadcast %add3A_121 : i32 to vector<16xi32>
          %add3A_123 = arith.addi %get3A_109, %add3A_122 : vector<16xi32>
          tpu.vector_store_idx %arg16[%add3A_123], %get3A_120 {add = true} : memref<20000xf32, #tpu.memory_space<vmem>>[vector<16xi32>], vector<16xf32>,
          %get3A_124 = arith.constant 64 : index
          %get3A_125 = tpu.vector_load %arg13[%get3A_124] {strides = array<i32>} : memref<128xi32, #tpu.memory_space<vmem>>, vector<16xi32>,
          %get3A_126 = arith.constant 6 : i32
          %get3A_127 = arith.index_cast %get3A_126 : i32 to index
          %get3A_128 = arith.constant 64 : index
          %get3A_129 = tpu.vector_load %arg15[%get3A_127, %get3A_128] {strides = array<i32>} : memref<8x128xf32, #tpu.memory_space<vmem>>, vector<16xf32>,
          %add3A_130 = arith.constant 0 : i32
          %add3A_131 = vector.broadcast %add3A_130 : i32 to vector<16xi32>
          %add3A_132 = arith.addi %get3A_125, %add3A_131 : vector<16xi32>
          tpu.vector_store_idx %arg16[%add3A_132], %get3A_129 {add = true} : memref<20000xf32, #tpu.memory_space<vmem>>[vector<16xi32>], vector<16xf32>,
          %get3A_133 = arith.constant 7 : i32
          %get3A_134 = arith.index_cast %get3A_133 : i32 to index
          %get3A_135 = arith.constant 64 : index
          %get3A_136 = tpu.vector_load %arg15[%get3A_134, %get3A_135] {strides = array<i32>} : memref<8x128xf32, #tpu.memory_space<vmem>>, vector<16xf32>,
          %add3A_137 = arith.constant 10000 : i32
          %add3A_138 = vector.broadcast %add3A_137 : i32 to vector<16xi32>
          %add3A_139 = arith.addi %get3A_125, %add3A_138 : vector<16xi32>
          tpu.vector_store_idx %arg16[%add3A_139], %get3A_136 {add = true} : memref<20000xf32, #tpu.memory_space<vmem>>[vector<16xi32>], vector<16xf32>,
          %get3A_140 = arith.constant 80 : index
          %get3A_141 = tpu.vector_load %arg13[%get3A_140] {strides = array<i32>} : memref<128xi32, #tpu.memory_space<vmem>>, vector<16xi32>,
          %get3A_142 = arith.constant 6 : i32
          %get3A_143 = arith.index_cast %get3A_142 : i32 to index
          %get3A_144 = arith.constant 80 : index
          %get3A_145 = tpu.vector_load %arg15[%get3A_143, %get3A_144] {strides = array<i32>} : memref<8x128xf32, #tpu.memory_space<vmem>>, vector<16xf32>,
          %add3A_146 = arith.constant 0 : i32
          %add3A_147 = vector.broadcast %add3A_146 : i32 to vector<16xi32>
          %add3A_148 = arith.addi %get3A_141, %add3A_147 : vector<16xi32>
          tpu.vector_store_idx %arg16[%add3A_148], %get3A_145 {add = true} : memref<20000xf32, #tpu.memory_space<vmem>>[vector<16xi32>], vector<16xf32>,
          %get3A_149 = arith.constant 7 : i32
          %get3A_150 = arith.index_cast %get3A_149 : i32 to index
          %get3A_151 = arith.constant 80 : index
          %get3A_152 = tpu.vector_load %arg15[%get3A_150, %get3A_151] {strides = array<i32>} : memref<8x128xf32, #tpu.memory_space<vmem>>, vector<16xf32>,
          %add3A_153 = arith.constant 10000 : i32
          %add3A_154 = vector.broadcast %add3A_153 : i32 to vector<16xi32>
          %add3A_155 = arith.addi %get3A_141, %add3A_154 : vector<16xi32>
          tpu.vector_store_idx %arg16[%add3A_155], %get3A_152 {add = true} : memref<20000xf32, #tpu.memory_space<vmem>>[vector<16xi32>], vector<16xf32>,
          %get3A_156 = arith.constant 96 : index
          %get3A_157 = tpu.vector_load %arg13[%get3A_156] {strides = array<i32>} : memref<128xi32, #tpu.memory_space<vmem>>, vector<16xi32>,
          %get3A_158 = arith.constant 6 : i32
          %get3A_159 = arith.index_cast %get3A_158 : i32 to index
          %get3A_160 = arith.constant 96 : index
          %get3A_161 = tpu.vector_load %arg15[%get3A_159, %get3A_160] {strides = array<i32>} : memref<8x128xf32, #tpu.memory_space<vmem>>, vector<16xf32>,
          %add3A_162 = arith.constant 0 : i32
          %add3A_163 = vector.broadcast %add3A_162 : i32 to vector<16xi32>
          %add3A_164 = arith.addi %get3A_157, %add3A_163 : vector<16xi32>
          tpu.vector_store_idx %arg16[%add3A_164], %get3A_161 {add = true} : memref<20000xf32, #tpu.memory_space<vmem>>[vector<16xi32>], vector<16xf32>,
          %get3A_165 = arith.constant 7 : i32
          %get3A_166 = arith.index_cast %get3A_165 : i32 to index
          %get3A_167 = arith.constant 96 : index
          %get3A_168 = tpu.vector_load %arg15[%get3A_166, %get3A_167] {strides = array<i32>} : memref<8x128xf32, #tpu.memory_space<vmem>>, vector<16xf32>,
          %add3A_169 = arith.constant 10000 : i32
          %add3A_170 = vector.broadcast %add3A_169 : i32 to vector<16xi32>
          %add3A_171 = arith.addi %get3A_157, %add3A_170 : vector<16xi32>
          tpu.vector_store_idx %arg16[%add3A_171], %get3A_168 {add = true} : memref<20000xf32, #tpu.memory_space<vmem>>[vector<16xi32>], vector<16xf32>,
          %get3A_172 = arith.constant 112 : index
          %get3A_173 = tpu.vector_load %arg13[%get3A_172] {strides = array<i32>} : memref<128xi32, #tpu.memory_space<vmem>>, vector<16xi32>,
          %get3A_174 = arith.constant 6 : i32
          %get3A_175 = arith.index_cast %get3A_174 : i32 to index
          %get3A_176 = arith.constant 112 : index
          %get3A_177 = tpu.vector_load %arg15[%get3A_175, %get3A_176] {strides = array<i32>} : memref<8x128xf32, #tpu.memory_space<vmem>>, vector<16xf32>,
          %add3A_178 = arith.constant 0 : i32
          %add3A_179 = vector.broadcast %add3A_178 : i32 to vector<16xi32>
          %add3A_180 = arith.addi %get3A_173, %add3A_179 : vector<16xi32>
          tpu.vector_store_idx %arg16[%add3A_180], %get3A_177 {add = true} : memref<20000xf32, #tpu.memory_space<vmem>>[vector<16xi32>], vector<16xf32>,
          %get3A_181 = arith.constant 7 : i32
          %get3A_182 = arith.index_cast %get3A_181 : i32 to index
          %get3A_183 = arith.constant 112 : index
          %get3A_184 = tpu.vector_load %arg15[%get3A_182, %get3A_183] {strides = array<i32>} : memref<8x128xf32, #tpu.memory_space<vmem>>, vector<16xf32>,
          %add3A_185 = arith.constant 10000 : i32
          %add3A_186 = vector.broadcast %add3A_185 : i32 to vector<16xi32>
          %add3A_187 = arith.addi %get3A_173, %add3A_186 : vector<16xi32>
          tpu.vector_store_idx %arg16[%add3A_187], %get3A_184 {add = true} : memref<20000xf32, #tpu.memory_space<vmem>>[vector<16xi32>], vector<16xf32>,
        } else {
        }
      }
      %scan3A_43 = arith.constant 79 : i32
      %add3A_44 = arith.constant 16 : i32
      %add3A_45 = arith.addi %add3A_44, %arg1 : i32
      %mul3A_46 = arith.constant 2 : i32
      %mul3A_47 = arith.muli %add3A_45, %mul3A_46 : i32
      %mul3A_48 = arith.constant 10000 : i32
      %mul3A_49 = arith.muli %mul3A_47, %mul3A_48 : i32
      "tpu.region"() ({
        %run_scoped3A = tpu.sem_alloc : memref<!tpu.dma_semaphore, #tpu.memory_space<semaphore_mem>>
        %dma_start3A = tpu.memref_slice %arg12[%mul3A_49] : memref<640000xf32, #tpu.memory_space<hbm>> -> memref<20000xf32, #tpu.memory_space<hbm>>
        %dma_start3A_50 = tpu.memref_slice %arg12[%mul3A_49] : memref<640000xf32, #tpu.memory_space<hbm>> -> memref<20000xf32, #tpu.memory_space<hbm>>
        tpu.enqueue_dma source(%arg16 : memref<20000xf32, #tpu.memory_space<vmem>>) target(%dma_start3A_50 : memref<20000xf32, #tpu.memory_space<hbm>>) target_semaphore(%run_scoped3A : memref<!tpu.dma_semaphore, #tpu.memory_space<semaphore_mem>>)
        %dma_wait3A = tpu.memref_slice %arg12[%mul3A_49] : memref<640000xf32, #tpu.memory_space<hbm>> -> memref<20000xf32, #tpu.memory_space<hbm>>
        %dma_wait3A_51 = tpu.memref_slice %arg12[%mul3A_49] : memref<640000xf32, #tpu.memory_space<hbm>> -> memref<20000xf32, #tpu.memory_space<hbm>>
        tpu.wait_dma2 semaphore(%run_scoped3A : memref<!tpu.dma_semaphore, #tpu.memory_space<semaphore_mem>>) src(%arg16 : memref<20000xf32, #tpu.memory_space<vmem>>) dst(%dma_wait3A_51 : memref<20000xf32, #tpu.memory_space<hbm>>)
        tpu.yield
      }) : () -> ()
    } else {
    }
    %barrier3A_17 = arith.constant 0 : index
    tpu.barrier barrier_id(%barrier3A_17)
    %eq3A_18 = arith.constant 0 : i32
    %eq3A_19 = arith.cmpi eq, %arg0, %eq3A_18 : i32
    %convert_element_type3A_20 = arith.extui %eq3A_19 : i1 to i32
    %cond3A_21 = arith.constant 0 : i32
    %cond3A_22 = arith.cmpi ne, %convert_element_type3A_20, %cond3A_21 : i32
    scf.if %cond3A_22 {
      %lt3A_28 = arith.constant 15 : i32
      %lt3A_29 = arith.cmpi slt, %arg1, %lt3A_28 : i32
      %convert_element_type3A_30 = arith.extui %lt3A_29 : i1 to i32
      %cond3A_31 = arith.constant 0 : i32
      %cond3A_32 = arith.cmpi ne, %convert_element_type3A_30, %cond3A_31 : i32
      scf.if %cond3A_32 {
        "tpu.region"() ({
          %run_scoped3A = tpu.sem_alloc : memref<!tpu.dma_semaphore, #tpu.memory_space<semaphore_mem>>
          %dma_start3A = arith.constant 0 : i32
          %dma_start3A_38 = tpu.memref_slice %arg9[%mul3A_0, %dma_start3A] : memref<10000x128xf32, #tpu.memory_space<hbm>> -> memref<624x128xf32, #tpu.memory_space<hbm>>
          %dma_start3A_39 = arith.constant 0 : i32
          %dma_start3A_40 = tpu.memref_slice %arg17[%mul3A_0, %dma_start3A_39] : memref<10000x128xf32, #tpu.memory_space<vmem_shared>> -> memref<624x128xf32, #tpu.memory_space<vmem_shared>>
          tpu.enqueue_dma source(%dma_start3A_40 : memref<624x128xf32, #tpu.memory_space<vmem_shared>>) target(%dma_start3A_38 : memref<624x128xf32, #tpu.memory_space<hbm>>) target_semaphore(%run_scoped3A : memref<!tpu.dma_semaphore, #tpu.memory_space<semaphore_mem>>)
          %dma_wait3A = arith.constant 0 : i32
          %dma_wait3A_41 = tpu.memref_slice %arg9[%mul3A_0, %dma_wait3A] : memref<10000x128xf32, #tpu.memory_space<hbm>> -> memref<624x128xf32, #tpu.memory_space<hbm>>
          %dma_wait3A_42 = arith.constant 0 : i32
          %dma_wait3A_43 = tpu.memref_slice %arg17[%mul3A_0, %dma_wait3A_42] : memref<10000x128xf32, #tpu.memory_space<vmem_shared>> -> memref<624x128xf32, #tpu.memory_space<vmem_shared>>
          tpu.wait_dma2 semaphore(%run_scoped3A : memref<!tpu.dma_semaphore, #tpu.memory_space<semaphore_mem>>) src(%dma_wait3A_43 : memref<624x128xf32, #tpu.memory_space<vmem_shared>>) dst(%dma_wait3A_41 : memref<624x128xf32, #tpu.memory_space<hbm>>)
          tpu.yield
        }) : () -> ()
      } else {
      }
      %eq3A_33 = arith.constant 15 : i32
      %eq3A_34 = arith.cmpi eq, %arg1, %eq3A_33 : i32
      %convert_element_type3A_35 = arith.extui %eq3A_34 : i1 to i32
      %cond3A_36 = arith.constant 0 : i32
      %cond3A_37 = arith.cmpi ne, %convert_element_type3A_35, %cond3A_36 : i32
      scf.if %cond3A_37 {
        "tpu.region"() ({
          %run_scoped3A = tpu.sem_alloc : memref<!tpu.dma_semaphore, #tpu.memory_space<semaphore_mem>>
          %dma_start3A = arith.constant 0 : i32
          %dma_start3A_38 = tpu.memref_slice %arg9[%mul3A_0, %dma_start3A] : memref<10000x128xf32, #tpu.memory_space<hbm>> -> memref<640x128xf32, #tpu.memory_space<hbm>>
          %dma_start3A_39 = arith.constant 0 : i32
          %dma_start3A_40 = tpu.memref_slice %arg17[%mul3A_0, %dma_start3A_39] : memref<10000x128xf32, #tpu.memory_space<vmem_shared>> -> memref<640x128xf32, #tpu.memory_space<vmem_shared>>
          tpu.enqueue_dma source(%dma_start3A_40 : memref<640x128xf32, #tpu.memory_space<vmem_shared>>) target(%dma_start3A_38 : memref<640x128xf32, #tpu.memory_space<hbm>>) target_semaphore(%run_scoped3A : memref<!tpu.dma_semaphore, #tpu.memory_space<semaphore_mem>>)
          %dma_wait3A = arith.constant 0 : i32
          %dma_wait3A_41 = tpu.memref_slice %arg9[%mul3A_0, %dma_wait3A] : memref<10000x128xf32, #tpu.memory_space<hbm>> -> memref<640x128xf32, #tpu.memory_space<hbm>>
          %dma_wait3A_42 = arith.constant 0 : i32
          %dma_wait3A_43 = tpu.memref_slice %arg17[%mul3A_0, %dma_wait3A_42] : memref<10000x128xf32, #tpu.memory_space<vmem_shared>> -> memref<640x128xf32, #tpu.memory_space<vmem_shared>>
          tpu.wait_dma2 semaphore(%run_scoped3A : memref<!tpu.dma_semaphore, #tpu.memory_space<semaphore_mem>>) src(%dma_wait3A_43 : memref<640x128xf32, #tpu.memory_space<vmem_shared>>) dst(%dma_wait3A_41 : memref<640x128xf32, #tpu.memory_space<hbm>>)
          tpu.yield
        }) : () -> ()
      } else {
      }
    } else {
    }
    %eq3A_23 = arith.constant 1 : i32
    %eq3A_24 = arith.cmpi eq, %arg0, %eq3A_23 : i32
    %convert_element_type3A_25 = arith.extui %eq3A_24 : i1 to i32
    %cond3A_26 = arith.constant 0 : i32
    %cond3A_27 = arith.cmpi ne, %convert_element_type3A_25, %cond3A_26 : i32
    scf.if %cond3A_27 {
      %lt3A_28 = arith.constant 15 : i32
      %lt3A_29 = arith.cmpi slt, %arg1, %lt3A_28 : i32
      %convert_element_type3A_30 = arith.extui %lt3A_29 : i1 to i32
      %cond3A_31 = arith.constant 0 : i32
      %cond3A_32 = arith.cmpi ne, %convert_element_type3A_30, %cond3A_31 : i32
      scf.if %cond3A_32 {
        "tpu.region"() ({
          %run_scoped3A = tpu.sem_alloc : memref<!tpu.dma_semaphore, #tpu.memory_space<semaphore_mem>>
          %dma_start3A = arith.constant 0 : i32
          %dma_start3A_38 = tpu.memref_slice %arg10[%mul3A_0, %dma_start3A] : memref<10000x128xf32, #tpu.memory_space<hbm>> -> memref<624x128xf32, #tpu.memory_space<hbm>>
          %dma_start3A_39 = arith.constant 0 : i32
          %dma_start3A_40 = tpu.memref_slice %arg17[%mul3A_0, %dma_start3A_39] : memref<10000x128xf32, #tpu.memory_space<vmem_shared>> -> memref<624x128xf32, #tpu.memory_space<vmem_shared>>
          tpu.enqueue_dma source(%dma_start3A_40 : memref<624x128xf32, #tpu.memory_space<vmem_shared>>) target(%dma_start3A_38 : memref<624x128xf32, #tpu.memory_space<hbm>>) target_semaphore(%run_scoped3A : memref<!tpu.dma_semaphore, #tpu.memory_space<semaphore_mem>>)
          %dma_wait3A = arith.constant 0 : i32
          %dma_wait3A_41 = tpu.memref_slice %arg10[%mul3A_0, %dma_wait3A] : memref<10000x128xf32, #tpu.memory_space<hbm>> -> memref<624x128xf32, #tpu.memory_space<hbm>>
          %dma_wait3A_42 = arith.constant 0 : i32
          %dma_wait3A_43 = tpu.memref_slice %arg17[%mul3A_0, %dma_wait3A_42] : memref<10000x128xf32, #tpu.memory_space<vmem_shared>> -> memref<624x128xf32, #tpu.memory_space<vmem_shared>>
          tpu.wait_dma2 semaphore(%run_scoped3A : memref<!tpu.dma_semaphore, #tpu.memory_space<semaphore_mem>>) src(%dma_wait3A_43 : memref<624x128xf32, #tpu.memory_space<vmem_shared>>) dst(%dma_wait3A_41 : memref<624x128xf32, #tpu.memory_space<hbm>>)
          tpu.yield
        }) : () -> ()
      } else {
      }
      %eq3A_33 = arith.constant 15 : i32
      %eq3A_34 = arith.cmpi eq, %arg1, %eq3A_33 : i32
      %convert_element_type3A_35 = arith.extui %eq3A_34 : i1 to i32
      %cond3A_36 = arith.constant 0 : i32
      %cond3A_37 = arith.cmpi ne, %convert_element_type3A_35, %cond3A_36 : i32
      scf.if %cond3A_37 {
        "tpu.region"() ({
          %run_scoped3A = tpu.sem_alloc : memref<!tpu.dma_semaphore, #tpu.memory_space<semaphore_mem>>
          %dma_start3A = arith.constant 0 : i32
          %dma_start3A_38 = tpu.memref_slice %arg10[%mul3A_0, %dma_start3A] : memref<10000x128xf32, #tpu.memory_space<hbm>> -> memref<640x128xf32, #tpu.memory_space<hbm>>
          %dma_start3A_39 = arith.constant 0 : i32
          %dma_start3A_40 = tpu.memref_slice %arg17[%mul3A_0, %dma_start3A_39] : memref<10000x128xf32, #tpu.memory_space<vmem_shared>> -> memref<640x128xf32, #tpu.memory_space<vmem_shared>>
          tpu.enqueue_dma source(%dma_start3A_40 : memref<640x128xf32, #tpu.memory_space<vmem_shared>>) target(%dma_start3A_38 : memref<640x128xf32, #tpu.memory_space<hbm>>) target_semaphore(%run_scoped3A : memref<!tpu.dma_semaphore, #tpu.memory_space<semaphore_mem>>)
          %dma_wait3A = arith.constant 0 : i32
          %dma_wait3A_41 = tpu.memref_slice %arg10[%mul3A_0, %dma_wait3A] : memref<10000x128xf32, #tpu.memory_space<hbm>> -> memref<640x128xf32, #tpu.memory_space<hbm>>
          %dma_wait3A_42 = arith.constant 0 : i32
          %dma_wait3A_43 = tpu.memref_slice %arg17[%mul3A_0, %dma_wait3A_42] : memref<10000x128xf32, #tpu.memory_space<vmem_shared>> -> memref<640x128xf32, #tpu.memory_space<vmem_shared>>
          tpu.wait_dma2 semaphore(%run_scoped3A : memref<!tpu.dma_semaphore, #tpu.memory_space<semaphore_mem>>) src(%dma_wait3A_43 : memref<640x128xf32, #tpu.memory_space<vmem_shared>>) dst(%dma_wait3A_41 : memref<640x128xf32, #tpu.memory_space<hbm>>)
          tpu.yield
        }) : () -> ()
      } else {
      }
    } else {
    }
    return
  }
}

module attributes {stable_mosaic.version = 14 : i64} {
  func.func @_node_table_body(%arg0: i32, %arg1: memref<2000x128xf32, #tpu.memory_space<vmem>>, %arg2: memref<2000x15xf32, #tpu.memory_space<vmem>>, %arg3: memref<128x128xf32, #tpu.memory_space<vmem>>, %arg4: memref<1x128xf32, #tpu.memory_space<vmem>>, %arg5: memref<128x8xf32, #tpu.memory_space<vmem>>, %arg6: memref<1x8xf32, #tpu.memory_space<vmem>>, %arg7: memref<2000x256xf32, #tpu.memory_space<vmem>>) attributes {dimension_semantics = [#tpu.dimension_semantics<arbitrary>], iteration_bounds = array<i64: 5>, scalar_prefetch = 0 : i64, scratch_operands = 0 : i64, tpu.core_type = #tpu.core_type<tc>, window_params = [{transform_indices = @transform_0, window_bounds = array<i64: 2000, 128>}, {transform_indices = @transform_1, window_bounds = array<i64: 2000, 15>}, {pipeline_mode = #tpu.pipeline_mode<synchronous>, transform_indices = @transform_2, window_bounds = array<i64: 128, 128>}, {pipeline_mode = #tpu.pipeline_mode<synchronous>, transform_indices = @transform_3, window_bounds = array<i64: 1, 128>}, {pipeline_mode = #tpu.pipeline_mode<synchronous>, transform_indices = @transform_4, window_bounds = array<i64: 128, 8>}, {pipeline_mode = #tpu.pipeline_mode<synchronous>, transform_indices = @transform_5, window_bounds = array<i64: 1, 8>}, {transform_indices = @transform_6, window_bounds = array<i64: 2000, 256>}]} {
    %get3A = arith.constant 0 : index
    %get3A_0 = arith.constant 0 : index
    %get3A_1 = vector.load %arg1[%get3A, %get3A_0] : memref<2000x128xf32, #tpu.memory_space<vmem>>, vector<2000x128xf32>
    %get3A_2 = arith.constant 0 : index
    %get3A_3 = arith.constant 0 : index
    %get3A_4 = vector.load %arg3[%get3A_2, %get3A_3] : memref<128x128xf32, #tpu.memory_space<vmem>>, vector<128x128xf32>
    %dot_general3A = arith.constant dense<0.000000e+00> : vector<2000x128xf32>
    %dot_general3A_5 = tpu.matmul %get3A_1, %get3A_4, %dot_general3A {dimension_numbers = #tpu.dot_dimension_numbers<[1], [0], [0], [1], [0, 0, 1, 1], [], []>, transpose_lhs_hint = false} : vector<2000x128xf32>, vector<128x128xf32>, vector<2000x128xf32> -> vector<2000x128xf32>
    %get3A_6 = arith.constant 0 : index
    %get3A_7 = arith.constant 0 : index
    %get3A_8 = vector.load %arg4[%get3A_6, %get3A_7] : memref<1x128xf32, #tpu.memory_space<vmem>>, vector<1x128xf32>
    %add3A = vector.broadcast %get3A_8 : vector<1x128xf32> to vector<2000x128xf32>
    %add3A_9 = arith.addf %dot_general3A_5, %add3A : vector<2000x128xf32>
    %logistic3A = arith.negf %add3A_9 : vector<2000x128xf32>
    %logistic3A_10 = math.exp %logistic3A : vector<2000x128xf32>
    %logistic3A_11 = arith.constant 1.000000e+00 : f32
    %logistic3A_12 = vector.broadcast %logistic3A_11 : f32 to vector<2000x128xf32>
    %logistic3A_13 = arith.addf %logistic3A_12, %logistic3A_10 : vector<2000x128xf32>
    %logistic3A_14 = arith.divf %logistic3A_12, %logistic3A_13 : vector<2000x128xf32>
    %mul3A = arith.mulf %add3A_9, %logistic3A_14 : vector<2000x128xf32>
    %get3A_15 = arith.constant 0 : index
    %get3A_16 = arith.constant 0 : index
    %get3A_17 = vector.load %arg5[%get3A_15, %get3A_16] : memref<128x8xf32, #tpu.memory_space<vmem>>, vector<128x8xf32>
    %dot_general3A_18 = arith.constant dense<0.000000e+00> : vector<2000x8xf32>
    %dot_general3A_19 = tpu.matmul %mul3A, %get3A_17, %dot_general3A_18 {dimension_numbers = #tpu.dot_dimension_numbers<[1], [0], [0], [1], [0, 0, 1, 1], [], []>, transpose_lhs_hint = false} : vector<2000x128xf32>, vector<128x8xf32>, vector<2000x8xf32> -> vector<2000x8xf32>
    %get3A_20 = arith.constant 0 : index
    %get3A_21 = arith.constant 0 : index
    %get3A_22 = vector.load %arg6[%get3A_20, %get3A_21] : memref<1x8xf32, #tpu.memory_space<vmem>>, vector<1x8xf32>
    %add3A_23 = vector.broadcast %get3A_22 : vector<1x8xf32> to vector<2000x8xf32>
    %add3A_24 = arith.addf %dot_general3A_19, %add3A_23 : vector<2000x8xf32>
    %slice3A = vector.extract_strided_slice %add3A_24 {offsets = [0, 0], sizes = [2000, 2], strides = [1, 1]} : vector<2000x8xf32> to vector<2000x2xf32>
    %max3A = arith.constant 0.000000e+00 : f32
    %max3A_25 = vector.broadcast %max3A : f32 to vector<2000x2xf32>
    %max3A_26 = arith.maximumf %slice3A, %max3A_25 : vector<2000x2xf32>
    %abs3A = math.absf %slice3A : vector<2000x2xf32>
    %neg3A = arith.constant 0.000000e+00 : f32
    %neg3A_27 = vector.broadcast %neg3A : f32 to vector<2000x2xf32>
    %neg3A_28 = arith.subf %neg3A_27, %abs3A : vector<2000x2xf32>
    %exp3A = math.exp %neg3A_28 : vector<2000x2xf32>
    %add3A_29 = arith.constant 1.000000e+00 : f32
    %add3A_30 = vector.broadcast %add3A_29 : f32 to vector<2000x2xf32>
    %add3A_31 = arith.addf %add3A_30, %exp3A : vector<2000x2xf32>
    %log3A = math.log %add3A_31 : vector<2000x2xf32>
    %add3A_32 = arith.addf %max3A_26, %log3A : vector<2000x2xf32>
    %add3A_33 = arith.constant 1.000000e-03 : f32
    %add3A_34 = vector.broadcast %add3A_33 : f32 to vector<2000x2xf32>
    %add3A_35 = arith.addf %add3A_32, %add3A_34 : vector<2000x2xf32>
    %get3A_36 = arith.constant 0 : index
    %get3A_37 = arith.constant 0 : index
    %get3A_38 = vector.load %arg2[%get3A_36, %get3A_37] : memref<2000x15xf32, #tpu.memory_space<vmem>>, vector<2000x15xf32>
    %broadcast_in_dim3A = arith.constant 0.000000e+00 : f32
    %broadcast_in_dim3A_39 = vector.broadcast %broadcast_in_dim3A : f32 to vector<2000x111xf32>
    %concatenate3A = tpu.concatenate %get3A_1, %get3A_38, %add3A_35, %broadcast_in_dim3A_39 in 1 : vector<2000x128xf32>, vector<2000x15xf32>, vector<2000x2xf32>, vector<2000x111xf32> -> vector<2000x256xf32>
    %swap3A = arith.constant 0 : index
    %swap3A_40 = arith.constant 0 : index
    %swap3A_41 = vector.load %arg7[%swap3A, %swap3A_40] : memref<2000x256xf32, #tpu.memory_space<vmem>>, vector<2000x256xf32>
    tpu.vector_store %arg7[%swap3A, %swap3A_40], %concatenate3A {strides = array<i32>} : memref<2000x256xf32, #tpu.memory_space<vmem>>, vector<2000x256xf32>,
    return
  }
  func.func @transform_0(%arg0: i32) -> (i32, i32) {
    %c0_i32 = arith.constant 0 : i32
    %c0_i32_0 = arith.constant 0 : i32
    return %arg0, %c0_i32 : i32, i32
  }
  func.func @transform_1(%arg0: i32) -> (i32, i32) {
    %c0_i32 = arith.constant 0 : i32
    %c0_i32_0 = arith.constant 0 : i32
    return %arg0, %c0_i32 : i32, i32
  }
  func.func @transform_2(%arg0: i32) -> (i32, i32) {
    %c0_i32 = arith.constant 0 : i32
    %c0_i32_0 = arith.constant 0 : i32
    %c0_i32_1 = arith.constant 0 : i32
    return %c0_i32, %c0_i32_0 : i32, i32
  }
  func.func @transform_3(%arg0: i32) -> (i32, i32) {
    %c0_i32 = arith.constant 0 : i32
    %c0_i32_0 = arith.constant 0 : i32
    %c0_i32_1 = arith.constant 0 : i32
    return %c0_i32, %c0_i32_0 : i32, i32
  }
  func.func @transform_4(%arg0: i32) -> (i32, i32) {
    %c0_i32 = arith.constant 0 : i32
    %c0_i32_0 = arith.constant 0 : i32
    %c0_i32_1 = arith.constant 0 : i32
    return %c0_i32, %c0_i32_0 : i32, i32
  }
  func.func @transform_5(%arg0: i32) -> (i32, i32) {
    %c0_i32 = arith.constant 0 : i32
    %c0_i32_0 = arith.constant 0 : i32
    %c0_i32_1 = arith.constant 0 : i32
    return %c0_i32, %c0_i32_0 : i32, i32
  }
  func.func @transform_6(%arg0: i32) -> (i32, i32) {
    %c0_i32 = arith.constant 0 : i32
    %c0_i32_0 = arith.constant 0 : i32
    return %arg0, %c0_i32 : i32, i32
  }
}

module attributes {stable_mosaic.version = 14 : i64} {
  func.func @_edge_body(%arg0: i32, %arg1: memref<1280x256xf32, #tpu.memory_space<vmem>>, %arg2: memref<1280x256xf32, #tpu.memory_space<vmem>>, %arg3: memref<384x640xbf16, #tpu.memory_space<vmem>>, %arg4: memref<1x640xf32, #tpu.memory_space<vmem>>, %arg5: memref<128x8xf32, #tpu.memory_space<vmem>>, %arg6: memref<1x8xf32, #tpu.memory_space<vmem>>, %arg7: memref<512x128xbf16, #tpu.memory_space<vmem>>, %arg8: memref<4x128xf32, #tpu.memory_space<vmem>>, %arg9: memref<16x64xf32, #tpu.memory_space<vmem>>, %arg10: memref<1x64xf32, #tpu.memory_space<vmem>>, %arg11: memref<64x64xf32, #tpu.memory_space<vmem>>, %arg12: memref<1x64xf32, #tpu.memory_space<vmem>>, %arg13: memref<1x384xf32, #tpu.memory_space<vmem>>, %arg14: memref<1x384xf32, #tpu.memory_space<vmem>>, %arg15: memref<128x384xbf16, #tpu.memory_space<vmem>>, %arg16: memref<1x384xf32, #tpu.memory_space<vmem>>, %arg17: memref<128x2xf32, #tpu.memory_space<vmem>>, %arg18: memref<1x2xf32, #tpu.memory_space<vmem>>, %arg19: memref<1280x128xf32, #tpu.memory_space<vmem>>, %arg20: memref<1280x128xf32, #tpu.memory_space<vmem>>, %arg21: memref<8x1280xf32, #tpu.memory_space<vmem>>) attributes {dimension_semantics = [#tpu.dimension_semantics<arbitrary>], iteration_bounds = array<i64: 125>, scalar_prefetch = 0 : i64, scratch_operands = 0 : i64, tpu.core_type = #tpu.core_type<tc>, window_params = [{transform_indices = @transform_0, window_bounds = array<i64: 1280, 256>}, {transform_indices = @transform_1, window_bounds = array<i64: 1280, 256>}, {pipeline_mode = #tpu.pipeline_mode<synchronous>, transform_indices = @transform_2, window_bounds = array<i64: 384, 640>}, {pipeline_mode = #tpu.pipeline_mode<synchronous>, transform_indices = @transform_3, window_bounds = array<i64: 1, 640>}, {pipeline_mode = #tpu.pipeline_mode<synchronous>, transform_indices = @transform_4, window_bounds = array<i64: 128, 8>}, {pipeline_mode = #tpu.pipeline_mode<synchronous>, transform_indices = @transform_5, window_bounds = array<i64: 1, 8>}, {pipeline_mode = #tpu.pipeline_mode<synchronous>, transform_indices = @transform_6, window_bounds = array<i64: 512, 128>}, {pipeline_mode = #tpu.pipeline_mode<synchronous>, transform_indices = @transform_7, window_bounds = array<i64: 4, 128>}, {pipeline_mode = #tpu.pipeline_mode<synchronous>, transform_indices = @transform_8, window_bounds = array<i64: 16, 64>}, {pipeline_mode = #tpu.pipeline_mode<synchronous>, transform_indices = @transform_9, window_bounds = array<i64: 1, 64>}, {pipeline_mode = #tpu.pipeline_mode<synchronous>, transform_indices = @transform_10, window_bounds = array<i64: 64, 64>}, {pipeline_mode = #tpu.pipeline_mode<synchronous>, transform_indices = @transform_11, window_bounds = array<i64: 1, 64>}, {pipeline_mode = #tpu.pipeline_mode<synchronous>, transform_indices = @transform_12, window_bounds = array<i64: 1, 384>}, {pipeline_mode = #tpu.pipeline_mode<synchronous>, transform_indices = @transform_13, window_bounds = array<i64: 1, 384>}, {pipeline_mode = #tpu.pipeline_mode<synchronous>, transform_indices = @transform_14, window_bounds = array<i64: 128, 384>}, {pipeline_mode = #tpu.pipeline_mode<synchronous>, transform_indices = @transform_15, window_bounds = array<i64: 1, 384>}, {pipeline_mode = #tpu.pipeline_mode<synchronous>, transform_indices = @transform_16, window_bounds = array<i64: 128, 2>}, {pipeline_mode = #tpu.pipeline_mode<synchronous>, transform_indices = @transform_17, window_bounds = array<i64: 1, 2>}, {transform_indices = @transform_18, window_bounds = array<i64: 1280, 128>}, {transform_indices = @transform_19, window_bounds = array<i64: 1280, 128>}, {transform_indices = @transform_20, window_bounds = array<i64: 8, 1280>}]} {
    %get3A = arith.constant 0 : index
    %get3A_0 = arith.constant 0 : index
    %get3A_1 = vector.load %arg1[%get3A, %get3A_0] : memref<1280x256xf32, #tpu.memory_space<vmem>>, vector<1280x256xf32>
    %get3A_2 = arith.constant 0 : index
    %get3A_3 = arith.constant 0 : index
    %get3A_4 = vector.load %arg2[%get3A_2, %get3A_3] : memref<1280x256xf32, #tpu.memory_space<vmem>>, vector<1280x256xf32>
    %slice3A = vector.extract_strided_slice %get3A_1 {offsets = [0, 0], sizes = [1280, 128], strides = [1, 1]} : vector<1280x256xf32> to vector<1280x128xf32>
    %slice3A_5 = vector.extract_strided_slice %get3A_4 {offsets = [0, 0], sizes = [1280, 128], strides = [1, 1]} : vector<1280x256xf32> to vector<1280x128xf32>
    %slice3A_6 = vector.extract_strided_slice %get3A_1 {offsets = [0, 128], sizes = [1280, 32], strides = [1, 1]} : vector<1280x256xf32> to vector<1280x32xf32>
    %transpose3A = tpu.transpose %slice3A_6, [1, 0] : vector<1280x32xf32> -> vector<32x1280xf32>
    %reshape3A = vector.shape_cast %transpose3A : vector<32x1280xf32> to vector<32x10x128xf32>
    %slice3A_7 = vector.extract_strided_slice %get3A_4 {offsets = [0, 128], sizes = [1280, 32], strides = [1, 1]} : vector<1280x256xf32> to vector<1280x32xf32>
    %transpose3A_8 = tpu.transpose %slice3A_7, [1, 0] : vector<1280x32xf32> -> vector<32x1280xf32>
    %reshape3A_9 = vector.shape_cast %transpose3A_8 : vector<32x1280xf32> to vector<32x10x128xf32>
    %slice3A_10 = vector.extract_strided_slice %reshape3A {offsets = [0, 0, 0], sizes = [1, 10, 128], strides = [1, 1, 1]} : vector<32x10x128xf32> to vector<1x10x128xf32>
    %squeeze3A = vector.shape_cast %slice3A_10 : vector<1x10x128xf32> to vector<10x128xf32>
    %slice3A_11 = vector.extract_strided_slice %reshape3A_9 {offsets = [0, 0, 0], sizes = [1, 10, 128], strides = [1, 1, 1]} : vector<32x10x128xf32> to vector<1x10x128xf32>
    %squeeze3A_12 = vector.shape_cast %slice3A_11 : vector<1x10x128xf32> to vector<10x128xf32>
    %sub3A = arith.subf %squeeze3A, %squeeze3A_12 : vector<10x128xf32>
    %slice3A_13 = vector.extract_strided_slice %reshape3A {offsets = [1, 0, 0], sizes = [1, 10, 128], strides = [1, 1, 1]} : vector<32x10x128xf32> to vector<1x10x128xf32>
    %squeeze3A_14 = vector.shape_cast %slice3A_13 : vector<1x10x128xf32> to vector<10x128xf32>
    %slice3A_15 = vector.extract_strided_slice %reshape3A_9 {offsets = [1, 0, 0], sizes = [1, 10, 128], strides = [1, 1, 1]} : vector<32x10x128xf32> to vector<1x10x128xf32>
    %squeeze3A_16 = vector.shape_cast %slice3A_15 : vector<1x10x128xf32> to vector<10x128xf32>
    %sub3A_17 = arith.subf %squeeze3A_14, %squeeze3A_16 : vector<10x128xf32>
    %slice3A_18 = vector.extract_strided_slice %reshape3A {offsets = [2, 0, 0], sizes = [1, 10, 128], strides = [1, 1, 1]} : vector<32x10x128xf32> to vector<1x10x128xf32>
    %squeeze3A_19 = vector.shape_cast %slice3A_18 : vector<1x10x128xf32> to vector<10x128xf32>
    %slice3A_20 = vector.extract_strided_slice %reshape3A_9 {offsets = [2, 0, 0], sizes = [1, 10, 128], strides = [1, 1, 1]} : vector<32x10x128xf32> to vector<1x10x128xf32>
    %squeeze3A_21 = vector.shape_cast %slice3A_20 : vector<1x10x128xf32> to vector<10x128xf32>
    %sub3A_22 = arith.subf %squeeze3A_19, %squeeze3A_21 : vector<10x128xf32>
    %mul3A = arith.mulf %sub3A, %sub3A : vector<10x128xf32>
    %mul3A_23 = arith.mulf %sub3A_17, %sub3A_17 : vector<10x128xf32>
    %add3A = arith.addf %mul3A, %mul3A_23 : vector<10x128xf32>
    %mul3A_24 = arith.mulf %sub3A_22, %sub3A_22 : vector<10x128xf32>
    %add3A_25 = arith.addf %add3A, %mul3A_24 : vector<10x128xf32>
    %add3A_26 = arith.constant 9.99999993E-9 : f32
    %add3A_27 = vector.broadcast %add3A_26 : f32 to vector<10x128xf32>
    %add3A_28 = arith.addf %add3A_25, %add3A_27 : vector<10x128xf32>
    %sqrt3A = math.sqrt %add3A_28 : vector<10x128xf32>
    %max3A = arith.constant 5.000000e-01 : f32
    %max3A_29 = vector.broadcast %max3A : f32 to vector<10x128xf32>
    %max3A_30 = arith.maximumf %sqrt3A, %max3A_29 : vector<10x128xf32>
    %div3A = arith.constant 1.000000e+00 : f32
    %div3A_31 = vector.broadcast %div3A : f32 to vector<10x128xf32>
    %div3A_32 = arith.divf %div3A_31, %max3A_30 : vector<10x128xf32>
    %mul3A_33 = arith.mulf %sub3A, %div3A_32 : vector<10x128xf32>
    %mul3A_34 = arith.mulf %sub3A_17, %div3A_32 : vector<10x128xf32>
    %mul3A_35 = arith.mulf %sub3A_22, %div3A_32 : vector<10x128xf32>
    %slice3A_36 = vector.extract_strided_slice %reshape3A {offsets = [15, 0, 0], sizes = [1, 10, 128], strides = [1, 1, 1]} : vector<32x10x128xf32> to vector<1x10x128xf32>
    %squeeze3A_37 = vector.shape_cast %slice3A_36 : vector<1x10x128xf32> to vector<10x128xf32>
    %slice3A_38 = vector.extract_strided_slice %reshape3A_9 {offsets = [15, 0, 0], sizes = [1, 10, 128], strides = [1, 1, 1]} : vector<32x10x128xf32> to vector<1x10x128xf32>
    %squeeze3A_39 = vector.shape_cast %slice3A_38 : vector<1x10x128xf32> to vector<10x128xf32>
    %mul3A_40 = arith.mulf %squeeze3A_37, %squeeze3A_39 : vector<10x128xf32>
    %add3A_41 = arith.constant 9.99999993E-9 : f32
    %add3A_42 = vector.broadcast %add3A_41 : f32 to vector<10x128xf32>
    %add3A_43 = arith.addf %mul3A_40, %add3A_42 : vector<10x128xf32>
    %sqrt3A_44 = math.sqrt %add3A_43 : vector<10x128xf32>
    %slice3A_45 = vector.extract_strided_slice %reshape3A {offsets = [16, 0, 0], sizes = [1, 10, 128], strides = [1, 1, 1]} : vector<32x10x128xf32> to vector<1x10x128xf32>
    %squeeze3A_46 = vector.shape_cast %slice3A_45 : vector<1x10x128xf32> to vector<10x128xf32>
    %slice3A_47 = vector.extract_strided_slice %reshape3A_9 {offsets = [16, 0, 0], sizes = [1, 10, 128], strides = [1, 1, 1]} : vector<32x10x128xf32> to vector<1x10x128xf32>
    %squeeze3A_48 = vector.shape_cast %slice3A_47 : vector<1x10x128xf32> to vector<10x128xf32>
    %add3A_49 = arith.addf %squeeze3A_46, %squeeze3A_48 : vector<10x128xf32>
    %mul3A_50 = arith.constant 5.000000e-01 : f32
    %mul3A_51 = vector.broadcast %mul3A_50 : f32 to vector<10x128xf32>
    %mul3A_52 = arith.mulf %mul3A_51, %add3A_49 : vector<10x128xf32>
    %mul3A_53 = arith.mulf %mul3A_52, %div3A_32 : vector<10x128xf32>
    %min3A = arith.constant 1.500000e+00 : f32
    %min3A_54 = vector.broadcast %min3A : f32 to vector<10x128xf32>
    %min3A_55 = arith.minimumf %mul3A_53, %min3A_54 : vector<10x128xf32>
    %mul3A_56 = arith.mulf %min3A_55, %min3A_55 : vector<10x128xf32>
    %mul3A_57 = arith.mulf %mul3A_56, %mul3A_56 : vector<10x128xf32>
    %mul3A_58 = arith.mulf %mul3A_57, %mul3A_56 : vector<10x128xf32>
    %mul3A_59 = arith.constant 4.000000e+00 : f32
    %mul3A_60 = vector.broadcast %mul3A_59 : f32 to vector<10x128xf32>
    %mul3A_61 = arith.mulf %mul3A_60, %sqrt3A_44 : vector<10x128xf32>
    %mul3A_62 = arith.mulf %mul3A_58, %mul3A_58 : vector<10x128xf32>
    %sub3A_63 = arith.subf %mul3A_62, %mul3A_58 : vector<10x128xf32>
    %mul3A_64 = arith.mulf %mul3A_61, %sub3A_63 : vector<10x128xf32>
    %slice3A_65 = vector.extract_strided_slice %reshape3A {offsets = [3, 0, 0], sizes = [1, 10, 128], strides = [1, 1, 1]} : vector<32x10x128xf32> to vector<1x10x128xf32>
    %squeeze3A_66 = vector.shape_cast %slice3A_65 : vector<1x10x128xf32> to vector<10x128xf32>
    %slice3A_67 = vector.extract_strided_slice %reshape3A_9 {offsets = [3, 0, 0], sizes = [1, 10, 128], strides = [1, 1, 1]} : vector<32x10x128xf32> to vector<1x10x128xf32>
    %squeeze3A_68 = vector.shape_cast %slice3A_67 : vector<1x10x128xf32> to vector<10x128xf32>
    %mul3A_69 = arith.mulf %squeeze3A_66, %squeeze3A_68 : vector<10x128xf32>
    %mul3A_70 = arith.mulf %mul3A_69, %div3A_32 : vector<10x128xf32>
    %slice3A_71 = vector.extract_strided_slice %reshape3A {offsets = [3, 0, 0], sizes = [1, 10, 128], strides = [1, 1, 1]} : vector<32x10x128xf32> to vector<1x10x128xf32>
    %squeeze3A_72 = vector.shape_cast %slice3A_71 : vector<1x10x128xf32> to vector<10x128xf32>
    %slice3A_73 = vector.extract_strided_slice %reshape3A_9 {offsets = [3, 0, 0], sizes = [1, 10, 128], strides = [1, 1, 1]} : vector<32x10x128xf32> to vector<1x10x128xf32>
    %squeeze3A_74 = vector.shape_cast %slice3A_73 : vector<1x10x128xf32> to vector<10x128xf32>
    %sub3A_75 = arith.subf %squeeze3A_72, %squeeze3A_74 : vector<10x128xf32>
    %abs3A = math.absf %sub3A_75 : vector<10x128xf32>
    %slice3A_76 = vector.extract_strided_slice %reshape3A {offsets = [4, 0, 0], sizes = [1, 10, 128], strides = [1, 1, 1]} : vector<32x10x128xf32> to vector<1x10x128xf32>
    %squeeze3A_77 = vector.shape_cast %slice3A_76 : vector<1x10x128xf32> to vector<10x128xf32>
    %slice3A_78 = vector.extract_strided_slice %reshape3A_9 {offsets = [5, 0, 0], sizes = [1, 10, 128], strides = [1, 1, 1]} : vector<32x10x128xf32> to vector<1x10x128xf32>
    %squeeze3A_79 = vector.shape_cast %slice3A_78 : vector<1x10x128xf32> to vector<10x128xf32>
    %mul3A_80 = arith.mulf %squeeze3A_77, %squeeze3A_79 : vector<10x128xf32>
    %slice3A_81 = vector.extract_strided_slice %reshape3A {offsets = [5, 0, 0], sizes = [1, 10, 128], strides = [1, 1, 1]} : vector<32x10x128xf32> to vector<1x10x128xf32>
    %squeeze3A_82 = vector.shape_cast %slice3A_81 : vector<1x10x128xf32> to vector<10x128xf32>
    %slice3A_83 = vector.extract_strided_slice %reshape3A_9 {offsets = [4, 0, 0], sizes = [1, 10, 128], strides = [1, 1, 1]} : vector<32x10x128xf32> to vector<1x10x128xf32>
    %squeeze3A_84 = vector.shape_cast %slice3A_83 : vector<1x10x128xf32> to vector<10x128xf32>
    %mul3A_85 = arith.mulf %squeeze3A_82, %squeeze3A_84 : vector<10x128xf32>
    %add3A_86 = arith.addf %mul3A_80, %mul3A_85 : vector<10x128xf32>
    %slice3A_87 = vector.extract_strided_slice %reshape3A {offsets = [6, 0, 0], sizes = [1, 10, 128], strides = [1, 1, 1]} : vector<32x10x128xf32> to vector<1x10x128xf32>
    %squeeze3A_88 = vector.shape_cast %slice3A_87 : vector<1x10x128xf32> to vector<10x128xf32>
    %slice3A_89 = vector.extract_strided_slice %reshape3A_9 {offsets = [6, 0, 0], sizes = [1, 10, 128], strides = [1, 1, 1]} : vector<32x10x128xf32> to vector<1x10x128xf32>
    %squeeze3A_90 = vector.shape_cast %slice3A_89 : vector<1x10x128xf32> to vector<10x128xf32>
    %mul3A_91 = arith.mulf %squeeze3A_88, %squeeze3A_90 : vector<10x128xf32>
    %slice3A_92 = vector.extract_strided_slice %reshape3A {offsets = [9, 0, 0], sizes = [1, 10, 128], strides = [1, 1, 1]} : vector<32x10x128xf32> to vector<1x10x128xf32>
    %squeeze3A_93 = vector.shape_cast %slice3A_92 : vector<1x10x128xf32> to vector<10x128xf32>
    %slice3A_94 = vector.extract_strided_slice %reshape3A_9 {offsets = [9, 0, 0], sizes = [1, 10, 128], strides = [1, 1, 1]} : vector<32x10x128xf32> to vector<1x10x128xf32>
    %squeeze3A_95 = vector.shape_cast %slice3A_94 : vector<1x10x128xf32> to vector<10x128xf32>
    %mul3A_96 = arith.mulf %squeeze3A_93, %squeeze3A_95 : vector<10x128xf32>
    %slice3A_97 = vector.extract_strided_slice %reshape3A {offsets = [10, 0, 0], sizes = [1, 10, 128], strides = [1, 1, 1]} : vector<32x10x128xf32> to vector<1x10x128xf32>
    %squeeze3A_98 = vector.shape_cast %slice3A_97 : vector<1x10x128xf32> to vector<10x128xf32>
    %slice3A_99 = vector.extract_strided_slice %reshape3A_9 {offsets = [10, 0, 0], sizes = [1, 10, 128], strides = [1, 1, 1]} : vector<32x10x128xf32> to vector<1x10x128xf32>
    %squeeze3A_100 = vector.shape_cast %slice3A_99 : vector<1x10x128xf32> to vector<10x128xf32>
    %mul3A_101 = arith.mulf %squeeze3A_98, %squeeze3A_100 : vector<10x128xf32>
    %add3A_102 = arith.addf %mul3A_96, %mul3A_101 : vector<10x128xf32>
    %slice3A_103 = vector.extract_strided_slice %reshape3A {offsets = [11, 0, 0], sizes = [1, 10, 128], strides = [1, 1, 1]} : vector<32x10x128xf32> to vector<1x10x128xf32>
    %squeeze3A_104 = vector.shape_cast %slice3A_103 : vector<1x10x128xf32> to vector<10x128xf32>
    %slice3A_105 = vector.extract_strided_slice %reshape3A_9 {offsets = [11, 0, 0], sizes = [1, 10, 128], strides = [1, 1, 1]} : vector<32x10x128xf32> to vector<1x10x128xf32>
    %squeeze3A_106 = vector.shape_cast %slice3A_105 : vector<1x10x128xf32> to vector<10x128xf32>
    %mul3A_107 = arith.mulf %squeeze3A_104, %squeeze3A_106 : vector<10x128xf32>
    %add3A_108 = arith.addf %add3A_102, %mul3A_107 : vector<10x128xf32>
    %abs3A_109 = math.absf %add3A_108 : vector<10x128xf32>
    %mul3A_110 = arith.mulf %mul3A_91, %abs3A_109 : vector<10x128xf32>
    %slice3A_111 = vector.extract_strided_slice %reshape3A {offsets = [12, 0, 0], sizes = [1, 10, 128], strides = [1, 1, 1]} : vector<32x10x128xf32> to vector<1x10x128xf32>
    %squeeze3A_112 = vector.shape_cast %slice3A_111 : vector<1x10x128xf32> to vector<10x128xf32>
    %slice3A_113 = vector.extract_strided_slice %reshape3A_9 {offsets = [12, 0, 0], sizes = [1, 10, 128], strides = [1, 1, 1]} : vector<32x10x128xf32> to vector<1x10x128xf32>
    %squeeze3A_114 = vector.shape_cast %slice3A_113 : vector<1x10x128xf32> to vector<10x128xf32>
    %mul3A_115 = arith.mulf %squeeze3A_112, %squeeze3A_114 : vector<10x128xf32>
    %slice3A_116 = vector.extract_strided_slice %reshape3A {offsets = [13, 0, 0], sizes = [1, 10, 128], strides = [1, 1, 1]} : vector<32x10x128xf32> to vector<1x10x128xf32>
    %squeeze3A_117 = vector.shape_cast %slice3A_116 : vector<1x10x128xf32> to vector<10x128xf32>
    %slice3A_118 = vector.extract_strided_slice %reshape3A_9 {offsets = [13, 0, 0], sizes = [1, 10, 128], strides = [1, 1, 1]} : vector<32x10x128xf32> to vector<1x10x128xf32>
    %squeeze3A_119 = vector.shape_cast %slice3A_118 : vector<1x10x128xf32> to vector<10x128xf32>
    %mul3A_120 = arith.mulf %squeeze3A_117, %squeeze3A_119 : vector<10x128xf32>
    %add3A_121 = arith.addf %mul3A_115, %mul3A_120 : vector<10x128xf32>
    %slice3A_122 = vector.extract_strided_slice %reshape3A {offsets = [14, 0, 0], sizes = [1, 10, 128], strides = [1, 1, 1]} : vector<32x10x128xf32> to vector<1x10x128xf32>
    %squeeze3A_123 = vector.shape_cast %slice3A_122 : vector<1x10x128xf32> to vector<10x128xf32>
    %slice3A_124 = vector.extract_strided_slice %reshape3A_9 {offsets = [14, 0, 0], sizes = [1, 10, 128], strides = [1, 1, 1]} : vector<32x10x128xf32> to vector<1x10x128xf32>
    %squeeze3A_125 = vector.shape_cast %slice3A_124 : vector<1x10x128xf32> to vector<10x128xf32>
    %mul3A_126 = arith.mulf %squeeze3A_123, %squeeze3A_125 : vector<10x128xf32>
    %add3A_127 = arith.addf %add3A_121, %mul3A_126 : vector<10x128xf32>
    %abs3A_128 = math.absf %add3A_127 : vector<10x128xf32>
    %sub3A_129 = arith.constant 1.000000e+00 : f32
    %sub3A_130 = vector.broadcast %sub3A_129 : f32 to vector<10x128xf32>
    %sub3A_131 = arith.subf %sub3A_130, %abs3A_128 : vector<10x128xf32>
    %slice3A_132 = vector.extract_strided_slice %reshape3A {offsets = [7, 0, 0], sizes = [1, 10, 128], strides = [1, 1, 1]} : vector<32x10x128xf32> to vector<1x10x128xf32>
    %squeeze3A_133 = vector.shape_cast %slice3A_132 : vector<1x10x128xf32> to vector<10x128xf32>
    %slice3A_134 = vector.extract_strided_slice %reshape3A_9 {offsets = [7, 0, 0], sizes = [1, 10, 128], strides = [1, 1, 1]} : vector<32x10x128xf32> to vector<1x10x128xf32>
    %squeeze3A_135 = vector.shape_cast %slice3A_134 : vector<1x10x128xf32> to vector<10x128xf32>
    %mul3A_136 = arith.mulf %squeeze3A_133, %squeeze3A_135 : vector<10x128xf32>
    %slice3A_137 = vector.extract_strided_slice %reshape3A {offsets = [8, 0, 0], sizes = [1, 10, 128], strides = [1, 1, 1]} : vector<32x10x128xf32> to vector<1x10x128xf32>
    %squeeze3A_138 = vector.shape_cast %slice3A_137 : vector<1x10x128xf32> to vector<10x128xf32>
    %slice3A_139 = vector.extract_strided_slice %reshape3A_9 {offsets = [8, 0, 0], sizes = [1, 10, 128], strides = [1, 1, 1]} : vector<32x10x128xf32> to vector<1x10x128xf32>
    %squeeze3A_140 = vector.shape_cast %slice3A_139 : vector<1x10x128xf32> to vector<10x128xf32>
    %mul3A_141 = arith.mulf %squeeze3A_138, %squeeze3A_140 : vector<10x128xf32>
    %slice3A_142 = vector.extract_strided_slice %reshape3A {offsets = [7, 0, 0], sizes = [1, 10, 128], strides = [1, 1, 1]} : vector<32x10x128xf32> to vector<1x10x128xf32>
    %squeeze3A_143 = vector.shape_cast %slice3A_142 : vector<1x10x128xf32> to vector<10x128xf32>
    %slice3A_144 = vector.extract_strided_slice %reshape3A_9 {offsets = [8, 0, 0], sizes = [1, 10, 128], strides = [1, 1, 1]} : vector<32x10x128xf32> to vector<1x10x128xf32>
    %squeeze3A_145 = vector.shape_cast %slice3A_144 : vector<1x10x128xf32> to vector<10x128xf32>
    %mul3A_146 = arith.mulf %squeeze3A_143, %squeeze3A_145 : vector<10x128xf32>
    %slice3A_147 = vector.extract_strided_slice %reshape3A {offsets = [8, 0, 0], sizes = [1, 10, 128], strides = [1, 1, 1]} : vector<32x10x128xf32> to vector<1x10x128xf32>
    %squeeze3A_148 = vector.shape_cast %slice3A_147 : vector<1x10x128xf32> to vector<10x128xf32>
    %slice3A_149 = vector.extract_strided_slice %reshape3A_9 {offsets = [7, 0, 0], sizes = [1, 10, 128], strides = [1, 1, 1]} : vector<32x10x128xf32> to vector<1x10x128xf32>
    %squeeze3A_150 = vector.shape_cast %slice3A_149 : vector<1x10x128xf32> to vector<10x128xf32>
    %mul3A_151 = arith.mulf %squeeze3A_148, %squeeze3A_150 : vector<10x128xf32>
    %add3A_152 = arith.addf %mul3A_146, %mul3A_151 : vector<10x128xf32>
    %max3A_153 = arith.constant 9.99999997E-7 : f32
    %max3A_154 = vector.broadcast %max3A_153 : f32 to vector<10x128xf32>
    %max3A_155 = arith.maximumf %sqrt3A, %max3A_154 : vector<10x128xf32>
    %div3A_156 = arith.constant 1.000000e+00 : f32
    %div3A_157 = vector.broadcast %div3A_156 : f32 to vector<10x128xf32>
    %div3A_158 = arith.divf %div3A_157, %max3A_155 : vector<10x128xf32>
    %mul3A_159 = arith.constant 0.69813168 : f32
    %mul3A_160 = vector.broadcast %mul3A_159 : f32 to vector<10x128xf32>
    %mul3A_161 = arith.mulf %mul3A_160, %max3A_155 : vector<10x128xf32>
    %sin3A = math.sin %mul3A_161 : vector<10x128xf32>
    %cos3A = math.cos %mul3A_161 : vector<10x128xf32>
    %mul3A_162 = arith.constant 2.000000e+00 : f32
    %mul3A_163 = vector.broadcast %mul3A_162 : f32 to vector<10x128xf32>
    %mul3A_164 = arith.mulf %mul3A_163, %cos3A : vector<10x128xf32>
    %mul3A_165 = arith.mulf %mul3A_164, %sin3A : vector<10x128xf32>
    %mul3A_166 = arith.mulf %mul3A_164, %mul3A_165 : vector<10x128xf32>
    %sub3A_167 = arith.subf %mul3A_166, %sin3A : vector<10x128xf32>
    %mul3A_168 = arith.mulf %mul3A_164, %sub3A_167 : vector<10x128xf32>
    %sub3A_169 = arith.subf %mul3A_168, %mul3A_165 : vector<10x128xf32>
    %mul3A_170 = arith.mulf %mul3A_164, %sub3A_169 : vector<10x128xf32>
    %sub3A_171 = arith.subf %mul3A_170, %sub3A_167 : vector<10x128xf32>
    %mul3A_172 = arith.mulf %mul3A_164, %sub3A_171 : vector<10x128xf32>
    %sub3A_173 = arith.subf %mul3A_172, %sub3A_169 : vector<10x128xf32>
    %mul3A_174 = arith.mulf %mul3A_164, %sub3A_173 : vector<10x128xf32>
    %sub3A_175 = arith.subf %mul3A_174, %sub3A_171 : vector<10x128xf32>
    %mul3A_176 = arith.mulf %mul3A_164, %sub3A_175 : vector<10x128xf32>
    %sub3A_177 = arith.subf %mul3A_176, %sub3A_173 : vector<10x128xf32>
    %mul3A_178 = arith.mulf %mul3A_164, %sub3A_177 : vector<10x128xf32>
    %sub3A_179 = arith.subf %mul3A_178, %sub3A_175 : vector<10x128xf32>
    %mul3A_180 = arith.mulf %mul3A_164, %sub3A_179 : vector<10x128xf32>
    %sub3A_181 = arith.subf %mul3A_180, %sub3A_177 : vector<10x128xf32>
    %mul3A_182 = arith.mulf %mul3A_164, %sub3A_181 : vector<10x128xf32>
    %sub3A_183 = arith.subf %mul3A_182, %sub3A_179 : vector<10x128xf32>
    %mul3A_184 = arith.mulf %mul3A_164, %sub3A_183 : vector<10x128xf32>
    %sub3A_185 = arith.subf %mul3A_184, %sub3A_181 : vector<10x128xf32>
    %mul3A_186 = arith.mulf %mul3A_164, %sub3A_185 : vector<10x128xf32>
    %sub3A_187 = arith.subf %mul3A_186, %sub3A_183 : vector<10x128xf32>
    %mul3A_188 = arith.mulf %mul3A_164, %sub3A_187 : vector<10x128xf32>
    %sub3A_189 = arith.subf %mul3A_188, %sub3A_185 : vector<10x128xf32>
    %mul3A_190 = arith.mulf %mul3A_164, %sub3A_189 : vector<10x128xf32>
    %sub3A_191 = arith.subf %mul3A_190, %sub3A_187 : vector<10x128xf32>
    %mul3A_192 = arith.mulf %mul3A_164, %sub3A_191 : vector<10x128xf32>
    %sub3A_193 = arith.subf %mul3A_192, %sub3A_189 : vector<10x128xf32>
    %mul3A_194 = arith.mulf %mul3A_164, %sub3A_193 : vector<10x128xf32>
    %sub3A_195 = arith.subf %mul3A_194, %sub3A_191 : vector<10x128xf32>
    %mul3A_196 = arith.mulf %mul3A_164, %sub3A_195 : vector<10x128xf32>
    %sub3A_197 = arith.subf %mul3A_196, %sub3A_193 : vector<10x128xf32>
    %mul3A_198 = arith.mulf %mul3A_164, %sub3A_197 : vector<10x128xf32>
    %sub3A_199 = arith.subf %mul3A_198, %sub3A_195 : vector<10x128xf32>
    %mul3A_200 = arith.mulf %mul3A_164, %sub3A_199 : vector<10x128xf32>
    %sub3A_201 = arith.subf %mul3A_200, %sub3A_197 : vector<10x128xf32>
    %mul3A_202 = arith.mulf %mul3A_164, %sub3A_201 : vector<10x128xf32>
    %sub3A_203 = arith.subf %mul3A_202, %sub3A_199 : vector<10x128xf32>
    %mul3A_204 = arith.mulf %mul3A_164, %sub3A_203 : vector<10x128xf32>
    %sub3A_205 = arith.subf %mul3A_204, %sub3A_201 : vector<10x128xf32>
    %mul3A_206 = arith.mulf %mul3A_164, %sub3A_205 : vector<10x128xf32>
    %sub3A_207 = arith.subf %mul3A_206, %sub3A_203 : vector<10x128xf32>
    %mul3A_208 = arith.mulf %mul3A_164, %sub3A_207 : vector<10x128xf32>
    %sub3A_209 = arith.subf %mul3A_208, %sub3A_205 : vector<10x128xf32>
    %mul3A_210 = arith.mulf %sin3A, %div3A_158 : vector<10x128xf32>
    %mul3A_211 = arith.mulf %mul3A_165, %div3A_158 : vector<10x128xf32>
    %mul3A_212 = arith.mulf %sub3A_167, %div3A_158 : vector<10x128xf32>
    %mul3A_213 = arith.mulf %sub3A_169, %div3A_158 : vector<10x128xf32>
    %mul3A_214 = arith.mulf %sub3A_171, %div3A_158 : vector<10x128xf32>
    %mul3A_215 = arith.mulf %sub3A_173, %div3A_158 : vector<10x128xf32>
    %mul3A_216 = arith.mulf %sub3A_175, %div3A_158 : vector<10x128xf32>
    %mul3A_217 = arith.mulf %sub3A_177, %div3A_158 : vector<10x128xf32>
    %mul3A_218 = arith.mulf %sub3A_179, %div3A_158 : vector<10x128xf32>
    %mul3A_219 = arith.mulf %sub3A_181, %div3A_158 : vector<10x128xf32>
    %mul3A_220 = arith.mulf %sub3A_183, %div3A_158 : vector<10x128xf32>
    %mul3A_221 = arith.mulf %sub3A_185, %div3A_158 : vector<10x128xf32>
    %mul3A_222 = arith.mulf %sub3A_187, %div3A_158 : vector<10x128xf32>
    %mul3A_223 = arith.mulf %sub3A_189, %div3A_158 : vector<10x128xf32>
    %mul3A_224 = arith.mulf %sub3A_191, %div3A_158 : vector<10x128xf32>
    %mul3A_225 = arith.mulf %sub3A_193, %div3A_158 : vector<10x128xf32>
    %mul3A_226 = arith.mulf %sub3A_195, %div3A_158 : vector<10x128xf32>
    %mul3A_227 = arith.mulf %sub3A_197, %div3A_158 : vector<10x128xf32>
    %mul3A_228 = arith.mulf %sub3A_199, %div3A_158 : vector<10x128xf32>
    %mul3A_229 = arith.mulf %sub3A_201, %div3A_158 : vector<10x128xf32>
    %mul3A_230 = arith.mulf %sub3A_203, %div3A_158 : vector<10x128xf32>
    %mul3A_231 = arith.mulf %sub3A_205, %div3A_158 : vector<10x128xf32>
    %mul3A_232 = arith.mulf %sub3A_207, %div3A_158 : vector<10x128xf32>
    %mul3A_233 = arith.mulf %sub3A_209, %div3A_158 : vector<10x128xf32>
    %mul3A_234 = arith.constant 0.222222224 : f32
    %mul3A_235 = vector.broadcast %mul3A_234 : f32 to vector<10x128xf32>
    %mul3A_236 = arith.mulf %sqrt3A, %mul3A_235 : vector<10x128xf32>
    %stack3A = vector.shape_cast %mul3A_210 : vector<10x128xf32> to vector<1x10x128xf32>
    %stack3A_237 = vector.shape_cast %mul3A_211 : vector<10x128xf32> to vector<1x10x128xf32>
    %stack3A_238 = vector.shape_cast %mul3A_212 : vector<10x128xf32> to vector<1x10x128xf32>
    %stack3A_239 = vector.shape_cast %mul3A_213 : vector<10x128xf32> to vector<1x10x128xf32>
    %stack3A_240 = vector.shape_cast %mul3A_214 : vector<10x128xf32> to vector<1x10x128xf32>
    %stack3A_241 = vector.shape_cast %mul3A_215 : vector<10x128xf32> to vector<1x10x128xf32>
    %stack3A_242 = vector.shape_cast %mul3A_216 : vector<10x128xf32> to vector<1x10x128xf32>
    %stack3A_243 = vector.shape_cast %mul3A_217 : vector<10x128xf32> to vector<1x10x128xf32>
    %stack3A_244 = vector.shape_cast %mul3A_218 : vector<10x128xf32> to vector<1x10x128xf32>
    %stack3A_245 = vector.shape_cast %mul3A_219 : vector<10x128xf32> to vector<1x10x128xf32>
    %stack3A_246 = vector.shape_cast %mul3A_220 : vector<10x128xf32> to vector<1x10x128xf32>
    %stack3A_247 = vector.shape_cast %mul3A_221 : vector<10x128xf32> to vector<1x10x128xf32>
    %stack3A_248 = vector.shape_cast %mul3A_222 : vector<10x128xf32> to vector<1x10x128xf32>
    %stack3A_249 = vector.shape_cast %mul3A_223 : vector<10x128xf32> to vector<1x10x128xf32>
    %stack3A_250 = vector.shape_cast %mul3A_224 : vector<10x128xf32> to vector<1x10x128xf32>
    %stack3A_251 = vector.shape_cast %mul3A_225 : vector<10x128xf32> to vector<1x10x128xf32>
    %stack3A_252 = vector.shape_cast %mul3A_226 : vector<10x128xf32> to vector<1x10x128xf32>
    %stack3A_253 = vector.shape_cast %mul3A_227 : vector<10x128xf32> to vector<1x10x128xf32>
    %stack3A_254 = vector.shape_cast %mul3A_228 : vector<10x128xf32> to vector<1x10x128xf32>
    %stack3A_255 = vector.shape_cast %mul3A_229 : vector<10x128xf32> to vector<1x10x128xf32>
    %stack3A_256 = vector.shape_cast %mul3A_230 : vector<10x128xf32> to vector<1x10x128xf32>
    %stack3A_257 = vector.shape_cast %mul3A_231 : vector<10x128xf32> to vector<1x10x128xf32>
    %stack3A_258 = vector.shape_cast %mul3A_232 : vector<10x128xf32> to vector<1x10x128xf32>
    %stack3A_259 = vector.shape_cast %mul3A_233 : vector<10x128xf32> to vector<1x10x128xf32>
    %stack3A_260 = vector.shape_cast %mul3A_236 : vector<10x128xf32> to vector<1x10x128xf32>
    %stack3A_261 = vector.shape_cast %div3A_32 : vector<10x128xf32> to vector<1x10x128xf32>
    %stack3A_262 = vector.shape_cast %mul3A_69 : vector<10x128xf32> to vector<1x10x128xf32>
    %stack3A_263 = vector.shape_cast %abs3A : vector<10x128xf32> to vector<1x10x128xf32>
    %stack3A_264 = vector.shape_cast %mul3A_64 : vector<10x128xf32> to vector<1x10x128xf32>
    %stack3A_265 = vector.shape_cast %mul3A_70 : vector<10x128xf32> to vector<1x10x128xf32>
    %stack3A_266 = vector.shape_cast %add3A_86 : vector<10x128xf32> to vector<1x10x128xf32>
    %stack3A_267 = vector.shape_cast %mul3A_110 : vector<10x128xf32> to vector<1x10x128xf32>
    %stack3A_268 = vector.shape_cast %mul3A_136 : vector<10x128xf32> to vector<1x10x128xf32>
    %stack3A_269 = vector.shape_cast %add3A_86 : vector<10x128xf32> to vector<1x10x128xf32>
    %stack3A_270 = vector.shape_cast %mul3A_91 : vector<10x128xf32> to vector<1x10x128xf32>
    %stack3A_271 = vector.shape_cast %mul3A_110 : vector<10x128xf32> to vector<1x10x128xf32>
    %stack3A_272 = vector.shape_cast %add3A_127 : vector<10x128xf32> to vector<1x10x128xf32>
    %stack3A_273 = vector.shape_cast %sub3A_131 : vector<10x128xf32> to vector<1x10x128xf32>
    %stack3A_274 = vector.shape_cast %mul3A_136 : vector<10x128xf32> to vector<1x10x128xf32>
    %stack3A_275 = vector.shape_cast %mul3A_141 : vector<10x128xf32> to vector<1x10x128xf32>
    %stack3A_276 = vector.shape_cast %add3A_152 : vector<10x128xf32> to vector<1x10x128xf32>
    %stack3A_277 = tpu.concatenate %stack3A, %stack3A_237, %stack3A_238, %stack3A_239, %stack3A_240, %stack3A_241, %stack3A_242, %stack3A_243, %stack3A_244, %stack3A_245, %stack3A_246, %stack3A_247, %stack3A_248, %stack3A_249, %stack3A_250, %stack3A_251, %stack3A_252, %stack3A_253, %stack3A_254, %stack3A_255, %stack3A_256, %stack3A_257, %stack3A_258, %stack3A_259, %stack3A_260, %stack3A_261, %stack3A_262, %stack3A_263, %stack3A_264, %stack3A_265, %stack3A_266, %stack3A_267, %stack3A_268, %stack3A_269, %stack3A_270, %stack3A_271, %stack3A_272, %stack3A_273, %stack3A_274, %stack3A_275, %stack3A_276 in 0 : vector<1x10x128xf32>, vector<1x10x128xf32>, vector<1x10x128xf32>, vector<1x10x128xf32>, vector<1x10x128xf32>, vector<1x10x128xf32>, vector<1x10x128xf32>, vector<1x10x128xf32>, vector<1x10x128xf32>, vector<1x10x128xf32>, vector<1x10x128xf32>, vector<1x10x128xf32>, vector<1x10x128xf32>, vector<1x10x128xf32>, vector<1x10x128xf32>, vector<1x10x128xf32>, vector<1x10x128xf32>, vector<1x10x128xf32>, vector<1x10x128xf32>, vector<1x10x128xf32>, vector<1x10x128xf32>, vector<1x10x128xf32>, vector<1x10x128xf32>, vector<1x10x128xf32>, vector<1x10x128xf32>, vector<1x10x128xf32>, vector<1x10x128xf32>, vector<1x10x128xf32>, vector<1x10x128xf32>, vector<1x10x128xf32>, vector<1x10x128xf32>, vector<1x10x128xf32>, vector<1x10x128xf32>, vector<1x10x128xf32>, vector<1x10x128xf32>, vector<1x10x128xf32>, vector<1x10x128xf32>, vector<1x10x128xf32>, vector<1x10x128xf32>, vector<1x10x128xf32>, vector<1x10x128xf32> -> vector<41x10x128xf32>
    %reshape3A_278 = vector.shape_cast %stack3A_277 : vector<41x10x128xf32> to vector<41x1280xf32>
    %transpose3A_279 = tpu.transpose %reshape3A_278, [1, 0] : vector<41x1280xf32> -> vector<1280x41xf32>
    %slice3A_280 = vector.extract_strided_slice %transpose3A_279 {offsets = [0, 33], sizes = [1280, 8], strides = [1, 1]} : vector<1280x41xf32> to vector<1280x8xf32>
    %broadcast_in_dim3A = arith.constant 0.000000e+00 : f32
    %broadcast_in_dim3A_281 = vector.broadcast %broadcast_in_dim3A : f32 to vector<1280x8xf32>
    %concatenate3A = tpu.concatenate %slice3A_280, %broadcast_in_dim3A_281 in 1 : vector<1280x8xf32>, vector<1280x8xf32> -> vector<1280x16xf32>
    %get3A_282 = arith.constant 0 : index
    %get3A_283 = arith.constant 0 : index
    %get3A_284 = vector.load %arg9[%get3A_282, %get3A_283] : memref<16x64xf32, #tpu.memory_space<vmem>>, vector<16x64xf32>
    %dot_general3A = arith.constant dense<0.000000e+00> : vector<1280x64xf32>
    %dot_general3A_285 = tpu.matmul %concatenate3A, %get3A_284, %dot_general3A {dimension_numbers = #tpu.dot_dimension_numbers<[1], [0], [0], [1], [0, 0, 1, 1], [], []>, transpose_lhs_hint = false} : vector<1280x16xf32>, vector<16x64xf32>, vector<1280x64xf32> -> vector<1280x64xf32>
    %get3A_286 = arith.constant 0 : index
    %get3A_287 = arith.constant 0 : index
    %get3A_288 = vector.load %arg10[%get3A_286, %get3A_287] : memref<1x64xf32, #tpu.memory_space<vmem>>, vector<1x64xf32>
    %add3A_289 = vector.broadcast %get3A_288 : vector<1x64xf32> to vector<1280x64xf32>
    %add3A_290 = arith.addf %dot_general3A_285, %add3A_289 : vector<1280x64xf32>
    %logistic3A = arith.negf %add3A_290 : vector<1280x64xf32>
    %logistic3A_291 = math.exp %logistic3A : vector<1280x64xf32>
    %logistic3A_292 = arith.constant 1.000000e+00 : f32
    %logistic3A_293 = vector.broadcast %logistic3A_292 : f32 to vector<1280x64xf32>
    %logistic3A_294 = arith.addf %logistic3A_293, %logistic3A_291 : vector<1280x64xf32>
    %logistic3A_295 = arith.divf %logistic3A_293, %logistic3A_294 : vector<1280x64xf32>
    %mul3A_296 = arith.mulf %add3A_290, %logistic3A_295 : vector<1280x64xf32>
    %get3A_297 = arith.constant 0 : index
    %get3A_298 = arith.constant 0 : index
    %get3A_299 = vector.load %arg11[%get3A_297, %get3A_298] : memref<64x64xf32, #tpu.memory_space<vmem>>, vector<64x64xf32>
    %dot_general3A_300 = arith.constant dense<0.000000e+00> : vector<1280x64xf32>
    %dot_general3A_301 = tpu.matmul %mul3A_296, %get3A_299, %dot_general3A_300 {dimension_numbers = #tpu.dot_dimension_numbers<[1], [0], [0], [1], [0, 0, 1, 1], [], []>, transpose_lhs_hint = false} : vector<1280x64xf32>, vector<64x64xf32>, vector<1280x64xf32> -> vector<1280x64xf32>
    %get3A_302 = arith.constant 0 : index
    %get3A_303 = arith.constant 0 : index
    %get3A_304 = vector.load %arg12[%get3A_302, %get3A_303] : memref<1x64xf32, #tpu.memory_space<vmem>>, vector<1x64xf32>
    %add3A_305 = vector.broadcast %get3A_304 : vector<1x64xf32> to vector<1280x64xf32>
    %add3A_306 = arith.addf %dot_general3A_301, %add3A_305 : vector<1280x64xf32>
    %slice3A_307 = vector.extract_strided_slice %transpose3A_279 {offsets = [0, 0], sizes = [1280, 33], strides = [1, 1]} : vector<1280x41xf32> to vector<1280x33xf32>
    %broadcast_in_dim3A_308 = arith.constant 0.000000e+00 : f32
    %broadcast_in_dim3A_309 = vector.broadcast %broadcast_in_dim3A_308 : f32 to vector<1280x31xf32>
    %concatenate3A_310 = tpu.concatenate %slice3A, %slice3A_5, %slice3A_307, %add3A_306, %broadcast_in_dim3A_309 in 1 : vector<1280x128xf32>, vector<1280x128xf32>, vector<1280x33xf32>, vector<1280x64xf32>, vector<1280x31xf32> -> vector<1280x384xf32>
    %mul3A_311 = arith.mulf %concatenate3A_310, %concatenate3A_310 : vector<1280x384xf32>
    %concatenate3A_312 = tpu.concatenate %concatenate3A_310, %mul3A_311 in 0 : vector<1280x384xf32>, vector<1280x384xf32> -> vector<2560x384xf32>
    %broadcast_in_dim3A_313 = arith.constant 1.000000e+00 : f32
    %broadcast_in_dim3A_314 = vector.broadcast %broadcast_in_dim3A_313 : f32 to vector<384x8xf32>
    %dot_general3A_315 = arith.constant dense<0.000000e+00> : vector<2560x8xf32>
    %dot_general3A_316 = tpu.matmul %concatenate3A_312, %broadcast_in_dim3A_314, %dot_general3A_315 {dimension_numbers = #tpu.dot_dimension_numbers<[1], [0], [0], [1], [0, 0, 1, 1], [], []>, transpose_lhs_hint = false} : vector<2560x384xf32>, vector<384x8xf32>, vector<2560x8xf32> -> vector<2560x8xf32>
    %slice3A_317 = vector.extract_strided_slice %dot_general3A_316 {offsets = [0, 0], sizes = [1280, 1], strides = [1, 1]} : vector<2560x8xf32> to vector<1280x1xf32>
    %mul3A_318 = arith.constant 0.00283286115 : f32
    %mul3A_319 = vector.broadcast %mul3A_318 : f32 to vector<1280x1xf32>
    %mul3A_320 = arith.mulf %slice3A_317, %mul3A_319 : vector<1280x1xf32>
    %slice3A_321 = vector.extract_strided_slice %dot_general3A_316 {offsets = [1280, 0], sizes = [1280, 1], strides = [1, 1]} : vector<2560x8xf32> to vector<1280x1xf32>
    %mul3A_322 = arith.constant 0.00283286115 : f32
    %mul3A_323 = vector.broadcast %mul3A_322 : f32 to vector<1280x1xf32>
    %mul3A_324 = arith.mulf %slice3A_321, %mul3A_323 : vector<1280x1xf32>
    %mul3A_325 = arith.mulf %mul3A_320, %mul3A_320 : vector<1280x1xf32>
    %sub3A_326 = arith.subf %mul3A_324, %mul3A_325 : vector<1280x1xf32>
    %sub3A_327 = vector.broadcast %mul3A_320 : vector<1280x1xf32> to vector<1280x384xf32>
    %sub3A_328 = arith.subf %concatenate3A_310, %sub3A_327 : vector<1280x384xf32>
    %add3A_329 = arith.constant 9.99999974E-6 : f32
    %add3A_330 = vector.broadcast %add3A_329 : f32 to vector<1280x1xf32>
    %add3A_331 = arith.addf %sub3A_326, %add3A_330 : vector<1280x1xf32>
    %rsqrt3A = math.rsqrt %add3A_331 : vector<1280x1xf32>
    %mul3A_332 = vector.broadcast %rsqrt3A : vector<1280x1xf32> to vector<1280x384xf32>
    %mul3A_333 = arith.mulf %sub3A_328, %mul3A_332 : vector<1280x384xf32>
    %get3A_334 = arith.constant 0 : index
    %get3A_335 = arith.constant 0 : index
    %get3A_336 = vector.load %arg13[%get3A_334, %get3A_335] : memref<1x384xf32, #tpu.memory_space<vmem>>, vector<1x384xf32>
    %mul3A_337 = vector.broadcast %get3A_336 : vector<1x384xf32> to vector<1280x384xf32>
    %mul3A_338 = arith.mulf %mul3A_333, %mul3A_337 : vector<1280x384xf32>
    %get3A_339 = arith.constant 0 : index
    %get3A_340 = arith.constant 0 : index
    %get3A_341 = vector.load %arg14[%get3A_339, %get3A_340] : memref<1x384xf32, #tpu.memory_space<vmem>>, vector<1x384xf32>
    %add3A_342 = vector.broadcast %get3A_341 : vector<1x384xf32> to vector<1280x384xf32>
    %add3A_343 = arith.addf %mul3A_338, %add3A_342 : vector<1280x384xf32>
    %convert_element_type3A = arith.truncf %add3A_343 : vector<1280x384xf32> to vector<1280x384xbf16>
    %get3A_344 = arith.constant 0 : index
    %get3A_345 = arith.constant 0 : index
    %get3A_346 = vector.load %arg3[%get3A_344, %get3A_345] : memref<384x640xbf16, #tpu.memory_space<vmem>>, vector<384x640xbf16>
    %dot_general3A_347 = arith.constant dense<0.000000e+00> : vector<1280x640xf32>
    %dot_general3A_348 = tpu.matmul %convert_element_type3A, %get3A_346, %dot_general3A_347 {dimension_numbers = #tpu.dot_dimension_numbers<[1], [0], [0], [1], [0, 0, 1, 1], [], []>, transpose_lhs_hint = false} : vector<1280x384xbf16>, vector<384x640xbf16>, vector<1280x640xf32> -> vector<1280x640xf32>
    %get3A_349 = arith.constant 0 : index
    %get3A_350 = arith.constant 0 : index
    %get3A_351 = vector.load %arg4[%get3A_349, %get3A_350] : memref<1x640xf32, #tpu.memory_space<vmem>>, vector<1x640xf32>
    %add3A_352 = vector.broadcast %get3A_351 : vector<1x640xf32> to vector<1280x640xf32>
    %add3A_353 = arith.addf %dot_general3A_348, %add3A_352 : vector<1280x640xf32>
    %logistic3A_354 = arith.negf %add3A_353 : vector<1280x640xf32>
    %logistic3A_355 = math.exp %logistic3A_354 : vector<1280x640xf32>
    %logistic3A_356 = arith.constant 1.000000e+00 : f32
    %logistic3A_357 = vector.broadcast %logistic3A_356 : f32 to vector<1280x640xf32>
    %logistic3A_358 = arith.addf %logistic3A_357, %logistic3A_355 : vector<1280x640xf32>
    %logistic3A_359 = arith.divf %logistic3A_357, %logistic3A_358 : vector<1280x640xf32>
    %mul3A_360 = arith.mulf %add3A_353, %logistic3A_359 : vector<1280x640xf32>
    %slice3A_361 = vector.extract_strided_slice %mul3A_360 {offsets = [0, 0], sizes = [1280, 128], strides = [1, 1]} : vector<1280x640xf32> to vector<1280x128xf32>
    %get3A_362 = arith.constant 0 : index
    %get3A_363 = arith.constant 0 : index
    %get3A_364 = vector.load %arg5[%get3A_362, %get3A_363] : memref<128x8xf32, #tpu.memory_space<vmem>>, vector<128x8xf32>
    %dot_general3A_365 = arith.constant dense<0.000000e+00> : vector<1280x8xf32>
    %dot_general3A_366 = tpu.matmul %slice3A_361, %get3A_364, %dot_general3A_365 {dimension_numbers = #tpu.dot_dimension_numbers<[1], [0], [0], [1], [0, 0, 1, 1], [], []>, transpose_lhs_hint = false} : vector<1280x128xf32>, vector<128x8xf32>, vector<1280x8xf32> -> vector<1280x8xf32>
    %get3A_367 = arith.constant 0 : index
    %get3A_368 = arith.constant 0 : index
    %get3A_369 = vector.load %arg6[%get3A_367, %get3A_368] : memref<1x8xf32, #tpu.memory_space<vmem>>, vector<1x8xf32>
    %add3A_370 = vector.broadcast %get3A_369 : vector<1x8xf32> to vector<1280x8xf32>
    %add3A_371 = arith.addf %dot_general3A_366, %add3A_370 : vector<1280x8xf32>
    %slice3A_372 = vector.extract_strided_slice %add3A_371 {offsets = [0, 0], sizes = [1280, 4], strides = [1, 1]} : vector<1280x8xf32> to vector<1280x4xf32>
    %reduce_max3A = arith.constant dense<0xFF800000> : vector<1280xf32>
    %reduce_max3A_373 = vector.multi_reduction <maximumf>, %slice3A_372, %reduce_max3A [1] : vector<1280x4xf32> to vector<1280xf32>
    %broadcast_in_dim3A_374 = vector.shape_cast %reduce_max3A_373 : vector<1280xf32> to vector<1280x1xf32>
    %sub3A_375 = vector.broadcast %broadcast_in_dim3A_374 : vector<1280x1xf32> to vector<1280x4xf32>
    %sub3A_376 = arith.subf %slice3A_372, %sub3A_375 : vector<1280x4xf32>
    %exp3A = math.exp %sub3A_376 : vector<1280x4xf32>
    %reduce_sum3A = arith.constant dense<0.000000e+00> : vector<1280xf32>
    %reduce_sum3A_377 = vector.multi_reduction <add>, %exp3A, %reduce_sum3A [1] : vector<1280x4xf32> to vector<1280xf32>
    %broadcast_in_dim3A_378 = vector.shape_cast %reduce_sum3A_377 : vector<1280xf32> to vector<1280x1xf32>
    %div3A_379 = vector.broadcast %broadcast_in_dim3A_378 : vector<1280x1xf32> to vector<1280x4xf32>
    %div3A_380 = arith.divf %exp3A, %div3A_379 : vector<1280x4xf32>
    %broadcast_in_dim3A_381 = arith.constant 0.000000e+00 : f32
    %broadcast_in_dim3A_382 = vector.broadcast %broadcast_in_dim3A_381 : f32 to vector<1280x128xf32>
    %slice3A_383 = vector.extract_strided_slice %mul3A_360 {offsets = [0, 128], sizes = [1280, 128], strides = [1, 1]} : vector<1280x640xf32> to vector<1280x128xf32>
    %convert_element_type3A_384 = arith.truncf %slice3A_383 : vector<1280x128xf32> to vector<1280x128xbf16>
    %get3A_385 = arith.constant 0 : index
    %get3A_386 = arith.constant 0 : index
    %get3A_387 = vector.load %arg7[%get3A_385, %get3A_386] : memref<512x128xbf16, #tpu.memory_space<vmem>>, vector<128x128xbf16>
    %dot_general3A_388 = arith.constant dense<0.000000e+00> : vector<1280x128xf32>
    %dot_general3A_389 = tpu.matmul %convert_element_type3A_384, %get3A_387, %dot_general3A_388 {dimension_numbers = #tpu.dot_dimension_numbers<[1], [0], [0], [1], [0, 0, 1, 1], [], []>, transpose_lhs_hint = false} : vector<1280x128xbf16>, vector<128x128xbf16>, vector<1280x128xf32> -> vector<1280x128xf32>
    %get3A_390 = arith.constant 0 : index
    %get3A_391 = arith.constant 0 : index
    %get3A_392 = vector.load %arg8[%get3A_390, %get3A_391] : memref<4x128xf32, #tpu.memory_space<vmem>>, vector<1x128xf32>
    %add3A_393 = vector.broadcast %get3A_392 : vector<1x128xf32> to vector<1280x128xf32>
    %add3A_394 = arith.addf %dot_general3A_389, %add3A_393 : vector<1280x128xf32>
    %logistic3A_395 = arith.negf %add3A_394 : vector<1280x128xf32>
    %logistic3A_396 = math.exp %logistic3A_395 : vector<1280x128xf32>
    %logistic3A_397 = arith.constant 1.000000e+00 : f32
    %logistic3A_398 = vector.broadcast %logistic3A_397 : f32 to vector<1280x128xf32>
    %logistic3A_399 = arith.addf %logistic3A_398, %logistic3A_396 : vector<1280x128xf32>
    %logistic3A_400 = arith.divf %logistic3A_398, %logistic3A_399 : vector<1280x128xf32>
    %mul3A_401 = arith.mulf %add3A_394, %logistic3A_400 : vector<1280x128xf32>
    %slice3A_402 = vector.extract_strided_slice %div3A_380 {offsets = [0, 0], sizes = [1280, 1], strides = [1, 1]} : vector<1280x4xf32> to vector<1280x1xf32>
    %mul3A_403 = vector.broadcast %slice3A_402 : vector<1280x1xf32> to vector<1280x128xf32>
    %mul3A_404 = arith.mulf %mul3A_403, %mul3A_401 : vector<1280x128xf32>
    %add3A_405 = arith.addf %broadcast_in_dim3A_382, %mul3A_404 : vector<1280x128xf32>
    %slice3A_406 = vector.extract_strided_slice %mul3A_360 {offsets = [0, 256], sizes = [1280, 128], strides = [1, 1]} : vector<1280x640xf32> to vector<1280x128xf32>
    %convert_element_type3A_407 = arith.truncf %slice3A_406 : vector<1280x128xf32> to vector<1280x128xbf16>
    %get3A_408 = arith.constant 128 : index
    %get3A_409 = arith.constant 0 : index
    %get3A_410 = vector.load %arg7[%get3A_408, %get3A_409] : memref<512x128xbf16, #tpu.memory_space<vmem>>, vector<128x128xbf16>
    %dot_general3A_411 = arith.constant dense<0.000000e+00> : vector<1280x128xf32>
    %dot_general3A_412 = tpu.matmul %convert_element_type3A_407, %get3A_410, %dot_general3A_411 {dimension_numbers = #tpu.dot_dimension_numbers<[1], [0], [0], [1], [0, 0, 1, 1], [], []>, transpose_lhs_hint = false} : vector<1280x128xbf16>, vector<128x128xbf16>, vector<1280x128xf32> -> vector<1280x128xf32>
    %get3A_413 = arith.constant 1 : index
    %get3A_414 = arith.constant 0 : index
    %get3A_415 = vector.load %arg8[%get3A_413, %get3A_414] : memref<4x128xf32, #tpu.memory_space<vmem>>, vector<1x128xf32>
    %add3A_416 = vector.broadcast %get3A_415 : vector<1x128xf32> to vector<1280x128xf32>
    %add3A_417 = arith.addf %dot_general3A_412, %add3A_416 : vector<1280x128xf32>
    %logistic3A_418 = arith.negf %add3A_417 : vector<1280x128xf32>
    %logistic3A_419 = math.exp %logistic3A_418 : vector<1280x128xf32>
    %logistic3A_420 = arith.constant 1.000000e+00 : f32
    %logistic3A_421 = vector.broadcast %logistic3A_420 : f32 to vector<1280x128xf32>
    %logistic3A_422 = arith.addf %logistic3A_421, %logistic3A_419 : vector<1280x128xf32>
    %logistic3A_423 = arith.divf %logistic3A_421, %logistic3A_422 : vector<1280x128xf32>
    %mul3A_424 = arith.mulf %add3A_417, %logistic3A_423 : vector<1280x128xf32>
    %slice3A_425 = vector.extract_strided_slice %div3A_380 {offsets = [0, 1], sizes = [1280, 1], strides = [1, 1]} : vector<1280x4xf32> to vector<1280x1xf32>
    %mul3A_426 = vector.broadcast %slice3A_425 : vector<1280x1xf32> to vector<1280x128xf32>
    %mul3A_427 = arith.mulf %mul3A_426, %mul3A_424 : vector<1280x128xf32>
    %add3A_428 = arith.addf %add3A_405, %mul3A_427 : vector<1280x128xf32>
    %slice3A_429 = vector.extract_strided_slice %mul3A_360 {offsets = [0, 384], sizes = [1280, 128], strides = [1, 1]} : vector<1280x640xf32> to vector<1280x128xf32>
    %convert_element_type3A_430 = arith.truncf %slice3A_429 : vector<1280x128xf32> to vector<1280x128xbf16>
    %get3A_431 = arith.constant 256 : index
    %get3A_432 = arith.constant 0 : index
    %get3A_433 = vector.load %arg7[%get3A_431, %get3A_432] : memref<512x128xbf16, #tpu.memory_space<vmem>>, vector<128x128xbf16>
    %dot_general3A_434 = arith.constant dense<0.000000e+00> : vector<1280x128xf32>
    %dot_general3A_435 = tpu.matmul %convert_element_type3A_430, %get3A_433, %dot_general3A_434 {dimension_numbers = #tpu.dot_dimension_numbers<[1], [0], [0], [1], [0, 0, 1, 1], [], []>, transpose_lhs_hint = false} : vector<1280x128xbf16>, vector<128x128xbf16>, vector<1280x128xf32> -> vector<1280x128xf32>
    %get3A_436 = arith.constant 2 : index
    %get3A_437 = arith.constant 0 : index
    %get3A_438 = vector.load %arg8[%get3A_436, %get3A_437] : memref<4x128xf32, #tpu.memory_space<vmem>>, vector<1x128xf32>
    %add3A_439 = vector.broadcast %get3A_438 : vector<1x128xf32> to vector<1280x128xf32>
    %add3A_440 = arith.addf %dot_general3A_435, %add3A_439 : vector<1280x128xf32>
    %logistic3A_441 = arith.negf %add3A_440 : vector<1280x128xf32>
    %logistic3A_442 = math.exp %logistic3A_441 : vector<1280x128xf32>
    %logistic3A_443 = arith.constant 1.000000e+00 : f32
    %logistic3A_444 = vector.broadcast %logistic3A_443 : f32 to vector<1280x128xf32>
    %logistic3A_445 = arith.addf %logistic3A_444, %logistic3A_442 : vector<1280x128xf32>
    %logistic3A_446 = arith.divf %logistic3A_444, %logistic3A_445 : vector<1280x128xf32>
    %mul3A_447 = arith.mulf %add3A_440, %logistic3A_446 : vector<1280x128xf32>
    %slice3A_448 = vector.extract_strided_slice %div3A_380 {offsets = [0, 2], sizes = [1280, 1], strides = [1, 1]} : vector<1280x4xf32> to vector<1280x1xf32>
    %mul3A_449 = vector.broadcast %slice3A_448 : vector<1280x1xf32> to vector<1280x128xf32>
    %mul3A_450 = arith.mulf %mul3A_449, %mul3A_447 : vector<1280x128xf32>
    %add3A_451 = arith.addf %add3A_428, %mul3A_450 : vector<1280x128xf32>
    %slice3A_452 = vector.extract_strided_slice %mul3A_360 {offsets = [0, 512], sizes = [1280, 128], strides = [1, 1]} : vector<1280x640xf32> to vector<1280x128xf32>
    %convert_element_type3A_453 = arith.truncf %slice3A_452 : vector<1280x128xf32> to vector<1280x128xbf16>
    %get3A_454 = arith.constant 384 : index
    %get3A_455 = arith.constant 0 : index
    %get3A_456 = vector.load %arg7[%get3A_454, %get3A_455] : memref<512x128xbf16, #tpu.memory_space<vmem>>, vector<128x128xbf16>
    %dot_general3A_457 = arith.constant dense<0.000000e+00> : vector<1280x128xf32>
    %dot_general3A_458 = tpu.matmul %convert_element_type3A_453, %get3A_456, %dot_general3A_457 {dimension_numbers = #tpu.dot_dimension_numbers<[1], [0], [0], [1], [0, 0, 1, 1], [], []>, transpose_lhs_hint = false} : vector<1280x128xbf16>, vector<128x128xbf16>, vector<1280x128xf32> -> vector<1280x128xf32>
    %get3A_459 = arith.constant 3 : index
    %get3A_460 = arith.constant 0 : index
    %get3A_461 = vector.load %arg8[%get3A_459, %get3A_460] : memref<4x128xf32, #tpu.memory_space<vmem>>, vector<1x128xf32>
    %add3A_462 = vector.broadcast %get3A_461 : vector<1x128xf32> to vector<1280x128xf32>
    %add3A_463 = arith.addf %dot_general3A_458, %add3A_462 : vector<1280x128xf32>
    %logistic3A_464 = arith.negf %add3A_463 : vector<1280x128xf32>
    %logistic3A_465 = math.exp %logistic3A_464 : vector<1280x128xf32>
    %logistic3A_466 = arith.constant 1.000000e+00 : f32
    %logistic3A_467 = vector.broadcast %logistic3A_466 : f32 to vector<1280x128xf32>
    %logistic3A_468 = arith.addf %logistic3A_467, %logistic3A_465 : vector<1280x128xf32>
    %logistic3A_469 = arith.divf %logistic3A_467, %logistic3A_468 : vector<1280x128xf32>
    %mul3A_470 = arith.mulf %add3A_463, %logistic3A_469 : vector<1280x128xf32>
    %slice3A_471 = vector.extract_strided_slice %div3A_380 {offsets = [0, 3], sizes = [1280, 1], strides = [1, 1]} : vector<1280x4xf32> to vector<1280x1xf32>
    %mul3A_472 = vector.broadcast %slice3A_471 : vector<1280x1xf32> to vector<1280x128xf32>
    %mul3A_473 = arith.mulf %mul3A_472, %mul3A_470 : vector<1280x128xf32>
    %add3A_474 = arith.addf %add3A_451, %mul3A_473 : vector<1280x128xf32>
    %convert_element_type3A_475 = arith.truncf %add3A_474 : vector<1280x128xf32> to vector<1280x128xbf16>
    %get3A_476 = arith.constant 0 : index
    %get3A_477 = arith.constant 0 : index
    %get3A_478 = vector.load %arg15[%get3A_476, %get3A_477] : memref<128x384xbf16, #tpu.memory_space<vmem>>, vector<128x384xbf16>
    %dot_general3A_479 = arith.constant dense<0.000000e+00> : vector<1280x384xf32>
    %dot_general3A_480 = tpu.matmul %convert_element_type3A_475, %get3A_478, %dot_general3A_479 {dimension_numbers = #tpu.dot_dimension_numbers<[1], [0], [0], [1], [0, 0, 1, 1], [], []>, transpose_lhs_hint = false} : vector<1280x128xbf16>, vector<128x384xbf16>, vector<1280x384xf32> -> vector<1280x384xf32>
    %get3A_481 = arith.constant 0 : index
    %get3A_482 = arith.constant 0 : index
    %get3A_483 = vector.load %arg16[%get3A_481, %get3A_482] : memref<1x384xf32, #tpu.memory_space<vmem>>, vector<1x384xf32>
    %add3A_484 = vector.broadcast %get3A_483 : vector<1x384xf32> to vector<1280x384xf32>
    %add3A_485 = arith.addf %dot_general3A_480, %add3A_484 : vector<1280x384xf32>
    %slice3A_486 = vector.extract_strided_slice %add3A_485 {offsets = [0, 256], sizes = [1280, 128], strides = [1, 1]} : vector<1280x384xf32> to vector<1280x128xf32>
    %logistic3A_487 = arith.negf %slice3A_486 : vector<1280x128xf32>
    %logistic3A_488 = math.exp %logistic3A_487 : vector<1280x128xf32>
    %logistic3A_489 = arith.constant 1.000000e+00 : f32
    %logistic3A_490 = vector.broadcast %logistic3A_489 : f32 to vector<1280x128xf32>
    %logistic3A_491 = arith.addf %logistic3A_490, %logistic3A_488 : vector<1280x128xf32>
    %logistic3A_492 = arith.divf %logistic3A_490, %logistic3A_491 : vector<1280x128xf32>
    %mul3A_493 = arith.mulf %slice3A_486, %logistic3A_492 : vector<1280x128xf32>
    %get3A_494 = arith.constant 0 : index
    %get3A_495 = arith.constant 0 : index
    %get3A_496 = vector.load %arg17[%get3A_494, %get3A_495] : memref<128x2xf32, #tpu.memory_space<vmem>>, vector<128x2xf32>
    %dot_general3A_497 = arith.constant dense<0.000000e+00> : vector<1280x2xf32>
    %dot_general3A_498 = tpu.matmul %mul3A_493, %get3A_496, %dot_general3A_497 {dimension_numbers = #tpu.dot_dimension_numbers<[1], [0], [0], [1], [0, 0, 1, 1], [], []>, transpose_lhs_hint = false} : vector<1280x128xf32>, vector<128x2xf32>, vector<1280x2xf32> -> vector<1280x2xf32>
    %get3A_499 = arith.constant 0 : index
    %get3A_500 = arith.constant 0 : index
    %get3A_501 = vector.load %arg18[%get3A_499, %get3A_500] : memref<1x2xf32, #tpu.memory_space<vmem>>, vector<1x2xf32>
    %add3A_502 = vector.broadcast %get3A_501 : vector<1x2xf32> to vector<1280x2xf32>
    %add3A_503 = arith.addf %dot_general3A_498, %add3A_502 : vector<1280x2xf32>
    %transpose3A_504 = tpu.transpose %add3A_503, [1, 0] : vector<1280x2xf32> -> vector<2x1280xf32>
    %reshape3A_505 = vector.shape_cast %transpose3A_504 : vector<2x1280xf32> to vector<2x10x128xf32>
    %broadcast_in_dim3A_506 = arith.constant 1.000000e+00 : f32
    %broadcast_in_dim3A_507 = vector.broadcast %broadcast_in_dim3A_506 : f32 to vector<10x128xf32>
    %slice3A_508 = vector.extract_strided_slice %add3A_485 {offsets = [0, 0], sizes = [1280, 128], strides = [1, 1]} : vector<1280x384xf32> to vector<1280x128xf32>
    %swap3A = arith.constant 0 : index
    %swap3A_509 = arith.constant 0 : index
    %swap3A_510 = vector.load %arg19[%swap3A, %swap3A_509] : memref<1280x128xf32, #tpu.memory_space<vmem>>, vector<1280x128xf32>
    tpu.vector_store %arg19[%swap3A, %swap3A_509], %slice3A_508 {strides = array<i32>} : memref<1280x128xf32, #tpu.memory_space<vmem>>, vector<1280x128xf32>,
    %slice3A_511 = vector.extract_strided_slice %add3A_485 {offsets = [0, 128], sizes = [1280, 128], strides = [1, 1]} : vector<1280x384xf32> to vector<1280x128xf32>
    %swap3A_512 = arith.constant 0 : index
    %swap3A_513 = arith.constant 0 : index
    %swap3A_514 = vector.load %arg20[%swap3A_512, %swap3A_513] : memref<1280x128xf32, #tpu.memory_space<vmem>>, vector<1280x128xf32>
    tpu.vector_store %arg20[%swap3A_512, %swap3A_513], %slice3A_511 {strides = array<i32>} : memref<1280x128xf32, #tpu.memory_space<vmem>>, vector<1280x128xf32>,
    %slice3A_515 = vector.extract_strided_slice %reshape3A_505 {offsets = [0, 0, 0], sizes = [1, 10, 128], strides = [1, 1, 1]} : vector<2x10x128xf32> to vector<1x10x128xf32>
    %squeeze3A_516 = vector.shape_cast %slice3A_515 : vector<1x10x128xf32> to vector<10x128xf32>
    %mul3A_517 = arith.mulf %squeeze3A_516, %mul3A_33 : vector<10x128xf32>
    %slice3A_518 = vector.extract_strided_slice %reshape3A_505 {offsets = [0, 0, 0], sizes = [1, 10, 128], strides = [1, 1, 1]} : vector<2x10x128xf32> to vector<1x10x128xf32>
    %squeeze3A_519 = vector.shape_cast %slice3A_518 : vector<1x10x128xf32> to vector<10x128xf32>
    %mul3A_520 = arith.mulf %squeeze3A_519, %mul3A_34 : vector<10x128xf32>
    %slice3A_521 = vector.extract_strided_slice %reshape3A_505 {offsets = [0, 0, 0], sizes = [1, 10, 128], strides = [1, 1, 1]} : vector<2x10x128xf32> to vector<1x10x128xf32>
    %squeeze3A_522 = vector.shape_cast %slice3A_521 : vector<1x10x128xf32> to vector<10x128xf32>
    %mul3A_523 = arith.mulf %squeeze3A_522, %mul3A_35 : vector<10x128xf32>
    %slice3A_524 = vector.extract_strided_slice %reshape3A_505 {offsets = [1, 0, 0], sizes = [1, 10, 128], strides = [1, 1, 1]} : vector<2x10x128xf32> to vector<1x10x128xf32>
    %squeeze3A_525 = vector.shape_cast %slice3A_524 : vector<1x10x128xf32> to vector<10x128xf32>
    %neg3A = arith.constant 0.000000e+00 : f32
    %neg3A_526 = vector.broadcast %neg3A : f32 to vector<10x128xf32>
    %neg3A_527 = arith.subf %neg3A_526, %squeeze3A_525 : vector<10x128xf32>
    %mul3A_528 = arith.mulf %neg3A_527, %mul3A_33 : vector<10x128xf32>
    %slice3A_529 = vector.extract_strided_slice %reshape3A_505 {offsets = [1, 0, 0], sizes = [1, 10, 128], strides = [1, 1, 1]} : vector<2x10x128xf32> to vector<1x10x128xf32>
    %squeeze3A_530 = vector.shape_cast %slice3A_529 : vector<1x10x128xf32> to vector<10x128xf32>
    %neg3A_531 = arith.constant 0.000000e+00 : f32
    %neg3A_532 = vector.broadcast %neg3A_531 : f32 to vector<10x128xf32>
    %neg3A_533 = arith.subf %neg3A_532, %squeeze3A_530 : vector<10x128xf32>
    %mul3A_534 = arith.mulf %neg3A_533, %mul3A_34 : vector<10x128xf32>
    %slice3A_535 = vector.extract_strided_slice %reshape3A_505 {offsets = [1, 0, 0], sizes = [1, 10, 128], strides = [1, 1, 1]} : vector<2x10x128xf32> to vector<1x10x128xf32>
    %squeeze3A_536 = vector.shape_cast %slice3A_535 : vector<1x10x128xf32> to vector<10x128xf32>
    %neg3A_537 = arith.constant 0.000000e+00 : f32
    %neg3A_538 = vector.broadcast %neg3A_537 : f32 to vector<10x128xf32>
    %neg3A_539 = arith.subf %neg3A_538, %squeeze3A_536 : vector<10x128xf32>
    %mul3A_540 = arith.mulf %neg3A_539, %mul3A_35 : vector<10x128xf32>
    %stack3A_541 = vector.shape_cast %mul3A_517 : vector<10x128xf32> to vector<1x10x128xf32>
    %stack3A_542 = vector.shape_cast %mul3A_520 : vector<10x128xf32> to vector<1x10x128xf32>
    %stack3A_543 = vector.shape_cast %mul3A_523 : vector<10x128xf32> to vector<1x10x128xf32>
    %stack3A_544 = vector.shape_cast %broadcast_in_dim3A_507 : vector<10x128xf32> to vector<1x10x128xf32>
    %stack3A_545 = vector.shape_cast %mul3A_528 : vector<10x128xf32> to vector<1x10x128xf32>
    %stack3A_546 = vector.shape_cast %mul3A_534 : vector<10x128xf32> to vector<1x10x128xf32>
    %stack3A_547 = vector.shape_cast %mul3A_540 : vector<10x128xf32> to vector<1x10x128xf32>
    %stack3A_548 = vector.shape_cast %broadcast_in_dim3A_507 : vector<10x128xf32> to vector<1x10x128xf32>
    %stack3A_549 = tpu.concatenate %stack3A_541, %stack3A_542, %stack3A_543, %stack3A_544, %stack3A_545, %stack3A_546, %stack3A_547, %stack3A_548 in 0 : vector<1x10x128xf32>, vector<1x10x128xf32>, vector<1x10x128xf32>, vector<1x10x128xf32>, vector<1x10x128xf32>, vector<1x10x128xf32>, vector<1x10x128xf32>, vector<1x10x128xf32> -> vector<8x10x128xf32>
    %reshape3A_550 = vector.shape_cast %stack3A_549 : vector<8x10x128xf32> to vector<8x1280xf32>
    %swap3A_551 = arith.constant 0 : index
    %swap3A_552 = arith.constant 0 : index
    %swap3A_553 = vector.load %arg21[%swap3A_551, %swap3A_552] : memref<8x1280xf32, #tpu.memory_space<vmem>>, vector<8x1280xf32>
    tpu.vector_store %arg21[%swap3A_551, %swap3A_552], %reshape3A_550 {strides = array<i32>} : memref<8x1280xf32, #tpu.memory_space<vmem>>, vector<8x1280xf32>,
    return
  }
  func.func @transform_0(%arg0: i32) -> (i32, i32) {
    %c0_i32 = arith.constant 0 : i32
    %c0_i32_0 = arith.constant 0 : i32
    return %arg0, %c0_i32 : i32, i32
  }
  func.func @transform_1(%arg0: i32) -> (i32, i32) {
    %c0_i32 = arith.constant 0 : i32
    %c0_i32_0 = arith.constant 0 : i32
    return %arg0, %c0_i32 : i32, i32
  }
  func.func @transform_2(%arg0: i32) -> (i32, i32) {
    %c0_i32 = arith.constant 0 : i32
    %c0_i32_0 = arith.constant 0 : i32
    %c0_i32_1 = arith.constant 0 : i32
    return %c0_i32, %c0_i32_0 : i32, i32
  }
  func.func @transform_3(%arg0: i32) -> (i32, i32) {
    %c0_i32 = arith.constant 0 : i32
    %c0_i32_0 = arith.constant 0 : i32
    %c0_i32_1 = arith.constant 0 : i32
    return %c0_i32, %c0_i32_0 : i32, i32
  }
  func.func @transform_4(%arg0: i32) -> (i32, i32) {
    %c0_i32 = arith.constant 0 : i32
    %c0_i32_0 = arith.constant 0 : i32
    %c0_i32_1 = arith.constant 0 : i32
    return %c0_i32, %c0_i32_0 : i32, i32
  }
  func.func @transform_5(%arg0: i32) -> (i32, i32) {
    %c0_i32 = arith.constant 0 : i32
    %c0_i32_0 = arith.constant 0 : i32
    %c0_i32_1 = arith.constant 0 : i32
    return %c0_i32, %c0_i32_0 : i32, i32
  }
  func.func @transform_6(%arg0: i32) -> (i32, i32) {
    %c0_i32 = arith.constant 0 : i32
    %c0_i32_0 = arith.constant 0 : i32
    %c0_i32_1 = arith.constant 0 : i32
    return %c0_i32, %c0_i32_0 : i32, i32
  }
  func.func @transform_7(%arg0: i32) -> (i32, i32) {
    %c0_i32 = arith.constant 0 : i32
    %c0_i32_0 = arith.constant 0 : i32
    %c0_i32_1 = arith.constant 0 : i32
    return %c0_i32, %c0_i32_0 : i32, i32
  }
  func.func @transform_8(%arg0: i32) -> (i32, i32) {
    %c0_i32 = arith.constant 0 : i32
    %c0_i32_0 = arith.constant 0 : i32
    %c0_i32_1 = arith.constant 0 : i32
    return %c0_i32, %c0_i32_0 : i32, i32
  }
  func.func @transform_9(%arg0: i32) -> (i32, i32) {
    %c0_i32 = arith.constant 0 : i32
    %c0_i32_0 = arith.constant 0 : i32
    %c0_i32_1 = arith.constant 0 : i32
    return %c0_i32, %c0_i32_0 : i32, i32
  }
  func.func @transform_10(%arg0: i32) -> (i32, i32) {
    %c0_i32 = arith.constant 0 : i32
    %c0_i32_0 = arith.constant 0 : i32
    %c0_i32_1 = arith.constant 0 : i32
    return %c0_i32, %c0_i32_0 : i32, i32
  }
  func.func @transform_11(%arg0: i32) -> (i32, i32) {
    %c0_i32 = arith.constant 0 : i32
    %c0_i32_0 = arith.constant 0 : i32
    %c0_i32_1 = arith.constant 0 : i32
    return %c0_i32, %c0_i32_0 : i32, i32
  }
  func.func @transform_12(%arg0: i32) -> (i32, i32) {
    %c0_i32 = arith.constant 0 : i32
    %c0_i32_0 = arith.constant 0 : i32
    %c0_i32_1 = arith.constant 0 : i32
    return %c0_i32, %c0_i32_0 : i32, i32
  }
  func.func @transform_13(%arg0: i32) -> (i32, i32) {
    %c0_i32 = arith.constant 0 : i32
    %c0_i32_0 = arith.constant 0 : i32
    %c0_i32_1 = arith.constant 0 : i32
    return %c0_i32, %c0_i32_0 : i32, i32
  }
  func.func @transform_14(%arg0: i32) -> (i32, i32) {
    %c0_i32 = arith.constant 0 : i32
    %c0_i32_0 = arith.constant 0 : i32
    %c0_i32_1 = arith.constant 0 : i32
    return %c0_i32, %c0_i32_0 : i32, i32
  }
  func.func @transform_15(%arg0: i32) -> (i32, i32) {
    %c0_i32 = arith.constant 0 : i32
    %c0_i32_0 = arith.constant 0 : i32
    %c0_i32_1 = arith.constant 0 : i32
    return %c0_i32, %c0_i32_0 : i32, i32
  }
  func.func @transform_16(%arg0: i32) -> (i32, i32) {
    %c0_i32 = arith.constant 0 : i32
    %c0_i32_0 = arith.constant 0 : i32
    %c0_i32_1 = arith.constant 0 : i32
    return %c0_i32, %c0_i32_0 : i32, i32
  }
  func.func @transform_17(%arg0: i32) -> (i32, i32) {
    %c0_i32 = arith.constant 0 : i32
    %c0_i32_0 = arith.constant 0 : i32
    %c0_i32_1 = arith.constant 0 : i32
    return %c0_i32, %c0_i32_0 : i32, i32
  }
  func.func @transform_18(%arg0: i32) -> (i32, i32) {
    %c0_i32 = arith.constant 0 : i32
    %c0_i32_0 = arith.constant 0 : i32
    return %arg0, %c0_i32 : i32, i32
  }
  func.func @transform_19(%arg0: i32) -> (i32, i32) {
    %c0_i32 = arith.constant 0 : i32
    %c0_i32_0 = arith.constant 0 : i32
    return %arg0, %c0_i32 : i32, i32
  }
  func.func @transform_20(%arg0: i32) -> (i32, i32) {
    %c0_i32 = arith.constant 0 : i32
    %c0_i32_0 = arith.constant 0 : i32
    return %c0_i32, %arg0 : i32, i32
  }
}

module attributes {stable_mosaic.version = 14 : i64} {
  func.func @_update_body(%arg0: i32, %arg1: memref<2000x128xf32, #tpu.memory_space<vmem>>, %arg2: memref<2000x3xf32, #tpu.memory_space<vmem>>, %arg3: memref<2000x128xf32, #tpu.memory_space<vmem>>, %arg4: memref<2000x64xf32, #tpu.memory_space<vmem>>, %arg5: memref<2000x128xf32, #tpu.memory_space<vmem>>, %arg6: memref<2000x3xf32, #tpu.memory_space<vmem>>, %arg7: memref<2000x128xf32, #tpu.memory_space<vmem>>, %arg8: memref<2000x64xf32, #tpu.memory_space<vmem>>, %arg9: memref<64x8xf32, #tpu.memory_space<vmem>>, %arg10: memref<256x128xf32, #tpu.memory_space<vmem>>, %arg11: memref<1x128xf32, #tpu.memory_space<vmem>>, %arg12: memref<1x128xf32, #tpu.memory_space<vmem>>, %arg13: memref<1x128xf32, #tpu.memory_space<vmem>>, %arg14: memref<256x128xf32, #tpu.memory_space<vmem>>, %arg15: memref<1x128xf32, #tpu.memory_space<vmem>>, %arg16: memref<1x128xf32, #tpu.memory_space<vmem>>, %arg17: memref<1x128xf32, #tpu.memory_space<vmem>>, %arg18: memref<2000x128xf32, #tpu.memory_space<vmem>>, %arg19: memref<2000x3xf32, #tpu.memory_space<vmem>>, %arg20: memref<2000x128xf32, #tpu.memory_space<vmem>>, %arg21: memref<2000x3xf32, #tpu.memory_space<vmem>>) attributes {dimension_semantics = [#tpu.dimension_semantics<arbitrary>], iteration_bounds = array<i64: 5>, scalar_prefetch = 0 : i64, scratch_operands = 0 : i64, tpu.core_type = #tpu.core_type<tc>, window_params = [{transform_indices = @transform_0, window_bounds = array<i64: 2000, 128>}, {transform_indices = @transform_1, window_bounds = array<i64: 2000, 3>}, {transform_indices = @transform_2, window_bounds = array<i64: 2000, 128>}, {transform_indices = @transform_3, window_bounds = array<i64: 2000, 64>}, {transform_indices = @transform_4, window_bounds = array<i64: 2000, 128>}, {transform_indices = @transform_5, window_bounds = array<i64: 2000, 3>}, {transform_indices = @transform_6, window_bounds = array<i64: 2000, 128>}, {transform_indices = @transform_7, window_bounds = array<i64: 2000, 64>}, {pipeline_mode = #tpu.pipeline_mode<synchronous>, transform_indices = @transform_8, window_bounds = array<i64: 64, 8>}, {pipeline_mode = #tpu.pipeline_mode<synchronous>, transform_indices = @transform_9, window_bounds = array<i64: 256, 128>}, {pipeline_mode = #tpu.pipeline_mode<synchronous>, transform_indices = @transform_10, window_bounds = array<i64: 1, 128>}, {pipeline_mode = #tpu.pipeline_mode<synchronous>, transform_indices = @transform_11, window_bounds = array<i64: 1, 128>}, {pipeline_mode = #tpu.pipeline_mode<synchronous>, transform_indices = @transform_12, window_bounds = array<i64: 1, 128>}, {pipeline_mode = #tpu.pipeline_mode<synchronous>, transform_indices = @transform_13, window_bounds = array<i64: 256, 128>}, {pipeline_mode = #tpu.pipeline_mode<synchronous>, transform_indices = @transform_14, window_bounds = array<i64: 1, 128>}, {pipeline_mode = #tpu.pipeline_mode<synchronous>, transform_indices = @transform_15, window_bounds = array<i64: 1, 128>}, {pipeline_mode = #tpu.pipeline_mode<synchronous>, transform_indices = @transform_16, window_bounds = array<i64: 1, 128>}, {transform_indices = @transform_17, window_bounds = array<i64: 2000, 128>}, {transform_indices = @transform_18, window_bounds = array<i64: 2000, 3>}, {transform_indices = @transform_19, window_bounds = array<i64: 2000, 128>}, {transform_indices = @transform_20, window_bounds = array<i64: 2000, 3>}]} {
    %get3A = arith.constant 0 : index
    %get3A_0 = arith.constant 0 : index
    %get3A_1 = vector.load %arg1[%get3A, %get3A_0] : memref<2000x128xf32, #tpu.memory_space<vmem>>, vector<2000x128xf32>
    %get3A_2 = arith.constant 0 : index
    %get3A_3 = arith.constant 0 : index
    %get3A_4 = vector.load %arg3[%get3A_2, %get3A_3] : memref<2000x128xf32, #tpu.memory_space<vmem>>, vector<2000x128xf32>
    %get3A_5 = arith.constant 0 : index
    %get3A_6 = arith.constant 0 : index
    %get3A_7 = vector.load %arg4[%get3A_5, %get3A_6] : memref<2000x64xf32, #tpu.memory_space<vmem>>, vector<2000x64xf32>
    %get3A_8 = arith.constant 0 : index
    %get3A_9 = arith.constant 0 : index
    %get3A_10 = vector.load %arg9[%get3A_8, %get3A_9] : memref<64x8xf32, #tpu.memory_space<vmem>>, vector<64x8xf32>
    %dot_general3A = arith.constant dense<0.000000e+00> : vector<2000x8xf32>
    %dot_general3A_11 = tpu.matmul %get3A_7, %get3A_10, %dot_general3A {dimension_numbers = #tpu.dot_dimension_numbers<[1], [0], [0], [1], [0, 0, 1, 1], [], []>, transpose_lhs_hint = false} : vector<2000x64xf32>, vector<64x8xf32>, vector<2000x8xf32> -> vector<2000x8xf32>
    %slice3A = vector.extract_strided_slice %dot_general3A_11 {offsets = [0, 0], sizes = [2000, 2], strides = [1, 1]} : vector<2000x8xf32> to vector<2000x2xf32>
    %slice3A_12 = vector.extract_strided_slice %dot_general3A_11 {offsets = [0, 2], sizes = [2000, 2], strides = [1, 1]} : vector<2000x8xf32> to vector<2000x2xf32>
    %slice3A_13 = vector.extract_strided_slice %slice3A_12 {offsets = [0, 1], sizes = [2000, 1], strides = [1, 1]} : vector<2000x2xf32> to vector<2000x1xf32>
    %max3A = arith.constant 1.000000e+00 : f32
    %max3A_14 = vector.broadcast %max3A : f32 to vector<2000x1xf32>
    %max3A_15 = arith.maximumf %slice3A_13, %max3A_14 : vector<2000x1xf32>
    %div3A = arith.constant 1.000000e+00 : f32
    %div3A_16 = vector.broadcast %div3A : f32 to vector<2000x1xf32>
    %div3A_17 = arith.divf %div3A_16, %max3A_15 : vector<2000x1xf32>
    %mul3A = vector.broadcast %div3A_17 : vector<2000x1xf32> to vector<2000x128xf32>
    %mul3A_18 = arith.mulf %get3A_4, %mul3A : vector<2000x128xf32>
    %concatenate3A = tpu.concatenate %get3A_1, %mul3A_18 in 1 : vector<2000x128xf32>, vector<2000x128xf32> -> vector<2000x256xf32>
    %get3A_19 = arith.constant 0 : index
    %get3A_20 = arith.constant 0 : index
    %get3A_21 = vector.load %arg10[%get3A_19, %get3A_20] : memref<256x128xf32, #tpu.memory_space<vmem>>, vector<256x128xf32>
    %dot_general3A_22 = arith.constant dense<0.000000e+00> : vector<2000x128xf32>
    %dot_general3A_23 = tpu.matmul %concatenate3A, %get3A_21, %dot_general3A_22 {dimension_numbers = #tpu.dot_dimension_numbers<[1], [0], [0], [1], [0, 0, 1, 1], [], []>, transpose_lhs_hint = false} : vector<2000x256xf32>, vector<256x128xf32>, vector<2000x128xf32> -> vector<2000x128xf32>
    %get3A_24 = arith.constant 0 : index
    %get3A_25 = arith.constant 0 : index
    %get3A_26 = vector.load %arg11[%get3A_24, %get3A_25] : memref<1x128xf32, #tpu.memory_space<vmem>>, vector<1x128xf32>
    %add3A = vector.broadcast %get3A_26 : vector<1x128xf32> to vector<2000x128xf32>
    %add3A_27 = arith.addf %dot_general3A_23, %add3A : vector<2000x128xf32>
    %logistic3A = arith.negf %add3A_27 : vector<2000x128xf32>
    %logistic3A_28 = math.exp %logistic3A : vector<2000x128xf32>
    %logistic3A_29 = arith.constant 1.000000e+00 : f32
    %logistic3A_30 = vector.broadcast %logistic3A_29 : f32 to vector<2000x128xf32>
    %logistic3A_31 = arith.addf %logistic3A_30, %logistic3A_28 : vector<2000x128xf32>
    %logistic3A_32 = arith.divf %logistic3A_30, %logistic3A_31 : vector<2000x128xf32>
    %mul3A_33 = arith.mulf %add3A_27, %logistic3A_32 : vector<2000x128xf32>
    %reduce_sum3A = arith.constant dense<0.000000e+00> : vector<2000xf32>
    %reduce_sum3A_34 = vector.multi_reduction <add>, %mul3A_33, %reduce_sum3A [1] : vector<2000x128xf32> to vector<2000xf32>
    %broadcast_in_dim3A = vector.shape_cast %reduce_sum3A_34 : vector<2000xf32> to vector<2000x1xf32>
    %div3A_35 = arith.constant 1.280000e+02 : f32
    %div3A_36 = vector.broadcast %div3A_35 : f32 to vector<2000x1xf32>
    %div3A_37 = arith.divf %broadcast_in_dim3A, %div3A_36 : vector<2000x1xf32>
    %sub3A = vector.broadcast %div3A_37 : vector<2000x1xf32> to vector<2000x128xf32>
    %sub3A_38 = arith.subf %mul3A_33, %sub3A : vector<2000x128xf32>
    %mul3A_39 = arith.mulf %sub3A_38, %sub3A_38 : vector<2000x128xf32>
    %reduce_sum3A_40 = arith.constant dense<0.000000e+00> : vector<2000xf32>
    %reduce_sum3A_41 = vector.multi_reduction <add>, %mul3A_39, %reduce_sum3A_40 [1] : vector<2000x128xf32> to vector<2000xf32>
    %broadcast_in_dim3A_42 = vector.shape_cast %reduce_sum3A_41 : vector<2000xf32> to vector<2000x1xf32>
    %div3A_43 = arith.constant 1.280000e+02 : f32
    %div3A_44 = vector.broadcast %div3A_43 : f32 to vector<2000x1xf32>
    %div3A_45 = arith.divf %broadcast_in_dim3A_42, %div3A_44 : vector<2000x1xf32>
    %add3A_46 = arith.constant 9.99999974E-6 : f32
    %add3A_47 = vector.broadcast %add3A_46 : f32 to vector<2000x1xf32>
    %add3A_48 = arith.addf %div3A_45, %add3A_47 : vector<2000x1xf32>
    %rsqrt3A = math.rsqrt %add3A_48 : vector<2000x1xf32>
    %mul3A_49 = vector.broadcast %rsqrt3A : vector<2000x1xf32> to vector<2000x128xf32>
    %mul3A_50 = arith.mulf %sub3A_38, %mul3A_49 : vector<2000x128xf32>
    %get3A_51 = arith.constant 0 : index
    %get3A_52 = arith.constant 0 : index
    %get3A_53 = vector.load %arg12[%get3A_51, %get3A_52] : memref<1x128xf32, #tpu.memory_space<vmem>>, vector<1x128xf32>
    %mul3A_54 = vector.broadcast %get3A_53 : vector<1x128xf32> to vector<2000x128xf32>
    %mul3A_55 = arith.mulf %mul3A_50, %mul3A_54 : vector<2000x128xf32>
    %add3A_56 = arith.addf %get3A_1, %mul3A_55 : vector<2000x128xf32>
    %get3A_57 = arith.constant 0 : index
    %get3A_58 = arith.constant 0 : index
    %get3A_59 = vector.load %arg13[%get3A_57, %get3A_58] : memref<1x128xf32, #tpu.memory_space<vmem>>, vector<1x128xf32>
    %add3A_60 = vector.broadcast %get3A_59 : vector<1x128xf32> to vector<2000x128xf32>
    %add3A_61 = arith.addf %add3A_56, %add3A_60 : vector<2000x128xf32>
    %swap3A = arith.constant 0 : index
    %swap3A_62 = arith.constant 0 : index
    %swap3A_63 = vector.load %arg18[%swap3A, %swap3A_62] : memref<2000x128xf32, #tpu.memory_space<vmem>>, vector<2000x128xf32>
    tpu.vector_store %arg18[%swap3A, %swap3A_62], %add3A_61 {strides = array<i32>} : memref<2000x128xf32, #tpu.memory_space<vmem>>, vector<2000x128xf32>,
    %get3A_64 = arith.constant 0 : index
    %get3A_65 = arith.constant 0 : index
    %get3A_66 = vector.load %arg2[%get3A_64, %get3A_65] : memref<2000x3xf32, #tpu.memory_space<vmem>>, vector<2000x3xf32>
    %slice3A_67 = vector.extract_strided_slice %slice3A_12 {offsets = [0, 0], sizes = [2000, 1], strides = [1, 1]} : vector<2000x2xf32> to vector<2000x1xf32>
    %concatenate3A_68 = tpu.concatenate %slice3A, %slice3A_67 in 1 : vector<2000x2xf32>, vector<2000x1xf32> -> vector<2000x3xf32>
    %mul3A_69 = vector.broadcast %div3A_17 : vector<2000x1xf32> to vector<2000x3xf32>
    %mul3A_70 = arith.mulf %concatenate3A_68, %mul3A_69 : vector<2000x3xf32>
    %add3A_71 = arith.addf %get3A_66, %mul3A_70 : vector<2000x3xf32>
    %swap3A_72 = arith.constant 0 : index
    %swap3A_73 = arith.constant 0 : index
    %swap3A_74 = vector.load %arg19[%swap3A_72, %swap3A_73] : memref<2000x3xf32, #tpu.memory_space<vmem>>, vector<2000x3xf32>
    tpu.vector_store %arg19[%swap3A_72, %swap3A_73], %add3A_71 {strides = array<i32>} : memref<2000x3xf32, #tpu.memory_space<vmem>>, vector<2000x3xf32>,
    %get3A_75 = arith.constant 0 : index
    %get3A_76 = arith.constant 0 : index
    %get3A_77 = vector.load %arg5[%get3A_75, %get3A_76] : memref<2000x128xf32, #tpu.memory_space<vmem>>, vector<2000x128xf32>
    %get3A_78 = arith.constant 0 : index
    %get3A_79 = arith.constant 0 : index
    %get3A_80 = vector.load %arg7[%get3A_78, %get3A_79] : memref<2000x128xf32, #tpu.memory_space<vmem>>, vector<2000x128xf32>
    %get3A_81 = arith.constant 0 : index
    %get3A_82 = arith.constant 0 : index
    %get3A_83 = vector.load %arg8[%get3A_81, %get3A_82] : memref<2000x64xf32, #tpu.memory_space<vmem>>, vector<2000x64xf32>
    %get3A_84 = arith.constant 0 : index
    %get3A_85 = arith.constant 0 : index
    %get3A_86 = vector.load %arg9[%get3A_84, %get3A_85] : memref<64x8xf32, #tpu.memory_space<vmem>>, vector<64x8xf32>
    %dot_general3A_87 = arith.constant dense<0.000000e+00> : vector<2000x8xf32>
    %dot_general3A_88 = tpu.matmul %get3A_83, %get3A_86, %dot_general3A_87 {dimension_numbers = #tpu.dot_dimension_numbers<[1], [0], [0], [1], [0, 0, 1, 1], [], []>, transpose_lhs_hint = false} : vector<2000x64xf32>, vector<64x8xf32>, vector<2000x8xf32> -> vector<2000x8xf32>
    %slice3A_89 = vector.extract_strided_slice %dot_general3A_88 {offsets = [0, 0], sizes = [2000, 2], strides = [1, 1]} : vector<2000x8xf32> to vector<2000x2xf32>
    %slice3A_90 = vector.extract_strided_slice %dot_general3A_88 {offsets = [0, 2], sizes = [2000, 2], strides = [1, 1]} : vector<2000x8xf32> to vector<2000x2xf32>
    %slice3A_91 = vector.extract_strided_slice %slice3A_90 {offsets = [0, 1], sizes = [2000, 1], strides = [1, 1]} : vector<2000x2xf32> to vector<2000x1xf32>
    %max3A_92 = arith.constant 1.000000e+00 : f32
    %max3A_93 = vector.broadcast %max3A_92 : f32 to vector<2000x1xf32>
    %max3A_94 = arith.maximumf %slice3A_91, %max3A_93 : vector<2000x1xf32>
    %div3A_95 = arith.constant 1.000000e+00 : f32
    %div3A_96 = vector.broadcast %div3A_95 : f32 to vector<2000x1xf32>
    %div3A_97 = arith.divf %div3A_96, %max3A_94 : vector<2000x1xf32>
    %mul3A_98 = vector.broadcast %div3A_97 : vector<2000x1xf32> to vector<2000x128xf32>
    %mul3A_99 = arith.mulf %get3A_80, %mul3A_98 : vector<2000x128xf32>
    %concatenate3A_100 = tpu.concatenate %get3A_77, %mul3A_99 in 1 : vector<2000x128xf32>, vector<2000x128xf32> -> vector<2000x256xf32>
    %get3A_101 = arith.constant 0 : index
    %get3A_102 = arith.constant 0 : index
    %get3A_103 = vector.load %arg14[%get3A_101, %get3A_102] : memref<256x128xf32, #tpu.memory_space<vmem>>, vector<256x128xf32>
    %dot_general3A_104 = arith.constant dense<0.000000e+00> : vector<2000x128xf32>
    %dot_general3A_105 = tpu.matmul %concatenate3A_100, %get3A_103, %dot_general3A_104 {dimension_numbers = #tpu.dot_dimension_numbers<[1], [0], [0], [1], [0, 0, 1, 1], [], []>, transpose_lhs_hint = false} : vector<2000x256xf32>, vector<256x128xf32>, vector<2000x128xf32> -> vector<2000x128xf32>
    %get3A_106 = arith.constant 0 : index
    %get3A_107 = arith.constant 0 : index
    %get3A_108 = vector.load %arg15[%get3A_106, %get3A_107] : memref<1x128xf32, #tpu.memory_space<vmem>>, vector<1x128xf32>
    %add3A_109 = vector.broadcast %get3A_108 : vector<1x128xf32> to vector<2000x128xf32>
    %add3A_110 = arith.addf %dot_general3A_105, %add3A_109 : vector<2000x128xf32>
    %logistic3A_111 = arith.negf %add3A_110 : vector<2000x128xf32>
    %logistic3A_112 = math.exp %logistic3A_111 : vector<2000x128xf32>
    %logistic3A_113 = arith.constant 1.000000e+00 : f32
    %logistic3A_114 = vector.broadcast %logistic3A_113 : f32 to vector<2000x128xf32>
    %logistic3A_115 = arith.addf %logistic3A_114, %logistic3A_112 : vector<2000x128xf32>
    %logistic3A_116 = arith.divf %logistic3A_114, %logistic3A_115 : vector<2000x128xf32>
    %mul3A_117 = arith.mulf %add3A_110, %logistic3A_116 : vector<2000x128xf32>
    %reduce_sum3A_118 = arith.constant dense<0.000000e+00> : vector<2000xf32>
    %reduce_sum3A_119 = vector.multi_reduction <add>, %mul3A_117, %reduce_sum3A_118 [1] : vector<2000x128xf32> to vector<2000xf32>
    %broadcast_in_dim3A_120 = vector.shape_cast %reduce_sum3A_119 : vector<2000xf32> to vector<2000x1xf32>
    %div3A_121 = arith.constant 1.280000e+02 : f32
    %div3A_122 = vector.broadcast %div3A_121 : f32 to vector<2000x1xf32>
    %div3A_123 = arith.divf %broadcast_in_dim3A_120, %div3A_122 : vector<2000x1xf32>
    %sub3A_124 = vector.broadcast %div3A_123 : vector<2000x1xf32> to vector<2000x128xf32>
    %sub3A_125 = arith.subf %mul3A_117, %sub3A_124 : vector<2000x128xf32>
    %mul3A_126 = arith.mulf %sub3A_125, %sub3A_125 : vector<2000x128xf32>
    %reduce_sum3A_127 = arith.constant dense<0.000000e+00> : vector<2000xf32>
    %reduce_sum3A_128 = vector.multi_reduction <add>, %mul3A_126, %reduce_sum3A_127 [1] : vector<2000x128xf32> to vector<2000xf32>
    %broadcast_in_dim3A_129 = vector.shape_cast %reduce_sum3A_128 : vector<2000xf32> to vector<2000x1xf32>
    %div3A_130 = arith.constant 1.280000e+02 : f32
    %div3A_131 = vector.broadcast %div3A_130 : f32 to vector<2000x1xf32>
    %div3A_132 = arith.divf %broadcast_in_dim3A_129, %div3A_131 : vector<2000x1xf32>
    %add3A_133 = arith.constant 9.99999974E-6 : f32
    %add3A_134 = vector.broadcast %add3A_133 : f32 to vector<2000x1xf32>
    %add3A_135 = arith.addf %div3A_132, %add3A_134 : vector<2000x1xf32>
    %rsqrt3A_136 = math.rsqrt %add3A_135 : vector<2000x1xf32>
    %mul3A_137 = vector.broadcast %rsqrt3A_136 : vector<2000x1xf32> to vector<2000x128xf32>
    %mul3A_138 = arith.mulf %sub3A_125, %mul3A_137 : vector<2000x128xf32>
    %get3A_139 = arith.constant 0 : index
    %get3A_140 = arith.constant 0 : index
    %get3A_141 = vector.load %arg16[%get3A_139, %get3A_140] : memref<1x128xf32, #tpu.memory_space<vmem>>, vector<1x128xf32>
    %mul3A_142 = vector.broadcast %get3A_141 : vector<1x128xf32> to vector<2000x128xf32>
    %mul3A_143 = arith.mulf %mul3A_138, %mul3A_142 : vector<2000x128xf32>
    %add3A_144 = arith.addf %get3A_77, %mul3A_143 : vector<2000x128xf32>
    %get3A_145 = arith.constant 0 : index
    %get3A_146 = arith.constant 0 : index
    %get3A_147 = vector.load %arg17[%get3A_145, %get3A_146] : memref<1x128xf32, #tpu.memory_space<vmem>>, vector<1x128xf32>
    %add3A_148 = vector.broadcast %get3A_147 : vector<1x128xf32> to vector<2000x128xf32>
    %add3A_149 = arith.addf %add3A_144, %add3A_148 : vector<2000x128xf32>
    %swap3A_150 = arith.constant 0 : index
    %swap3A_151 = arith.constant 0 : index
    %swap3A_152 = vector.load %arg20[%swap3A_150, %swap3A_151] : memref<2000x128xf32, #tpu.memory_space<vmem>>, vector<2000x128xf32>
    tpu.vector_store %arg20[%swap3A_150, %swap3A_151], %add3A_149 {strides = array<i32>} : memref<2000x128xf32, #tpu.memory_space<vmem>>, vector<2000x128xf32>,
    %get3A_153 = arith.constant 0 : index
    %get3A_154 = arith.constant 0 : index
    %get3A_155 = vector.load %arg6[%get3A_153, %get3A_154] : memref<2000x3xf32, #tpu.memory_space<vmem>>, vector<2000x3xf32>
    %slice3A_156 = vector.extract_strided_slice %slice3A_90 {offsets = [0, 0], sizes = [2000, 1], strides = [1, 1]} : vector<2000x2xf32> to vector<2000x1xf32>
    %concatenate3A_157 = tpu.concatenate %slice3A_89, %slice3A_156 in 1 : vector<2000x2xf32>, vector<2000x1xf32> -> vector<2000x3xf32>
    %mul3A_158 = vector.broadcast %div3A_97 : vector<2000x1xf32> to vector<2000x3xf32>
    %mul3A_159 = arith.mulf %concatenate3A_157, %mul3A_158 : vector<2000x3xf32>
    %add3A_160 = arith.addf %get3A_155, %mul3A_159 : vector<2000x3xf32>
    %swap3A_161 = arith.constant 0 : index
    %swap3A_162 = arith.constant 0 : index
    %swap3A_163 = vector.load %arg21[%swap3A_161, %swap3A_162] : memref<2000x3xf32, #tpu.memory_space<vmem>>, vector<2000x3xf32>
    tpu.vector_store %arg21[%swap3A_161, %swap3A_162], %add3A_160 {strides = array<i32>} : memref<2000x3xf32, #tpu.memory_space<vmem>>, vector<2000x3xf32>,
    return
  }
  func.func @transform_0(%arg0: i32) -> (i32, i32) {
    %c0_i32 = arith.constant 0 : i32
    %c0_i32_0 = arith.constant 0 : i32
    return %arg0, %c0_i32 : i32, i32
  }
  func.func @transform_1(%arg0: i32) -> (i32, i32) {
    %c0_i32 = arith.constant 0 : i32
    %c0_i32_0 = arith.constant 0 : i32
    return %arg0, %c0_i32 : i32, i32
  }
  func.func @transform_2(%arg0: i32) -> (i32, i32) {
    %c0_i32 = arith.constant 0 : i32
    %c0_i32_0 = arith.constant 0 : i32
    return %arg0, %c0_i32 : i32, i32
  }
  func.func @transform_3(%arg0: i32) -> (i32, i32) {
    %c0_i32 = arith.constant 0 : i32
    %c0_i32_0 = arith.constant 0 : i32
    return %arg0, %c0_i32 : i32, i32
  }
  func.func @transform_4(%arg0: i32) -> (i32, i32) {
    %c0_i32 = arith.constant 0 : i32
    %c0_i32_0 = arith.constant 0 : i32
    return %arg0, %c0_i32 : i32, i32
  }
  func.func @transform_5(%arg0: i32) -> (i32, i32) {
    %c0_i32 = arith.constant 0 : i32
    %c0_i32_0 = arith.constant 0 : i32
    return %arg0, %c0_i32 : i32, i32
  }
  func.func @transform_6(%arg0: i32) -> (i32, i32) {
    %c0_i32 = arith.constant 0 : i32
    %c0_i32_0 = arith.constant 0 : i32
    return %arg0, %c0_i32 : i32, i32
  }
  func.func @transform_7(%arg0: i32) -> (i32, i32) {
    %c0_i32 = arith.constant 0 : i32
    %c0_i32_0 = arith.constant 0 : i32
    return %arg0, %c0_i32 : i32, i32
  }
  func.func @transform_8(%arg0: i32) -> (i32, i32) {
    %c0_i32 = arith.constant 0 : i32
    %c0_i32_0 = arith.constant 0 : i32
    %c0_i32_1 = arith.constant 0 : i32
    return %c0_i32, %c0_i32_0 : i32, i32
  }
  func.func @transform_9(%arg0: i32) -> (i32, i32) {
    %c0_i32 = arith.constant 0 : i32
    %c0_i32_0 = arith.constant 0 : i32
    %c0_i32_1 = arith.constant 0 : i32
    return %c0_i32, %c0_i32_0 : i32, i32
  }
  func.func @transform_10(%arg0: i32) -> (i32, i32) {
    %c0_i32 = arith.constant 0 : i32
    %c0_i32_0 = arith.constant 0 : i32
    %c0_i32_1 = arith.constant 0 : i32
    return %c0_i32, %c0_i32_0 : i32, i32
  }
  func.func @transform_11(%arg0: i32) -> (i32, i32) {
    %c0_i32 = arith.constant 0 : i32
    %c0_i32_0 = arith.constant 0 : i32
    %c0_i32_1 = arith.constant 0 : i32
    return %c0_i32, %c0_i32_0 : i32, i32
  }
  func.func @transform_12(%arg0: i32) -> (i32, i32) {
    %c0_i32 = arith.constant 0 : i32
    %c0_i32_0 = arith.constant 0 : i32
    %c0_i32_1 = arith.constant 0 : i32
    return %c0_i32, %c0_i32_0 : i32, i32
  }
  func.func @transform_13(%arg0: i32) -> (i32, i32) {
    %c0_i32 = arith.constant 0 : i32
    %c0_i32_0 = arith.constant 0 : i32
    %c0_i32_1 = arith.constant 0 : i32
    return %c0_i32, %c0_i32_0 : i32, i32
  }
  func.func @transform_14(%arg0: i32) -> (i32, i32) {
    %c0_i32 = arith.constant 0 : i32
    %c0_i32_0 = arith.constant 0 : i32
    %c0_i32_1 = arith.constant 0 : i32
    return %c0_i32, %c0_i32_0 : i32, i32
  }
  func.func @transform_15(%arg0: i32) -> (i32, i32) {
    %c0_i32 = arith.constant 0 : i32
    %c0_i32_0 = arith.constant 0 : i32
    %c0_i32_1 = arith.constant 0 : i32
    return %c0_i32, %c0_i32_0 : i32, i32
  }
  func.func @transform_16(%arg0: i32) -> (i32, i32) {
    %c0_i32 = arith.constant 0 : i32
    %c0_i32_0 = arith.constant 0 : i32
    %c0_i32_1 = arith.constant 0 : i32
    return %c0_i32, %c0_i32_0 : i32, i32
  }
  func.func @transform_17(%arg0: i32) -> (i32, i32) {
    %c0_i32 = arith.constant 0 : i32
    %c0_i32_0 = arith.constant 0 : i32
    return %arg0, %c0_i32 : i32, i32
  }
  func.func @transform_18(%arg0: i32) -> (i32, i32) {
    %c0_i32 = arith.constant 0 : i32
    %c0_i32_0 = arith.constant 0 : i32
    return %arg0, %c0_i32 : i32, i32
  }
  func.func @transform_19(%arg0: i32) -> (i32, i32) {
    %c0_i32 = arith.constant 0 : i32
    %c0_i32_0 = arith.constant 0 : i32
    return %arg0, %c0_i32 : i32, i32
  }
  func.func @transform_20(%arg0: i32) -> (i32, i32) {
    %c0_i32 = arith.constant 0 : i32
    %c0_i32_0 = arith.constant 0 : i32
    return %arg0, %c0_i32 : i32, i32
  }
}

</mosaic_0001>

<sc_bundles>
// kernel: kernel.11.cloned.1.call-start
scs
__scs_entry_jumppad:
0x0: {  	(pc) =	sbr.rel $0x88, $3  }
0x1: {  	(tag) =	ssettag $0x0;
	lr =	simm.s32 $0x1  }
0x2: {  	[smem:$0x3F6E] =	sst lr;
	_ =	strace $0xD0000000  }
0x3: {  	_ = 	snop  }
0x4: {  	_ = 	snop  }
0x5: {  	_ = 	snop  }
0x6: {  	_ = 	snop  }
0x7: {  	_ = 	snop  }
__scs_overlays_trampoline_lowered:
0x8: {  	[smem:$0x3F7D] =	sst s0  }
0x9: {  	[smem:$0x3F7E] =	sst s1  }
0xa: {  	[smem:$0x3F7F] =	sst s2  }
0xb: {  	[smem:$0x3F80] =	sst s3  }
0xc: {  	[smem:$0x3F81] =	sst s4  }
0xd: {  	[smem:$0x3F82] =	sst s5  }
0xe: {  	[smem:$0x3F83] =	sst s6  }
0xf: {  	[smem:$0x3F84] =	sst s7  }
0x10: {  	[smem:$0x3F85] =	sst s8  }
0x11: {  	[smem:$0x3F86] =	sst s9;
	s0 =	simm.s32 @!p0 $0x0  }
0x12: {  	s1 =	sld [smem:$0x3F6C];
	s0 =	simm.s32 @p0 $0x1  }
0x13: {  	[smem:$0x3F87] =	sst s0;
	s0 =	simm.s32 @!p1 $0x0  }
0x14: {  	s2 =	sld [smem:$0x3F6B];
	s0 =	simm.s32 @p1 $0x1  }
0x15: {  	[smem:$0x3F88] =	sst s0;
	s0 =	simm.s32 @!p2 $0x0  }
0x16: {  	s3 =	sld [smem:$0x3FDB];
	s0 =	simm.s32 @p2 $0x1  }
0x17: {  	s4 =	simm.s32 $0x1BF5;
	[smem:$0x3F8A] =	sst s0  }
0x18: {  	s0 =	sld [smem:$0x3F6D];
	_ =	swait.ge [sflag:s4], $0x0  }
0x19: {  	s7 =	sld [smem:$0x3F6E]  }
0x1a: {  	s8 =	sadd.s32 $0xFFFFE003, lr  }
0x1b: {  	s9 =	sadd.s32 $0xFFFFFEF7, lr;
	s5 =	simm.s32 $0xFFFFFFFF;
	p2 =	slt.u32 s8, $0xFFFFF086  }
0x1c: {  	p1 =	slt.u32 s9, $0xF7A;
	s5 =	simm.s32 @!p2 $0x0  }
0x1d: {  	s5 =	simm.s32 @p1 $0x1;
	p0 =	seq.s32 s7, s2  }
0x1e: {  	s7 =	smul.u32 @!p0 $0xF7A, s2;
	p2 =	seq.s32 @!p0 s5, $0x0  }
0x1f: {  	s9 =	smul.u32 $0xF7A, s1;
	s8 =	simm.s32 @!p0 $0x1BF5;
	p2 =	por !p2, p0  }
0x20: {  	[sflag:s8] =	ssyncset.s32 @!p0 $0xFFFFF086;
	s6 =	sadd.s32 @!p0 s3, s7;
	s7 =	simm.s32 @!p0 $0x108  }
0x21: {  	s3 =	sadd.s32 s3, s9;
	s6 =	sadd.s32 @!p0 $0x88, s6;
	s7 =	simm.s32 @p2 $0x1082  }
0x22: {  	[simem:s7], [sflag:s8] =	dma.local @!p0 [hbm:s6], $0xF7A  }
0x23: {  	s9 =	sor.u32 $0xD0000000, s2;
	s6 =	simm.s32 $0x108;
	_ =	swait.ge @!p0 [sflag:s8], $0x0  }
0x24: {  	s3 =	sadd.s32 $0x88, s3;
	s6 =	simm.s32 @!p1 $0x1082;
	[sflag:s4] =	ssyncset.s32 $0xFFFFF086  }
0x25: {  	[simem:s6], [sflag:s4] =	dma.local [hbm:s3], $0xF7A  }
0x26: {  	[smem:$0x3F6E] =	sst s1;
	(tag) =	ssettag s2;
	_ =	strace s9  }
0x27: {  	s1 =	sld [smem:$0x3F7E]  }
0x28: {  	s2 =	sld [smem:$0x3F7F]  }
0x29: {  	s4 =	sld [smem:$0x3F81]  }
0x2a: {  	p0 =	seq.s32 s5, $0x0;
	s5 =	sld [smem:$0x3F82]  }
0x2b: {  	s6 =	sld [smem:$0x3F83]  }
0x2c: {  	s7 =	sld [smem:$0x3F84]  }
0x2d: {  	s3 =	simm.s32 $0x108;
	s8 =	sld [smem:$0x3F85]  }
0x2e: {  	s3 =	simm.s32 @!p0 $0x1082;
	s9 =	sld [smem:$0x3F86]  }
0x2f: {  	lr =	sadd.s32 s0, s3;
	s0 =	sld [smem:$0x3F7D]  }
0x30: {  	s3 =	sld [smem:$0x3F80]  }
0x31: {  	[smem:$0x3F89] =	sst s10  }
0x32: {  	s10 =	sld [smem:$0x3F87];
	_ =	sdelay $0x3  }
0x33: {  	p0 =	seq.s32 s10, $0x1;
	s10 =	sld [smem:$0x3F89];
	_ =	sdelay $0x3  }
0x34: {  	[smem:$0x3F89] =	sst s10  }
0x35: {  	s10 =	sld [smem:$0x3F88];
	_ =	sdelay $0x3  }
0x36: {  	p1 =	seq.s32 s10, $0x1;
	s10 =	sld [smem:$0x3F89];
	_ =	sdelay $0x3  }
0x37: {  	[smem:$0x3F89] =	sst s10  }
0x38: {  	s10 =	sld [smem:$0x3F8A]  }
0x39: {  	_ = 	snop;
	(pc) =	sbr.ind lr, $3  }
0x3a: {  	_ = 	snop  }
0x3b: {  	_ = 	snop  }
0x3c: {  	p2 =	seq.s32 s10, $0x1;
	s10 =	sld [smem:$0x3F89]  }
0x3d: {  	_ =	shalt  }
0x3e: {  	_ =	shalt  }
0x3f: {  	_ =	shalt  }
0x40: {  	_ =	shalt  }
0x41: {  	_ =	shalt  }
0x42: {  	_ =	shalt  }
0x43: {  	_ =	shalt  }
0x44: {  	_ =	shalt  }
0x45: {  	_ =	shalt  }
0x46: {  	_ =	shalt  }
0x47: {  	_ =	shalt  }
0x48: {  	_ =	shalt  }
0x49: {  	_ =	shalt  }
0x4a: {  	_ =	shalt  }
0x4b: {  	_ =	shalt  }
0x4c: {  	_ =	shalt  }
0x4d: {  	_ =	shalt  }
0x4e: {  	_ =	shalt  }
0x4f: {  	_ =	shalt  }
0x50: {  	_ =	shalt  }
0x51: {  	_ =	shalt  }
0x52: {  	_ =	shalt  }
0x53: {  	_ =	shalt  }
0x54: {  	_ =	shalt  }
0x55: {  	_ =	shalt  }
0x56: {  	_ =	shalt  }
0x57: {  	_ =	shalt  }
0x58: {  	_ =	shalt  }
0x59: {  	_ =	shalt  }
0x5a: {  	_ =	shalt  }
0x5b: {  	_ =	shalt  }
0x5c: {  	_ =	shalt  }
0x5d: {  	_ =	shalt  }
0x5e: {  	_ =	shalt  }
0x5f: {  	_ =	shalt  }
0x60: {  	_ =	shalt  }
0x61: {  	_ =	shalt  }
0x62: {  	_ =	shalt  }
0x63: {  	_ =	shalt  }
0x64: {  	_ =	shalt  }
0x65: {  	_ =	shalt  }
0x66: {  	_ =	shalt  }
0x67: {  	_ =	shalt  }
0x68: {  	_ =	shalt  }
0x69: {  	_ =	shalt  }
0x6a: {  	_ =	shalt  }
0x6b: {  	_ =	shalt  }
0x6c: {  	_ =	shalt  }
0x6d: {  	_ =	shalt  }
0x6e: {  	_ =	shalt  }
0x6f: {  	_ =	shalt  }
0x70: {  	_ =	shalt  }
0x71: {  	_ =	shalt  }
0x72: {  	_ =	shalt  }
0x73: {  	_ =	shalt  }
0x74: {  	_ =	shalt  }
0x75: {  	_ =	shalt  }
0x76: {  	_ =	shalt  }
0x77: {  	_ =	shalt  }
0x78: {  	_ =	shalt  }
0x79: {  	_ =	shalt  }
0x7a: {  	_ =	shalt  }
0x7b: {  	_ =	shalt  }
0x7c: {  	_ =	shalt  }
0x7d: {  	_ =	shalt  }
0x7e: {  	_ =	shalt  }
0x7f: {  	_ =	shalt  }
0x80: {  	_ =	shalt  }
0x81: {  	_ =	shalt  }
0x82: {  	_ =	shalt  }
0x83: {  	_ =	shalt  }
0x84: {  	_ =	shalt  }
0x85: {  	_ =	shalt  }
0x86: {  	_ =	shalt  }
0x87: {  	_ =	shalt  }
.Lfunc_end0:
.L_simem_size_0:
called_computation.1_lowered:
.L_overlay_start_0:
0x88: {  	s2 =	sld [smem:$0x3FD9]  }
0x89: {  	s3 =	sld [smem:$0x3FFE];
	_ =	sdelay $0x1  }
0x8a: {  	s1 =	srdreg.scid  }
0x8b: {  	s0 =	sand.u32 $0x1, s1  }
0x8c: {  	s14 =	sshll.u32 s0, $0xA;
	s2 =	sadd.s32 s3, s2  }
0x8d: {  	s2 =	sadd.s32 s2, s14  }
0x8e: {  	[smem:$0x3F95] =	sst s2  }
0x8f: {  	_ = 	snop  }
0x90: {  	s2 =	sld [smem:$0x3FD0];
	_ =	sdelay $0x2  }
0x91: {  	s15 =	simm.s32 $0xA;
	s4 =	simm.s32 $0x10  }
0x92: {  	[smem:s4], [sflag:s15] =	dma.local [hbm:s2], $0x1  }
0x93: {  	_ =	swait.eq [sflag:s15], $0x1  }
0x94: {  	s16 =	sld [smem:$0x10];
	[sflag:s15] =	ssyncset.done $0x0  }
0x95: {  	s17 =	sld [smem:$0x12];
	[sflag:s15] =	ssyncadd.s32 $0xFFFFFFFF  }
0x96: {  	s18 =	sld [smem:$0x13];
	(tm) =	ssettm $0x1  }
0x97: {  	s5 =	sld [smem:$0x3FFB];
	_ =	sdelay $0x3  }
0x98: {  	_ =	strace s5  }
0x99: {  	s5 =	sld [smem:$0x3FFC];
	_ =	sdelay $0x3  }
0x9a: {  	_ =	strace s5  }
0x9b: {  	s5 =	sld [smem:$0x3FFD];
	_ =	sdelay $0x3  }
0x9c: {  	_ =	strace s5  }
0x9d: {  	_ =	strace $0x8FFFFFFF  }
0x9e: {  	s19 =	sld [smem:$0x3FDB];
	_ =	sdelay $0x1  }
0x9f: {  	s6 =	simm.s32 $_scs_section_size  }
0xa0: {  	s7 =	simm.s32 $_size__tile_overlayer_lowered;
	s8 =	simm.s32 $_tile_overlayer_lowered  }
0xa1: {  	s22 =	simm.s32 $0x1BFF;
	s21 =	sshll.u32 s8, $0x1;
	s5 =	sadd.s32 s6, s19  }
0xa2: {  	s9 =	simm.s32 $0x0;
	s20 =	sshll.u32 s7, $0x1;
	s7 =	sadd.s32 s21, s5  }
0xa3: {  	[timem:s9], [sflag:s22] =	dma.local [hbm:s7], s20  }
0xa4: {  	_ =	swait.ge [sflag:s22], s20  }
0xa5: {  	s6 =	ssub.s32 $0x0, s20;
	[sflag:s22] =	ssyncset.done $0x0  }
0xa6: {  	[sflag:s22] =	ssyncadd.s32 s6;
	_ =	sdelay $0x1  }
0xa7: {  	s23 =	simm.s32 $0x1B8B  }
0xa8: {  	_ =	swait.ge [sflag:s23], $0x1  }
0xa9: {  	[sflag:s23] =	ssyncset.done $0x0  }
0xaa: {  	s25 =	simm.s32 $0x1B8E;
	s24 =	sld [smem:$0x3FFE];
	[sflag:s23] =	ssyncadd.s32 $0xFFFFFFFF  }
0xab: {  	s26 =	simm.s32 $execute0_lowered;
	[smem:$0x3FD2] =	sst s25  }
0xac: {  	s7 =	sshll.u32 s26, $0x1;
	_ =	strace $0x80000049;
	[dreg:$0x1] =	wrdreg $0xFFFFFFFF  }
0xad: {  	s28 =	simm.s32 $_size_execute0_lowered;
	s5 =	sadd.s32 s5, s7;
	[dreg:$0x0] =	wrdreg $0x0  }
0xae: {  	s7 =	sshll.u32 s28, $0x1;
	[dreg:$0x2] =	wrdreg s5  }
0xaf: {  	[dreg:$0x3] =	wrdreg s7  }
0xb0: {  	[dreg:$0x4] =	wrdreg $0xC0  }
0xb1: {  	_ =	task [dreg:s9], $0x5FFFF  }
0xb2: {  	[dreg:$0x1] =	wrdreg $0xFFFFFFFF  }
0xb3: {  	[dreg:$0x0] =	wrdreg $0x60  }
0xb4: {  	[dreg:$0x2] =	wrdreg s24  }
0xb5: {  	[dreg:$0x3] =	wrdreg s17  }
0xb6: {  	[dreg:$0x4] =	wrdreg s16  }
0xb7: {  	[dreg:$0x5] =	wrdreg s18  }
0xb8: {  	[dreg:$0x6] =	wrdreg $0x93000  }
0xb9: {  	[dreg:$0x7] =	wrdreg $0x9  }
0xba: {  	_ =	task.clear_ibuf [dreg:s9], $0x8FFFF;
	_ =	strace $0x90000049  }
0xbb: {  	s29 =	simm.s32 $0x9;
	_ =	strace $0x8000004B  }
0xbc: {  	_ =	swait.ge [sflag:s29], $0x1  }
0xbd: {  	[sflag:s29] =	ssyncadd.s32 $0xFFFFFFFF  }
0xbe: {  	_ =	strace $0x9000004B  }
0xbf: {  	_ =	sfence  }
0xc0: {  	s30 =	sld [smem:$0x0];
	_ =	sdelay $0x2  }
0xc1: {  	s31 =	sshll.u32 s1, $0xD;
	s1 =	sshrl.u32 s1, $0x2  }
0xc2: {  	s3 =	sand.u32 $0x4000, s31;
	s1 =	sadd.s32 s1, s30  }
0xc3: {  	s0 =	sor.u32 s3, s0;
	s1 =	sshll.u32 s1, $0x11  }
0xc4: {  	s0 =	sor.u32 s1, s0  }
0xc5: {  	s0 =	sadd.s32 $0x8F2B, s0  }
0xc6: {  	[sflag:s0] =	ssyncadd.remote.s32 $0x1  }
0xc7: {  	_ =	sfence.sel $0xFFFF  }
0xc8: {  	[dreg:$0x0] =	wrdreg $0xFFFFFFFF;
	(pc) =	sbr.abs _section_cstart, $3  }
0xc9: {  	[dreg:$0x1] =	wrdreg $0xFFFFFFFF  }
0xca: {  	_ =	task.clear_ibuf [dreg:s9], $0x2FFFF;
	_ =	strace $0x9FFFFFFF  }
0xcb: {  	(tm) =	ssettm $0x7FFFFFFF  }
tec
execute0_lowered:
.L_overlay_start_1:
0x0: {  	(tag) =	ssettag $0x1  }
0x1: {  	s0 =	rddreg [dreg:$0x0]  }
0x2: {  	s9 =	rddreg [dreg:$0x1]  }
0x3: {  	s8 =	rddreg [dreg:$0x2]  }
0x4: {  	s1 =	rddreg [dreg:$0x3]  }
0x5: {  	s2 =	rddreg [dreg:$0x4]  }
0x6: {  	s4 =	simm.s32 $0x0;
	s3 =	stileid.u32;
	s22 =	srdreg.scid  }
0x7: {  	s28 =	simm.s32 $0x0;
	[smem:$0x7FF] =	sst s4;
	s7 =	smul.u32 $0x2700, s3  }
0x8: {  	s5 =	sshll.u32 s3, $0xB;
	s6 =	sshll.u32 s3, $0x4;
	s23 =	smul.u32 $0x4E000, s3  }
0x9: {  	s15 =	sand.u32 $0x1, s22;
	s13 =	sadd.s32 $0x12400, s0;
	s17 =	smul.u32 $0x4E20, s3  }
0xa: {  	s14 =	sadd.s32 $0x25E00, s0;
	s25 =	smul.u32 $0x9C4, s3;
	s29 =	sadd.s32 $0x85300, s0  }
0xb: {  	s31 =	sshll.u32 s3, $0x7;
	p0 =	seq.s32 s3, $0xF;
	_ =	strace $0x8000004A  }
0xc: {  	s11 =	sadd.s32 s5, s0;
	s10 =	sadd.s32 s6, s0;
	s24 =	ssub.s32 $0x2, s15  }
0xd: {  	[dreg:$0x9] =	wrdreg s29;
	p1 =	sne.s32 s15, $0x0;
	s12 =	sadd.s32 s7, s0  }
0xe: {  	s16 =	sshrl.u32 s24, $0x1;
	s5 =	sshrl.u32 s23, $0x2;
	s6 =	sadd.s32 s8, s7  }
0xf: {  	s7 =	sadd.s32 $0x124800, s2;
	s17 =	sshrl.u32 s17, $0x3;
	s8 =	sadd.s32 $0x24900, s8  }
0x10: {  	s19 =	sadd.s32 s14, s25;
	s30 =	sadd.s32 s13, s25;
	s23 =	simm.s32 $0x4480  }
0x11: {  	s25 =	simm.s32 $0x4080;
	s18 =	ssub.s32 s24, s16;
	s5 =	sadd.s32 s5, s2  }
0x12: {  	[dreg:$0x6] =	wrdreg s19;
	s17 =	sadd.s32 $0x9C40, s17;
	s26 =	sadd.s32 $0x60A00, s12  }
0x13: {  	[dreg:$0xa] =	wrdreg s30;
	s12 =	sadd.s32 $0x39800, s12;
	s16 =	sadd.s32 $0x5E100, s0  }
.Ltmp0:
0x14: {  	s0 =	sadd.s32 $0xA72800, s11;
	[dreg:$0x8] =	wrdreg s26;
	(pc) =	sbr.rel .LBB2_1-.Ltmp0, $4  }
0x15: {  	s24 =	simm.s32 $0x1;
	s14 =	sadd.s32 s14, s17;
	[dreg:$0xc] =	wrdreg s12  }
0x16: {  	s13 =	sadd.s32 s13, s17;
	s17 =	smax.u32 s18, $0x1;
	[dreg:$0x7] =	wrdreg s14  }
0x17: {  	s12 =	sadd.s32 $0xCE3800, s11;
	s26 =	simm.s32 $0x80;
	[dreg:$0xb] =	wrdreg s13  }
0x18: {  	s14 =	sadd.s32 $0x8400, s10;
	s13 =	sadd.s32 s31, s9;
	s10 =	sadd.s32 $0xD400, s10  }
.LBB2_13:
0x19: {  	s9 =	rddreg [dreg:$0x7]  }
0x1a: {  	[hbm4b:s9+s4] =	stream.linear.scatter [tilespmem:s23], [sflag:$0x1], $0x4E20, $0x38;
	[tilespmem:$0x1CB80] =	vst v63  }
0x1b: {  	_ =	swait.ge [sflag:s24], $0x4E20  }
0x1c: {  	[sflag:s24] =	ssyncset.done $0x0  }
0x1d: {  	[sflag:s24] =	ssyncadd.s32 $0xFFFFB1E0  }
0x1e: {  	[bflag:$0x0] =	sbarrier.arrive $0xFFFF  }
0x1f: {  	s9 =	simm.s32 @p0 $0x1FC1;
	s11 =	rddreg [dreg:$0x9]  }
0x20: {  	[hbm:s11], [sflag:s9] =	dma.local @p0 [spmem:s31], $0x2800  }
0x21: {  	s9 =	simm.s32 @p0 $0x1  }
0x22: {  	_ =	swait.ge @p0 [sflag:s9], $0x2800  }
0x23: {  	[sflag:s9] =	ssyncset.done @p0 $0x0  }
0x24: {  	[sflag:s9] =	ssyncadd.s32 @p0 $0xFFFFD800;
	s9 =	rddreg [dreg:$0x8]  }
0x25: {  	[hbm:s9], [sflag:s29] =	dma.local @!p0 [spmem:s30], $0x2700  }
0x26: {  	s9 =	simm.s32 @!p0 $0x1  }
0x27: {  	_ =	swait.ge @!p0 [sflag:s9], $0x2700  }
0x28: {  	[sflag:s9] =	ssyncset.done @!p0 $0x0  }
0x29: {  	[sflag:s9] =	ssyncadd.s32 @!p0 $0xFFFFD900  }
.LBB2_14:
0x2a: {  	s28 =	sadd.s32 $0x1, s28  }
0x2b: {  	p2 =	sne.s32 s28, s17  }
.Ltmp1:
0x2c: {  	_ = 	snop;
	(pc) =	sbr.rel @!p2 .LBB2_15-.Ltmp1, $1  }
0x2d: {  	_ =	sdelay $0x3  }
.LBB2_1:
0x2e: {  	s31 =	sshrl.u32 @p0 s7, $0x3;
	s9 =	simm.s32 @p0 $0x1FC1  }
0x2f: {  	[spmem:s31], [sflag:s9] =	dma.local @p0 [hbm:s8], $0x2800  }
0x30: {  	s9 =	simm.s32 @p0 $0x1  }
0x31: {  	_ =	swait.ge @p0 [sflag:s9], $0x2800  }
0x32: {  	s11 =	sshll.u32 @!p0 s3, $0x6;
	s30 =	sshrl.u32 @!p0 s5, $0x3;
	[sflag:s9] =	ssyncset.done @p0 $0x0  }
0x33: {  	s29 =	sor.u32 @!p0 $0x1C01, s11;
	[sflag:s9] =	ssyncadd.s32 @p0 $0xFFFFD800;
	s9 =	simm.s32 @!p0 $0x1  }
0x34: {  	[spmem:s30], [sflag:s29] =	dma.local @!p0 [hbm:s6], $0x2700  }
0x35: {  	_ =	swait.ge @!p0 [sflag:s9], $0x2700  }
0x36: {  	[sflag:s9] =	ssyncset.done @!p0 $0x0  }
0x37: {  	[sflag:s9] =	ssyncadd.s32 @!p0 $0xFFFFD900  }
0x38: {  	[bflag:$0x0] =	sbarrier.arrive $0xFFFF  }
0x39: {  	[tilespmem:s23], [sflag:$0x1] =	stream.linear.gather [hbm4b:s1+s4], $0x4E80, $0x38;
	[tilespmem:$0x1CB80] =	vst v63  }
.Ltmp2:
0x3a: {  	_ = 	snop;
	(pc) =	sbr.rel @p1 .LBB2_8-.Ltmp2, $4  }
.Ltmp3:
0x3b: {  	s22 =	smov.u32 s0;
	s19 =	smov.u32 s13;
	(pc) =	sbr.rel @!p1 .LBB2_2-.Ltmp3, $4  }
0x3c: {  	s21 =	smov.u32 s10;
	s20 =	smov.u32 s12;
	_ =	swait.ge [sflag:s24], $0x4E80  }
0x3d: {  	s18 =	smov.u32 s14;
	s15 =	simm.s32 $0x0;
	[sflag:s24] =	ssyncset.done $0x0  }
0x3e: {  	s11 =	simm.s32 $0x0;
	s9 =	smov.u32 s13;
	[sflag:s24] =	ssyncadd.s32 $0xFFFFB180  }
0x3f: {  	_ = 	snop  }
.LBB2_4:
0x40: {  	s11 =	sadd.s32 $0x10, s11  }
0x41: {  	p2 =	sne.s32 s11, $0x4F0  }
.Ltmp4:
0x42: {  	_ = 	snop;
	(pc) =	sbr.rel @!p2 .LBB2_5-.Ltmp4, $2  }
0x43: {  	_ =	sdelay $0x2  }
0x44: {  	s21 =	sadd.s32 $0x100, s21;
	s19 =	sadd.s32 $0x800, s19;
	s22 =	sadd.s32 $0x8000, s22  }
.LBB2_2:
0x45: {  	s9 =	sadd.s32 s11, s3  }
0x46: {  	p2 =	sgt.u32 s9, $0x4E1  }
.Ltmp5:
0x47: {  	_ = 	snop;
	(pc) =	sbr.rel @p2 .LBB2_4-.Ltmp5, $1  }
0x48: {  	_ =	sdelay $0x3  }
0x49: {  	[tilespmem:s4], [sflag:$0x1] =	stream.linear.gather [hbm4b:s21+s4], $0x80, $0x38;
	[tilespmem:$0x1CB80] =	vst v63  }
0x4a: {  	_ =	swait.ge [sflag:s24], $0x80  }
0x4b: {  	[sflag:s24] =	ssyncset.done $0x0  }
0x4c: {  	[sflag:s24] =	ssyncadd.s32 $0xFFFFFF80  }
0x4d: {  	[tilespmem:s25], [sflag:$0x1] =	stream.linear.gather [hbm4b:s19+s4], $0x400, $0x38;
	[tilespmem:$0x1CB80] =	vst v63  }
0x4e: {  	_ =	swait.ge [sflag:s24], $0x400  }
0x4f: {  	[sflag:s24] =	ssyncset.done $0x0  }
0x50: {  	[sflag:s24] =	ssyncadd.s32 $0xFFFFFC00  }
0x51: {  	[tilespmem:s26], [sflag:$0x1] =	stream.linear.gather [hbm4b:s22+s4], $0x4000, $0x38;
	[tilespmem:$0x1CB80] =	vst v63  }
0x52: {  	_ =	swait.ge [sflag:s24], $0x4000  }
0x53: {  	[sflag:s24] =	ssyncset.done $0x0  }
0x54: {  	[sflag:s24] =	ssyncadd.s32 $0xFFFFC000  }
0x55: {  	[spmem:s2] =	stream.indirect.scatter.add.f32 [tilespmem:s26], [sflag:$0x1], $0x80, s4, s26, $0xb8;
	[tilespmem:$0x1CB80] =	vst v63  }
0x56: {  	_ =	swait.ge [sflag:s24], $0x4000  }
0x57: {  	[sflag:s24] =	ssyncset.done $0x0  }
0x58: {  	[sflag:s24] =	ssyncadd.s32 $0xFFFFC000  }
0x59: {  	v0 =	vld [tilespmem:$0x0];
	_ =	sdelay $0x2  }
0x5a: {  	v1 =	vld [tilespmem:$0x4080];
	_ =	sdelay $0x4  }
0x5b: {  	[tilespmem:v0+s23+$0x0] =	vst.idx.add.f32.msk $0xffff, v1  }
0x5c: {  	v0 =	vadd.s32 $0x2710, v0;
	v1 =	vld [tilespmem:$0x4100];
	_ =	sdelay $0x4  }
0x5d: {  	[tilespmem:v0+s23+$0x0] =	vst.idx.add.f32.msk $0xffff, v1  }
0x5e: {  	v0 =	vld [tilespmem:$0x10];
	_ =	sdelay $0x2  }
0x5f: {  	v1 =	vld [tilespmem:$0x4090];
	_ =	sdelay $0x4  }
0x60: {  	[tilespmem:v0+s23+$0x0] =	vst.idx.add.f32.msk $0xffff, v1  }
0x61: {  	v0 =	vadd.s32 $0x2710, v0;
	v1 =	vld [tilespmem:$0x4110];
	_ =	sdelay $0x4  }
0x62: {  	[tilespmem:v0+s23+$0x0] =	vst.idx.add.f32.msk $0xffff, v1  }
0x63: {  	v0 =	vld [tilespmem:$0x20];
	_ =	sdelay $0x2  }
0x64: {  	v1 =	vld [tilespmem:$0x40A0];
	_ =	sdelay $0x4  }
0x65: {  	[tilespmem:v0+s23+$0x0] =	vst.idx.add.f32.msk $0xffff, v1  }
0x66: {  	v0 =	vadd.s32 $0x2710, v0;
	v1 =	vld [tilespmem:$0x4120];
	_ =	sdelay $0x4  }
0x67: {  	[tilespmem:v0+s23+$0x0] =	vst.idx.add.f32.msk $0xffff, v1  }
0x68: {  	v0 =	vld [tilespmem:$0x30];
	_ =	sdelay $0x2  }
0x69: {  	v1 =	vld [tilespmem:$0x40B0];
	_ =	sdelay $0x4  }
0x6a: {  	[tilespmem:v0+s23+$0x0] =	vst.idx.add.f32.msk $0xffff, v1  }
0x6b: {  	v0 =	vadd.s32 $0x2710, v0;
	v1 =	vld [tilespmem:$0x4130];
	_ =	sdelay $0x4  }
0x6c: {  	[tilespmem:v0+s23+$0x0] =	vst.idx.add.f32.msk $0xffff, v1  }
0x6d: {  	v0 =	vld [tilespmem:$0x40];
	_ =	sdelay $0x2  }
0x6e: {  	v1 =	vld [tilespmem:$0x40C0];
	_ =	sdelay $0x4  }
0x6f: {  	[tilespmem:v0+s23+$0x0] =	vst.idx.add.f32.msk $0xffff, v1  }
0x70: {  	v0 =	vadd.s32 $0x2710, v0;
	v1 =	vld [tilespmem:$0x4140];
	_ =	sdelay $0x4  }
0x71: {  	[tilespmem:v0+s23+$0x0] =	vst.idx.add.f32.msk $0xffff, v1  }
0x72: {  	v0 =	vld [tilespmem:$0x50];
	_ =	sdelay $0x2  }
0x73: {  	v1 =	vld [tilespmem:$0x40D0];
	_ =	sdelay $0x4  }
0x74: {  	[tilespmem:v0+s23+$0x0] =	vst.idx.add.f32.msk $0xffff, v1  }
0x75: {  	v0 =	vadd.s32 $0x2710, v0;
	v1 =	vld [tilespmem:$0x4150];
	_ =	sdelay $0x4  }
0x76: {  	[tilespmem:v0+s23+$0x0] =	vst.idx.add.f32.msk $0xffff, v1  }
0x77: {  	v0 =	vld [tilespmem:$0x60];
	_ =	sdelay $0x2  }
0x78: {  	v1 =	vld [tilespmem:$0x40E0];
	_ =	sdelay $0x4  }
0x79: {  	[tilespmem:v0+s23+$0x0] =	vst.idx.add.f32.msk $0xffff, v1  }
0x7a: {  	v0 =	vadd.s32 $0x2710, v0;
	v1 =	vld [tilespmem:$0x4160];
	_ =	sdelay $0x4  }
0x7b: {  	[tilespmem:v0+s23+$0x0] =	vst.idx.add.f32.msk $0xffff, v1  }
0x7c: {  	v0 =	vld [tilespmem:$0x70];
	_ =	sdelay $0x2  }
0x7d: {  	v1 =	vld [tilespmem:$0x40F0];
	_ =	sdelay $0x4  }
0x7e: {  	[tilespmem:v0+s23+$0x0] =	vst.idx.add.f32.msk $0xffff, v1  }
0x7f: {  	v0 =	vadd.s32 $0x2710, v0;
	v1 =	vld [tilespmem:$0x4170]  }
.Ltmp6:
0x80: {  	_ = 	snop;
	(pc) =	sbr.rel .LBB2_4-.Ltmp6, $2  }
0x81: {  	_ =	sdelay $0x2  }
0x82: {  	[tilespmem:v0+s23+$0x0] =	vst.idx.add.f32.msk $0xffff, v1  }
.LBB2_10:
0x83: {  	s15 =	sadd.s32 $0x10, s15  }
0x84: {  	p2 =	sne.s32 s15, $0x4F0  }
.Ltmp7:
0x85: {  	_ = 	snop;
	(pc) =	sbr.rel @!p2 .LBB2_11-.Ltmp7, $2  }
0x86: {  	_ =	sdelay $0x2  }
0x87: {  	s18 =	sadd.s32 $0x100, s18;
	s9 =	sadd.s32 $0x800, s9;
	s20 =	sadd.s32 $0x8000, s20  }
.LBB2_8:
0x88: {  	s11 =	sadd.s32 s15, s3  }
0x89: {  	p2 =	sgt.u32 s11, $0x4E1  }
.Ltmp8:
0x8a: {  	_ = 	snop;
	(pc) =	sbr.rel @p2 .LBB2_10-.Ltmp8, $1  }
0x8b: {  	_ =	sdelay $0x3  }
0x8c: {  	[tilespmem:s4], [sflag:$0x1] =	stream.linear.gather [hbm4b:s18+s4], $0x80, $0x38;
	[tilespmem:$0x1CB80] =	vst v63  }
0x8d: {  	_ =	swait.ge [sflag:s24], $0x80  }
0x8e: {  	[sflag:s24] =	ssyncset.done $0x0  }
0x8f: {  	[sflag:s24] =	ssyncadd.s32 $0xFFFFFF80  }
0x90: {  	[tilespmem:s25], [sflag:$0x1] =	stream.linear.gather [hbm4b:s9+s4], $0x400, $0x38;
	[tilespmem:$0x1CB80] =	vst v63  }
0x91: {  	_ =	swait.ge [sflag:s24], $0x400  }
0x92: {  	[sflag:s24] =	ssyncset.done $0x0  }
0x93: {  	[sflag:s24] =	ssyncadd.s32 $0xFFFFFC00  }
0x94: {  	[tilespmem:s26], [sflag:$0x1] =	stream.linear.gather [hbm4b:s20+s4], $0x4000, $0x38;
	[tilespmem:$0x1CB80] =	vst v63  }
0x95: {  	_ =	swait.ge [sflag:s24], $0x4000  }
0x96: {  	[sflag:s24] =	ssyncset.done $0x0  }
0x97: {  	[sflag:s24] =	ssyncadd.s32 $0xFFFFC000  }
0x98: {  	[spmem:s2] =	stream.indirect.scatter.add.f32 [tilespmem:s26], [sflag:$0x1], $0x80, s4, s26, $0xb8;
	[tilespmem:$0x1CB80] =	vst v63  }
0x99: {  	_ =	swait.ge [sflag:s24], $0x4000  }
0x9a: {  	[sflag:s24] =	ssyncset.done $0x0  }
0x9b: {  	[sflag:s24] =	ssyncadd.s32 $0xFFFFC000  }
0x9c: {  	v0 =	vld [tilespmem:$0x0];
	_ =	sdelay $0x2  }
0x9d: {  	v1 =	vld [tilespmem:$0x4280];
	_ =	sdelay $0x4  }
0x9e: {  	[tilespmem:v0+s23+$0x0] =	vst.idx.add.f32.msk $0xffff, v1  }
0x9f: {  	v0 =	vadd.s32 $0x2710, v0;
	v1 =	vld [tilespmem:$0x4300];
	_ =	sdelay $0x4  }
0xa0: {  	[tilespmem:v0+s23+$0x0] =	vst.idx.add.f32.msk $0xffff, v1  }
0xa1: {  	v0 =	vld [tilespmem:$0x10];
	_ =	sdelay $0x2  }
0xa2: {  	v1 =	vld [tilespmem:$0x4290];
	_ =	sdelay $0x4  }
0xa3: {  	[tilespmem:v0+s23+$0x0] =	vst.idx.add.f32.msk $0xffff, v1  }
0xa4: {  	v0 =	vadd.s32 $0x2710, v0;
	v1 =	vld [tilespmem:$0x4310];
	_ =	sdelay $0x4  }
0xa5: {  	[tilespmem:v0+s23+$0x0] =	vst.idx.add.f32.msk $0xffff, v1  }
0xa6: {  	v0 =	vld [tilespmem:$0x20];
	_ =	sdelay $0x2  }
0xa7: {  	v1 =	vld [tilespmem:$0x42A0];
	_ =	sdelay $0x4  }
0xa8: {  	[tilespmem:v0+s23+$0x0] =	vst.idx.add.f32.msk $0xffff, v1  }
0xa9: {  	v0 =	vadd.s32 $0x2710, v0;
	v1 =	vld [tilespmem:$0x4320];
	_ =	sdelay $0x4  }
0xaa: {  	[tilespmem:v0+s23+$0x0] =	vst.idx.add.f32.msk $0xffff, v1  }
0xab: {  	v0 =	vld [tilespmem:$0x30];
	_ =	sdelay $0x2  }
0xac: {  	v1 =	vld [tilespmem:$0x42B0];
	_ =	sdelay $0x4  }
0xad: {  	[tilespmem:v0+s23+$0x0] =	vst.idx.add.f32.msk $0xffff, v1  }
0xae: {  	v0 =	vadd.s32 $0x2710, v0;
	v1 =	vld [tilespmem:$0x4330];
	_ =	sdelay $0x4  }
0xaf: {  	[tilespmem:v0+s23+$0x0] =	vst.idx.add.f32.msk $0xffff, v1  }
0xb0: {  	v0 =	vld [tilespmem:$0x40];
	_ =	sdelay $0x2  }
0xb1: {  	v1 =	vld [tilespmem:$0x42C0];
	_ =	sdelay $0x4  }
0xb2: {  	[tilespmem:v0+s23+$0x0] =	vst.idx.add.f32.msk $0xffff, v1  }
0xb3: {  	v0 =	vadd.s32 $0x2710, v0;
	v1 =	vld [tilespmem:$0x4340];
	_ =	sdelay $0x4  }
0xb4: {  	[tilespmem:v0+s23+$0x0] =	vst.idx.add.f32.msk $0xffff, v1  }
0xb5: {  	v0 =	vld [tilespmem:$0x50];
	_ =	sdelay $0x2  }
0xb6: {  	v1 =	vld [tilespmem:$0x42D0];
	_ =	sdelay $0x4  }
0xb7: {  	[tilespmem:v0+s23+$0x0] =	vst.idx.add.f32.msk $0xffff, v1  }
0xb8: {  	v0 =	vadd.s32 $0x2710, v0;
	v1 =	vld [tilespmem:$0x4350];
	_ =	sdelay $0x4  }
0xb9: {  	[tilespmem:v0+s23+$0x0] =	vst.idx.add.f32.msk $0xffff, v1  }
0xba: {  	v0 =	vld [tilespmem:$0x60];
	_ =	sdelay $0x2  }
0xbb: {  	v1 =	vld [tilespmem:$0x42E0];
	_ =	sdelay $0x4  }
0xbc: {  	[tilespmem:v0+s23+$0x0] =	vst.idx.add.f32.msk $0xffff, v1  }
0xbd: {  	v0 =	vadd.s32 $0x2710, v0;
	v1 =	vld [tilespmem:$0x4360];
	_ =	sdelay $0x4  }
0xbe: {  	[tilespmem:v0+s23+$0x0] =	vst.idx.add.f32.msk $0xffff, v1  }
0xbf: {  	v0 =	vld [tilespmem:$0x70];
	_ =	sdelay $0x2  }
0xc0: {  	v1 =	vld [tilespmem:$0x42F0];
	_ =	sdelay $0x4  }
0xc1: {  	[tilespmem:v0+s23+$0x0] =	vst.idx.add.f32.msk $0xffff, v1  }
0xc2: {  	v0 =	vadd.s32 $0x2710, v0;
	v1 =	vld [tilespmem:$0x4370]  }
.Ltmp9:
0xc3: {  	_ = 	snop;
	(pc) =	sbr.rel .LBB2_10-.Ltmp9, $2  }
0xc4: {  	_ =	sdelay $0x2  }
0xc5: {  	[tilespmem:v0+s23+$0x0] =	vst.idx.add.f32.msk $0xffff, v1  }
.LBB2_5:
0xc6: {  	s9 =	simm.s32 $0x0;
	s11 =	rddreg [dreg:$0xa]  }
0xc7: {  	[hbm4b:s11+s9] =	stream.linear.scatter [tilespmem:s23], [sflag:$0x1], $0x4E20, $0x38;
	[tilespmem:$0x1CB80] =	vst v63  }
0xc8: {  	_ =	swait.ge [sflag:s24], $0x4E20  }
0xc9: {  	[sflag:s24] =	ssyncset.done $0x0  }
0xca: {  	[sflag:s24] =	ssyncadd.s32 $0xFFFFB1E0  }
0xcb: {  	[tilespmem:s23], [sflag:$0x1] =	stream.linear.gather [hbm4b:s1+s9], $0x4E80, $0x38;
	[tilespmem:$0x1CB80] =	vst v63  }
0xcc: {  	_ =	swait.ge [sflag:s24], $0x4E80  }
0xcd: {  	[sflag:s24] =	ssyncset.done $0x0  }
0xce: {  	s15 =	smov.u32 s10;
	s11 =	smov.u32 s13;
	[sflag:s24] =	ssyncadd.s32 $0xFFFFB180  }
.LBB2_6:
0xcf: {  	s18 =	sadd.s32 s9, s3  }
0xd0: {  	p2 =	sgt.u32 s18, $0x4E1  }
0xd1: {  	s18 =	simm.s32 @!p2 $0x0;
	s19 =	simm.s32 @!p2 $0x1  }
0xd2: {  	[tilespmem:s18], [sflag:$0x1] =	stream.linear.gather @!p2 [hbm4b:s15+s18], $0x80, $0x38;
	[tilespmem:$0x1CB80] =	vst v63  }
0xd3: {  	_ =	swait.ge @!p2 [sflag:s19], $0x80  }
0xd4: {  	[sflag:s19] =	ssyncset.done @!p2 $0x0  }
0xd5: {  	s20 =	simm.s32 @!p2 $0x4080;
	[sflag:s19] =	ssyncadd.s32 @!p2 $0xFFFFFF80  }
0xd6: {  	[tilespmem:s20], [sflag:$0x1] =	stream.linear.gather @!p2 [hbm4b:s11+s18], $0x400, $0x38;
	[tilespmem:$0x1CB80] =	vst v63  }
0xd7: {  	_ =	swait.ge @!p2 [sflag:s19], $0x400  }
0xd8: {  	[sflag:s19] =	ssyncset.done @!p2 $0x0  }
0xd9: {  	[sflag:s19] =	ssyncadd.s32 @!p2 $0xFFFFFC00  }
0xda: {  	v0 =	vld @!p2 [tilespmem:$0x0];
	_ =	sdelay $0x2  }
0xdb: {  	v1 =	vld @!p2 [tilespmem:$0x4180];
	_ =	sdelay $0x3  }
0xdc: {  	s18 =	simm.s32 @!p2 $0x4480  }
0xdd: {  	[tilespmem:v0+s18+$0x0] =	vst.idx.add.f32.msk @!p2 $0xffff, v1  }
0xde: {  	v0 =	vadd.s32 @!p2 $0x2710, v0;
	v1 =	vld @!p2 [tilespmem:$0x4200];
	_ =	sdelay $0x4  }
0xdf: {  	[tilespmem:v0+s18+$0x0] =	vst.idx.add.f32.msk @!p2 $0xffff, v1  }
0xe0: {  	v0 =	vld @!p2 [tilespmem:$0x10];
	_ =	sdelay $0x2  }
0xe1: {  	v1 =	vld @!p2 [tilespmem:$0x4190];
	_ =	sdelay $0x4  }
0xe2: {  	[tilespmem:v0+s18+$0x0] =	vst.idx.add.f32.msk @!p2 $0xffff, v1  }
0xe3: {  	v0 =	vadd.s32 @!p2 $0x2710, v0;
	v1 =	vld @!p2 [tilespmem:$0x4210];
	_ =	sdelay $0x4  }
0xe4: {  	[tilespmem:v0+s18+$0x0] =	vst.idx.add.f32.msk @!p2 $0xffff, v1  }
0xe5: {  	v0 =	vld @!p2 [tilespmem:$0x20];
	_ =	sdelay $0x2  }
0xe6: {  	v1 =	vld @!p2 [tilespmem:$0x41A0];
	_ =	sdelay $0x4  }
0xe7: {  	[tilespmem:v0+s18+$0x0] =	vst.idx.add.f32.msk @!p2 $0xffff, v1  }
0xe8: {  	v0 =	vadd.s32 @!p2 $0x2710, v0;
	v1 =	vld @!p2 [tilespmem:$0x4220];
	_ =	sdelay $0x4  }
0xe9: {  	[tilespmem:v0+s18+$0x0] =	vst.idx.add.f32.msk @!p2 $0xffff, v1  }
0xea: {  	v0 =	vld @!p2 [tilespmem:$0x30];
	_ =	sdelay $0x2  }
0xeb: {  	v1 =	vld @!p2 [tilespmem:$0x41B0];
	_ =	sdelay $0x4  }
0xec: {  	[tilespmem:v0+s18+$0x0] =	vst.idx.add.f32.msk @!p2 $0xffff, v1  }
0xed: {  	v0 =	vadd.s32 @!p2 $0x2710, v0;
	v1 =	vld @!p2 [tilespmem:$0x4230];
	_ =	sdelay $0x4  }
0xee: {  	[tilespmem:v0+s18+$0x0] =	vst.idx.add.f32.msk @!p2 $0xffff, v1  }
0xef: {  	v0 =	vld @!p2 [tilespmem:$0x40];
	_ =	sdelay $0x2  }
0xf0: {  	v1 =	vld @!p2 [tilespmem:$0x41C0];
	_ =	sdelay $0x4  }
0xf1: {  	[tilespmem:v0+s18+$0x0] =	vst.idx.add.f32.msk @!p2 $0xffff, v1  }
0xf2: {  	v0 =	vadd.s32 @!p2 $0x2710, v0;
	v1 =	vld @!p2 [tilespmem:$0x4240];
	_ =	sdelay $0x4  }
0xf3: {  	[tilespmem:v0+s18+$0x0] =	vst.idx.add.f32.msk @!p2 $0xffff, v1  }
0xf4: {  	v0 =	vld @!p2 [tilespmem:$0x50];
	_ =	sdelay $0x2  }
0xf5: {  	v1 =	vld @!p2 [tilespmem:$0x41D0];
	_ =	sdelay $0x4  }
0xf6: {  	[tilespmem:v0+s18+$0x0] =	vst.idx.add.f32.msk @!p2 $0xffff, v1  }
0xf7: {  	v0 =	vadd.s32 @!p2 $0x2710, v0;
	v1 =	vld @!p2 [tilespmem:$0x4250];
	_ =	sdelay $0x4  }
0xf8: {  	[tilespmem:v0+s18+$0x0] =	vst.idx.add.f32.msk @!p2 $0xffff, v1  }
0xf9: {  	v0 =	vld @!p2 [tilespmem:$0x60];
	_ =	sdelay $0x2  }
0xfa: {  	v1 =	vld @!p2 [tilespmem:$0x41E0];
	_ =	sdelay $0x4  }
0xfb: {  	[tilespmem:v0+s18+$0x0] =	vst.idx.add.f32.msk @!p2 $0xffff, v1  }
0xfc: {  	v0 =	vadd.s32 @!p2 $0x2710, v0;
	v1 =	vld @!p2 [tilespmem:$0x4260];
	_ =	sdelay $0x4  }
0xfd: {  	[tilespmem:v0+s18+$0x0] =	vst.idx.add.f32.msk @!p2 $0xffff, v1  }
0xfe: {  	v0 =	vld @!p2 [tilespmem:$0x70];
	_ =	sdelay $0x2  }
0xff: {  	v1 =	vld @!p2 [tilespmem:$0x41F0];
	_ =	sdelay $0x4  }
0x100: {  	s9 =	sadd.s32 $0x10, s9;
	[tilespmem:v0+s18+$0x0] =	vst.idx.add.f32.msk @!p2 $0xffff, v1  }
0x101: {  	p3 =	sne.s32 s9, $0x4F0;
	v0 =	vadd.s32 @!p2 $0x2710, v0;
	v1 =	vld @!p2 [tilespmem:$0x4270]  }
.Ltmp10:
0x102: {  	_ = 	snop;
	(pc) =	sbr.rel @p3 .LBB2_6-.Ltmp10, $2  }
0x103: {  	_ =	sdelay $0x2  }
0x104: {  	s15 =	sadd.s32 $0x100, s15;
	s11 =	sadd.s32 $0x800, s11;
	[tilespmem:v0+s18+$0x0] =	vst.idx.add.f32.msk @!p2 $0xffff, v1  }
0x105: {  	s9 =	rddreg [dreg:$0xb]  }
0x106: {  	[hbm4b:s9+s4] =	stream.linear.scatter [tilespmem:s23], [sflag:$0x1], $0x4E20, $0x38;
	[tilespmem:$0x1CB80] =	vst v63  }
0x107: {  	_ =	swait.ge [sflag:s24], $0x4E20  }
0x108: {  	[sflag:s24] =	ssyncset.done $0x0  }
0x109: {  	[sflag:s24] =	ssyncadd.s32 $0xFFFFB1E0  }
0x10a: {  	s9 =	simm.s32 @p0 $0x1FC1;
	[bflag:$0x0] =	sbarrier.arrive $0xFFFF  }
0x10b: {  	[hbm:s16], [sflag:s9] =	dma.local @p0 [spmem:s31], $0x2800  }
0x10c: {  	s9 =	simm.s32 @p0 $0x1  }
0x10d: {  	_ =	swait.ge @p0 [sflag:s9], $0x2800  }
0x10e: {  	[sflag:s9] =	ssyncset.done @p0 $0x0  }
0x10f: {  	[sflag:s9] =	ssyncadd.s32 @p0 $0xFFFFD800;
	s9 =	rddreg [dreg:$0xc]  }
0x110: {  	[hbm:s9], [sflag:s29] =	dma.local @!p0 [spmem:s30], $0x2700  }
.Ltmp11:
0x111: {  	_ = 	snop;
	(pc) =	sbr.rel .LBB2_14-.Ltmp11, $4  }
0x112: {  	s9 =	simm.s32 @!p0 $0x1  }
0x113: {  	_ =	swait.ge @!p0 [sflag:s9], $0x2700  }
0x114: {  	[sflag:s9] =	ssyncset.done @!p0 $0x0  }
0x115: {  	[sflag:s9] =	ssyncadd.s32 @!p0 $0xFFFFD900  }
.LBB2_11:
0x116: {  	s9 =	simm.s32 $0x0;
	s11 =	rddreg [dreg:$0x6]  }
0x117: {  	[hbm4b:s11+s9] =	stream.linear.scatter [tilespmem:s23], [sflag:$0x1], $0x4E20, $0x38;
	[tilespmem:$0x1CB80] =	vst v63  }
0x118: {  	_ =	swait.ge [sflag:s24], $0x4E20  }
0x119: {  	[sflag:s24] =	ssyncset.done $0x0  }
0x11a: {  	[sflag:s24] =	ssyncadd.s32 $0xFFFFB1E0  }
0x11b: {  	[tilespmem:s23], [sflag:$0x1] =	stream.linear.gather [hbm4b:s1+s9], $0x4E80, $0x38;
	[tilespmem:$0x1CB80] =	vst v63  }
0x11c: {  	_ =	swait.ge [sflag:s24], $0x4E80  }
0x11d: {  	[sflag:s24] =	ssyncset.done $0x0  }
0x11e: {  	s15 =	smov.u32 s14;
	s11 =	smov.u32 s13;
	[sflag:s24] =	ssyncadd.s32 $0xFFFFB180  }
.LBB2_12:
0x11f: {  	s18 =	sadd.s32 s9, s3  }
0x120: {  	p2 =	sgt.u32 s18, $0x4E1  }
0x121: {  	s18 =	simm.s32 @!p2 $0x0;
	s19 =	simm.s32 @!p2 $0x1  }
0x122: {  	[tilespmem:s18], [sflag:$0x1] =	stream.linear.gather @!p2 [hbm4b:s15+s18], $0x80, $0x38;
	[tilespmem:$0x1CB80] =	vst v63  }
0x123: {  	_ =	swait.ge @!p2 [sflag:s19], $0x80  }
0x124: {  	[sflag:s19] =	ssyncset.done @!p2 $0x0  }
0x125: {  	s20 =	simm.s32 @!p2 $0x4080;
	[sflag:s19] =	ssyncadd.s32 @!p2 $0xFFFFFF80  }
0x126: {  	[tilespmem:s20], [sflag:$0x1] =	stream.linear.gather @!p2 [hbm4b:s11+s18], $0x400, $0x38;
	[tilespmem:$0x1CB80] =	vst v63  }
0x127: {  	_ =	swait.ge @!p2 [sflag:s19], $0x400  }
0x128: {  	[sflag:s19] =	ssyncset.done @!p2 $0x0  }
0x129: {  	[sflag:s19] =	ssyncadd.s32 @!p2 $0xFFFFFC00  }
0x12a: {  	v0 =	vld @!p2 [tilespmem:$0x0];
	_ =	sdelay $0x2  }
0x12b: {  	v1 =	vld @!p2 [tilespmem:$0x4380];
	_ =	sdelay $0x3  }
0x12c: {  	s18 =	simm.s32 @!p2 $0x4480  }
0x12d: {  	[tilespmem:v0+s18+$0x0] =	vst.idx.add.f32.msk @!p2 $0xffff, v1  }
0x12e: {  	v0 =	vadd.s32 @!p2 $0x2710, v0;
	v1 =	vld @!p2 [tilespmem:$0x4400];
	_ =	sdelay $0x4  }
0x12f: {  	[tilespmem:v0+s18+$0x0] =	vst.idx.add.f32.msk @!p2 $0xffff, v1  }
0x130: {  	v0 =	vld @!p2 [tilespmem:$0x10];
	_ =	sdelay $0x2  }
0x131: {  	v1 =	vld @!p2 [tilespmem:$0x4390];
	_ =	sdelay $0x4  }
0x132: {  	[tilespmem:v0+s18+$0x0] =	vst.idx.add.f32.msk @!p2 $0xffff, v1  }
0x133: {  	v0 =	vadd.s32 @!p2 $0x2710, v0;
	v1 =	vld @!p2 [tilespmem:$0x4410];
	_ =	sdelay $0x4  }
0x134: {  	[tilespmem:v0+s18+$0x0] =	vst.idx.add.f32.msk @!p2 $0xffff, v1  }
0x135: {  	v0 =	vld @!p2 [tilespmem:$0x20];
	_ =	sdelay $0x2  }
0x136: {  	v1 =	vld @!p2 [tilespmem:$0x43A0];
	_ =	sdelay $0x4  }
0x137: {  	[tilespmem:v0+s18+$0x0] =	vst.idx.add.f32.msk @!p2 $0xffff, v1  }
0x138: {  	v0 =	vadd.s32 @!p2 $0x2710, v0;
	v1 =	vld @!p2 [tilespmem:$0x4420];
	_ =	sdelay $0x4  }
0x139: {  	[tilespmem:v0+s18+$0x0] =	vst.idx.add.f32.msk @!p2 $0xffff, v1  }
0x13a: {  	v0 =	vld @!p2 [tilespmem:$0x30];
	_ =	sdelay $0x2  }
0x13b: {  	v1 =	vld @!p2 [tilespmem:$0x43B0];
	_ =	sdelay $0x4  }
0x13c: {  	[tilespmem:v0+s18+$0x0] =	vst.idx.add.f32.msk @!p2 $0xffff, v1  }
0x13d: {  	v0 =	vadd.s32 @!p2 $0x2710, v0;
	v1 =	vld @!p2 [tilespmem:$0x4430];
	_ =	sdelay $0x4  }
0x13e: {  	[tilespmem:v0+s18+$0x0] =	vst.idx.add.f32.msk @!p2 $0xffff, v1  }
0x13f: {  	v0 =	vld @!p2 [tilespmem:$0x40];
	_ =	sdelay $0x2  }
0x140: {  	v1 =	vld @!p2 [tilespmem:$0x43C0];
	_ =	sdelay $0x4  }
0x141: {  	[tilespmem:v0+s18+$0x0] =	vst.idx.add.f32.msk @!p2 $0xffff, v1  }
0x142: {  	v0 =	vadd.s32 @!p2 $0x2710, v0;
	v1 =	vld @!p2 [tilespmem:$0x4440];
	_ =	sdelay $0x4  }
0x143: {  	[tilespmem:v0+s18+$0x0] =	vst.idx.add.f32.msk @!p2 $0xffff, v1  }
0x144: {  	v0 =	vld @!p2 [tilespmem:$0x50];
	_ =	sdelay $0x2  }
0x145: {  	v1 =	vld @!p2 [tilespmem:$0x43D0];
	_ =	sdelay $0x4  }
0x146: {  	[tilespmem:v0+s18+$0x0] =	vst.idx.add.f32.msk @!p2 $0xffff, v1  }
0x147: {  	v0 =	vadd.s32 @!p2 $0x2710, v0;
	v1 =	vld @!p2 [tilespmem:$0x4450];
	_ =	sdelay $0x4  }
0x148: {  	[tilespmem:v0+s18+$0x0] =	vst.idx.add.f32.msk @!p2 $0xffff, v1  }
0x149: {  	v0 =	vld @!p2 [tilespmem:$0x60];
	_ =	sdelay $0x2  }
0x14a: {  	v1 =	vld @!p2 [tilespmem:$0x43E0];
	_ =	sdelay $0x4  }
0x14b: {  	[tilespmem:v0+s18+$0x0] =	vst.idx.add.f32.msk @!p2 $0xffff, v1  }
0x14c: {  	v0 =	vadd.s32 @!p2 $0x2710, v0;
	v1 =	vld @!p2 [tilespmem:$0x4460];
	_ =	sdelay $0x4  }
0x14d: {  	[tilespmem:v0+s18+$0x0] =	vst.idx.add.f32.msk @!p2 $0xffff, v1  }
0x14e: {  	v0 =	vld @!p2 [tilespmem:$0x70];
	_ =	sdelay $0x2  }
0x14f: {  	v1 =	vld @!p2 [tilespmem:$0x43F0];
	_ =	sdelay $0x4  }
0x150: {  	s9 =	sadd.s32 $0x10, s9;
	[tilespmem:v0+s18+$0x0] =	vst.idx.add.f32.msk @!p2 $0xffff, v1  }
0x151: {  	p3 =	sne.s32 s9, $0x4F0;
	v0 =	vadd.s32 @!p2 $0x2710, v0;
	v1 =	vld @!p2 [tilespmem:$0x4470]  }
.Ltmp12:
0x152: {  	_ = 	snop;
	(pc) =	sbr.rel @p3 .LBB2_12-.Ltmp12, $2  }
0x153: {  	_ =	sdelay $0x2  }
0x154: {  	s15 =	sadd.s32 $0x100, s15;
	s11 =	sadd.s32 $0x800, s11;
	[tilespmem:v0+s18+$0x0] =	vst.idx.add.f32.msk @!p2 $0xffff, v1  }
.Ltmp13:
0x155: {  	_ = 	snop;
	(pc) =	sbr.rel .LBB2_13-.Ltmp13, $1  }
0x156: {  	_ =	sdelay $0x3  }
.LBB2_15:
0x157: {  	_ =	sfence.sel $0x180000  }
0x158: {  	[bflag:$0x0] =	sbarrier.arrive $0xFFFF  }
0x159: {  	_ =	strace $0x9000004A  }
0x15a: {  	[bflag:$0x2] =	sbarrier.arrive $0xFFFF  }
0x15b: {  	p0 =	sne.s32 s3, $0x0;
	s0 =	rddreg [dreg:$0x5]  }
0x15c: {  	s0 =	sadd.s32 @!p0 $0x100000, s0  }
0x15d: {  	[sflag:s0] =	ssyncadd.tile.s32 @!p0 $0x1;
	_ =	shalt  }
.Lfunc_end2:
_tile_overlayer_lowered:
.L_overlay_start_2:
0x15e: {  	(tag) =	ssettag $0x2  }
0x15f: {  	s0 =	rddreg [dreg:$0x0];
	s2 =	stileid.u32  }
0x160: {  	s1 =	rddreg [dreg:$0x1];
	p0 =	sne.s32 s2, $0x0  }
0x161: {  	s3 =	rddreg [dreg:$0x2];
	[bflag:$0x3] =	sbarrier.arrive $0xFFFF;
	s2 =	simm.s32 @!p0 $0x1C01  }
0x162: {  	[timem:s3], [sflag:s2] =	dma.local @!p0 [hbm:s0], s1  }
0x163: {  	s0 =	simm.s32 @!p0 $0x1  }
0x164: {  	_ =	swait.ge @!p0 [sflag:s0], s1  }
0x165: {  	s1 =	ssub.s32 @!p0 $0x0, s1;
	[sflag:s0] =	ssyncset.done @!p0 $0x0  }
0x166: {  	[sflag:s0] =	ssyncadd.s32 @!p0 s1  }
0x167: {  	[bflag:$0x3] =	sbarrier.arrive $0xFFFF  }
0x168: {  	_ =	shalt  }

// kernel: kernel.8.cloned.1.call-start
scs
__scs_entry_jumppad:
0x0: {  	(pc) =	sbr.rel $0x88, $3  }
0x1: {  	(tag) =	ssettag $0x0;
	lr =	simm.s32 $0x1  }
0x2: {  	[smem:$0x3F6E] =	sst lr;
	_ =	strace $0xD0000000  }
0x3: {  	_ = 	snop  }
0x4: {  	_ = 	snop  }
0x5: {  	_ = 	snop  }
0x6: {  	_ = 	snop  }
0x7: {  	_ = 	snop  }
__scs_overlays_trampoline_lowered:
0x8: {  	[smem:$0x3F7D] =	sst s0  }
0x9: {  	[smem:$0x3F7E] =	sst s1  }
0xa: {  	[smem:$0x3F7F] =	sst s2  }
0xb: {  	[smem:$0x3F80] =	sst s3  }
0xc: {  	[smem:$0x3F81] =	sst s4  }
0xd: {  	[smem:$0x3F82] =	sst s5  }
0xe: {  	[smem:$0x3F83] =	sst s6  }
0xf: {  	[smem:$0x3F84] =	sst s7  }
0x10: {  	[smem:$0x3F85] =	sst s8  }
0x11: {  	[smem:$0x3F86] =	sst s9;
	s0 =	simm.s32 @!p0 $0x0  }
0x12: {  	s1 =	sld [smem:$0x3F6C];
	s0 =	simm.s32 @p0 $0x1  }
0x13: {  	[smem:$0x3F87] =	sst s0;
	s0 =	simm.s32 @!p1 $0x0  }
0x14: {  	s2 =	sld [smem:$0x3F6B];
	s0 =	simm.s32 @p1 $0x1  }
0x15: {  	[smem:$0x3F88] =	sst s0;
	s0 =	simm.s32 @!p2 $0x0  }
0x16: {  	s3 =	sld [smem:$0x3FDB];
	s0 =	simm.s32 @p2 $0x1  }
0x17: {  	s4 =	simm.s32 $0x1BF5;
	[smem:$0x3F8A] =	sst s0  }
0x18: {  	s0 =	sld [smem:$0x3F6D];
	_ =	swait.ge [sflag:s4], $0x0  }
0x19: {  	s7 =	sld [smem:$0x3F6E]  }
0x1a: {  	s8 =	sadd.s32 $0xFFFFE003, lr  }
0x1b: {  	s9 =	sadd.s32 $0xFFFFFEF7, lr;
	s5 =	simm.s32 $0xFFFFFFFF;
	p2 =	slt.u32 s8, $0xFFFFF086  }
0x1c: {  	p1 =	slt.u32 s9, $0xF7A;
	s5 =	simm.s32 @!p2 $0x0  }
0x1d: {  	s5 =	simm.s32 @p1 $0x1;
	p0 =	seq.s32 s7, s2  }
0x1e: {  	s7 =	smul.u32 @!p0 $0xF7A, s2;
	p2 =	seq.s32 @!p0 s5, $0x0  }
0x1f: {  	s9 =	smul.u32 $0xF7A, s1;
	s8 =	simm.s32 @!p0 $0x1BF5;
	p2 =	por !p2, p0  }
0x20: {  	[sflag:s8] =	ssyncset.s32 @!p0 $0xFFFFF086;
	s6 =	sadd.s32 @!p0 s3, s7;
	s7 =	simm.s32 @!p0 $0x108  }
0x21: {  	s3 =	sadd.s32 s3, s9;
	s6 =	sadd.s32 @!p0 $0x88, s6;
	s7 =	simm.s32 @p2 $0x1082  }
0x22: {  	[simem:s7], [sflag:s8] =	dma.local @!p0 [hbm:s6], $0xF7A  }
0x23: {  	s9 =	sor.u32 $0xD0000000, s2;
	s6 =	simm.s32 $0x108;
	_ =	swait.ge @!p0 [sflag:s8], $0x0  }
0x24: {  	s3 =	sadd.s32 $0x88, s3;
	s6 =	simm.s32 @!p1 $0x1082;
	[sflag:s4] =	ssyncset.s32 $0xFFFFF086  }
0x25: {  	[simem:s6], [sflag:s4] =	dma.local [hbm:s3], $0xF7A  }
0x26: {  	[smem:$0x3F6E] =	sst s1;
	(tag) =	ssettag s2;
	_ =	strace s9  }
0x27: {  	s1 =	sld [smem:$0x3F7E]  }
0x28: {  	s2 =	sld [smem:$0x3F7F]  }
0x29: {  	s4 =	sld [smem:$0x3F81]  }
0x2a: {  	p0 =	seq.s32 s5, $0x0;
	s5 =	sld [smem:$0x3F82]  }
0x2b: {  	s6 =	sld [smem:$0x3F83]  }
0x2c: {  	s7 =	sld [smem:$0x3F84]  }
0x2d: {  	s3 =	simm.s32 $0x108;
	s8 =	sld [smem:$0x3F85]  }
0x2e: {  	s3 =	simm.s32 @!p0 $0x1082;
	s9 =	sld [smem:$0x3F86]  }
0x2f: {  	lr =	sadd.s32 s0, s3;
	s0 =	sld [smem:$0x3F7D]  }
0x30: {  	s3 =	sld [smem:$0x3F80]  }
0x31: {  	[smem:$0x3F89] =	sst s10  }
0x32: {  	s10 =	sld [smem:$0x3F87];
	_ =	sdelay $0x3  }
0x33: {  	p0 =	seq.s32 s10, $0x1;
	s10 =	sld [smem:$0x3F89];
	_ =	sdelay $0x3  }
0x34: {  	[smem:$0x3F89] =	sst s10  }
0x35: {  	s10 =	sld [smem:$0x3F88];
	_ =	sdelay $0x3  }
0x36: {  	p1 =	seq.s32 s10, $0x1;
	s10 =	sld [smem:$0x3F89];
	_ =	sdelay $0x3  }
0x37: {  	[smem:$0x3F89] =	sst s10  }
0x38: {  	s10 =	sld [smem:$0x3F8A]  }
0x39: {  	_ = 	snop;
	(pc) =	sbr.ind lr, $3  }
0x3a: {  	_ = 	snop  }
0x3b: {  	_ = 	snop  }
0x3c: {  	p2 =	seq.s32 s10, $0x1;
	s10 =	sld [smem:$0x3F89]  }
0x3d: {  	_ =	shalt  }
0x3e: {  	_ =	shalt  }
0x3f: {  	_ =	shalt  }
0x40: {  	_ =	shalt  }
0x41: {  	_ =	shalt  }
0x42: {  	_ =	shalt  }
0x43: {  	_ =	shalt  }
0x44: {  	_ =	shalt  }
0x45: {  	_ =	shalt  }
0x46: {  	_ =	shalt  }
0x47: {  	_ =	shalt  }
0x48: {  	_ =	shalt  }
0x49: {  	_ =	shalt  }
0x4a: {  	_ =	shalt  }
0x4b: {  	_ =	shalt  }
0x4c: {  	_ =	shalt  }
0x4d: {  	_ =	shalt  }
0x4e: {  	_ =	shalt  }
0x4f: {  	_ =	shalt  }
0x50: {  	_ =	shalt  }
0x51: {  	_ =	shalt  }
0x52: {  	_ =	shalt  }
0x53: {  	_ =	shalt  }
0x54: {  	_ =	shalt  }
0x55: {  	_ =	shalt  }
0x56: {  	_ =	shalt  }
0x57: {  	_ =	shalt  }
0x58: {  	_ =	shalt  }
0x59: {  	_ =	shalt  }
0x5a: {  	_ =	shalt  }
0x5b: {  	_ =	shalt  }
0x5c: {  	_ =	shalt  }
0x5d: {  	_ =	shalt  }
0x5e: {  	_ =	shalt  }
0x5f: {  	_ =	shalt  }
0x60: {  	_ =	shalt  }
0x61: {  	_ =	shalt  }
0x62: {  	_ =	shalt  }
0x63: {  	_ =	shalt  }
0x64: {  	_ =	shalt  }
0x65: {  	_ =	shalt  }
0x66: {  	_ =	shalt  }
0x67: {  	_ =	shalt  }
0x68: {  	_ =	shalt  }
0x69: {  	_ =	shalt  }
0x6a: {  	_ =	shalt  }
0x6b: {  	_ =	shalt  }
0x6c: {  	_ =	shalt  }
0x6d: {  	_ =	shalt  }
0x6e: {  	_ =	shalt  }
0x6f: {  	_ =	shalt  }
0x70: {  	_ =	shalt  }
0x71: {  	_ =	shalt  }
0x72: {  	_ =	shalt  }
0x73: {  	_ =	shalt  }
0x74: {  	_ =	shalt  }
0x75: {  	_ =	shalt  }
0x76: {  	_ =	shalt  }
0x77: {  	_ =	shalt  }
0x78: {  	_ =	shalt  }
0x79: {  	_ =	shalt  }
0x7a: {  	_ =	shalt  }
0x7b: {  	_ =	shalt  }
0x7c: {  	_ =	shalt  }
0x7d: {  	_ =	shalt  }
0x7e: {  	_ =	shalt  }
0x7f: {  	_ =	shalt  }
0x80: {  	_ =	shalt  }
0x81: {  	_ =	shalt  }
0x82: {  	_ =	shalt  }
0x83: {  	_ =	shalt  }
0x84: {  	_ =	shalt  }
0x85: {  	_ =	shalt  }
0x86: {  	_ =	shalt  }
0x87: {  	_ =	shalt  }
.Lfunc_end0:
.L_simem_size_0:
called_computation_lowered:
.L_overlay_start_0:
0x88: {  	s2 =	sld [smem:$0x3FD9]  }
0x89: {  	s3 =	sld [smem:$0x3FFE];
	_ =	sdelay $0x1  }
0x8a: {  	s1 =	srdreg.scid  }
0x8b: {  	s0 =	sand.u32 $0x1, s1  }
0x8c: {  	s16 =	sshll.u32 s0, $0xA;
	s2 =	sadd.s32 s3, s2  }
0x8d: {  	s2 =	sadd.s32 s2, s16  }
0x8e: {  	[smem:$0x3F95] =	sst s2  }
0x8f: {  	_ = 	snop  }
0x90: {  	(tm) =	ssettm $0x1  }
0x91: {  	s17 =	sld [smem:$0x3FFB];
	_ =	sdelay $0x3  }
0x92: {  	_ =	strace s17  }
0x93: {  	s2 =	sld [smem:$0x3FFC];
	_ =	sdelay $0x3  }
0x94: {  	_ =	strace s2  }
0x95: {  	s2 =	sld [smem:$0x3FFD];
	_ =	sdelay $0x3  }
0x96: {  	_ =	strace s2  }
0x97: {  	_ =	strace $0x8FFFFFFF  }
0x98: {  	s18 =	sld [smem:$0x3FDB];
	_ =	sdelay $0x1  }
0x99: {  	s19 =	simm.s32 $_scs_section_size  }
0x9a: {  	s4 =	simm.s32 $_size__tile_overlayer_lowered;
	s5 =	simm.s32 $_tile_overlayer_lowered  }
0x9b: {  	s22 =	simm.s32 $0x1BFF;
	s21 =	sshll.u32 s5, $0x1;
	s2 =	sadd.s32 s19, s18  }
0x9c: {  	s6 =	simm.s32 $0x0;
	s20 =	sshll.u32 s4, $0x1;
	s4 =	sadd.s32 s21, s2  }
0x9d: {  	[timem:s6], [sflag:s22] =	dma.local [hbm:s4], s20  }
0x9e: {  	_ =	swait.ge [sflag:s22], s20  }
0x9f: {  	s3 =	ssub.s32 $0x0, s20;
	[sflag:s22] =	ssyncset.done $0x0  }
0xa0: {  	[sflag:s22] =	ssyncadd.s32 s3;
	_ =	sdelay $0x1  }
0xa1: {  	s23 =	simm.s32 $0x1B8B  }
0xa2: {  	_ =	swait.ge [sflag:s23], $0x1  }
0xa3: {  	[sflag:s23] =	ssyncset.done $0x0  }
0xa4: {  	s25 =	simm.s32 $0x1B8E;
	s24 =	sld [smem:$0x3FFE];
	[sflag:s23] =	ssyncadd.s32 $0xFFFFFFFF  }
0xa5: {  	s26 =	simm.s32 $execute0_lowered;
	[smem:$0x3FD2] =	sst s25  }
0xa6: {  	s4 =	sshll.u32 s26, $0x1;
	_ =	strace $0x80000046;
	[dreg:$0x1] =	wrdreg $0xFFFFFFFF  }
0xa7: {  	s28 =	simm.s32 $_size_execute0_lowered;
	s2 =	sadd.s32 s2, s4;
	[dreg:$0x0] =	wrdreg $0x0  }
0xa8: {  	s4 =	sshll.u32 s28, $0x1;
	[dreg:$0x2] =	wrdreg s2  }
0xa9: {  	[dreg:$0x3] =	wrdreg s4  }
0xaa: {  	[dreg:$0x4] =	wrdreg $0xC0  }
0xab: {  	_ =	task [dreg:s6], $0x5FFFF  }
0xac: {  	[dreg:$0x1] =	wrdreg $0xFFFFFFFF  }
0xad: {  	[dreg:$0x0] =	wrdreg $0x60  }
0xae: {  	[dreg:$0x2] =	wrdreg s24  }
0xaf: {  	[dreg:$0x3] =	wrdreg $0x9  }
0xb0: {  	_ =	task.clear_ibuf [dreg:s6], $0x4FFFF;
	_ =	strace $0x90000046  }
0xb1: {  	s29 =	simm.s32 $0x9;
	_ =	strace $0x80000048  }
0xb2: {  	_ =	swait.ge [sflag:s29], $0x1  }
0xb3: {  	[sflag:s29] =	ssyncadd.s32 $0xFFFFFFFF  }
0xb4: {  	_ =	strace $0x90000048  }
0xb5: {  	_ =	sfence  }
0xb6: {  	s30 =	sld [smem:$0x0];
	_ =	sdelay $0x2  }
0xb7: {  	s31 =	sshll.u32 s1, $0xD;
	s1 =	sshrl.u32 s1, $0x2  }
0xb8: {  	s3 =	sand.u32 $0x4000, s31;
	s1 =	sadd.s32 s1, s30  }
0xb9: {  	s0 =	sor.u32 s3, s0;
	s1 =	sshll.u32 s1, $0x11  }
0xba: {  	s0 =	sor.u32 s1, s0  }
0xbb: {  	s0 =	sadd.s32 $0x8F2B, s0  }
0xbc: {  	[sflag:s0] =	ssyncadd.remote.s32 $0x1  }
0xbd: {  	_ =	sfence.sel $0xFFFF  }
0xbe: {  	[dreg:$0x0] =	wrdreg $0xFFFFFFFF;
	(pc) =	sbr.abs _section_cstart, $3  }
0xbf: {  	[dreg:$0x1] =	wrdreg $0xFFFFFFFF  }
0xc0: {  	_ =	task.clear_ibuf [dreg:s6], $0x2FFFF;
	_ =	strace $0x9FFFFFFF  }
0xc1: {  	(tm) =	ssettm $0x7FFFFFFF  }
tec
execute0_lowered:
.L_overlay_start_1:
0x0: {  	(tag) =	ssettag $0x1  }
0x1: {  	s0 =	rddreg [dreg:$0x0];
	s1 =	simm.s32 $0x0  }
0x2: {  	s2 =	srdreg.scid;
	s9 =	stileid.u32;
	s11 =	simm.s32 $0x4  }
0x3: {  	s13 =	simm.s32 $0x100;
	s30 =	simm.s32 $0x8100;
	s10 =	simm.s32 $0xB900  }
0x4: {  	s12 =	simm.s32 $0xC100;
	s14 =	simm.s32 $0xC900;
	s15 =	simm.s32 $0xD100  }
0x5: {  	s16 =	simm.s32 $0xD900;
	s17 =	simm.s32 $0xE100;
	s18 =	simm.s32 $0xE900  }
0x6: {  	s19 =	simm.s32 $0xF100;
	s20 =	simm.s32 $0xF900;
	s21 =	simm.s32 $0x1  }
0x7: {  	s22 =	simm.s32 $0x2;
	s23 =	simm.s32 $0x3;
	s25 =	simm.s32 $0x0  }
0x8: {  	s31 =	simm.s32 $0x80;
	[smem:$0x7FF] =	sst s1;
	s3 =	sadd.s32 $0x12400, s0  }
0x9: {  	s2 =	sand.u32 $0x1, s2;
	s4 =	sadd.s32 $0x60600, s0;
	s6 =	sshll.u32 s9, $0x5  }
0xa: {  	s7 =	sshll.u32 s9, $0xD;
	s26 =	sshll.u32 s9, $0x1;
	s9 =	simm.s32 $0xB100  }
0xb: {  	_ =	strace $0x80000047;
	s5 =	ssub.s32 $0x2, s2;
	s6 =	sadd.s32 s6, s0  }
0xc: {  	s0 =	sadd.s32 s7, s0;
	[dreg:$0x2] =	wrdreg s26;
	s28 =	sshll.u32 s2, $0x4  }
0xd: {  	s2 =	sshll.u32 s2, $0xC;
	s8 =	sshrl.u32 s5, $0x1;
	s29 =	sadd.s32 s28, s6  }
.Ltmp0:
0xe: {  	s0 =	sadd.s32 s2, s0;
	s6 =	simm.s32 $0xA900;
	(pc) =	sbr.rel .LBB2_1-.Ltmp0, $4  }
0xf: {  	s5 =	ssub.s32 s5, s8;
	s7 =	sadd.s32 $0x8400, s29;
	s2 =	sadd.s32 $0x590800, s0  }
0x10: {  	v2 =	vlaneseq.u32;
	s8 =	sadd.s32 $0xD400, s29;
	s0 =	sadd.s32 $0xAE800, s0;
	[dreg:$0x4] =	wrdreg s2  }
0x11: {  	vm0 =	vmmov $0xffff;
	v1 =	vshrl.u32 v2, $0x3;
	s5 =	smax.u32 s5, $0x1;
	[dreg:$0x5] =	wrdreg s0;
	s0 =	simm.s32 $0x9100  }
0x12: {  	v0 =	vand.u32 $0x7, v2;
	v2 =	vor.u32 $0x8, v2;
	v1 =	vmul.u32 $0x8, v1;
	s2 =	simm.s32 $0x9900;
	[dreg:$0x3] =	wrdreg s5;
	s5 =	simm.s32 $0xA100  }
.LBB2_5:
0x13: {  	s25 =	rddreg [dreg:$0x6]  }
0x14: {  	s24 =	rddreg [dreg:$0x3];
	s25 =	sadd.s32 $0x1, s25  }
0x15: {  	p0 =	sne.s32 s25, s24  }
.Ltmp1:
0x16: {  	_ = 	snop;
	(pc) =	sbr.rel @!p0 .LBB2_6-.Ltmp1, $1  }
0x17: {  	_ =	sdelay $0x3  }
.LBB2_1:
.Ltmp2:
0x18: {  	(pc) =	sbr.rel .LBB2_2-.Ltmp2, $4  }
0x19: {  	[dreg:$0x6] =	wrdreg s25  }
0x1a: {  	s24 =	rddreg [dreg:$0x2]  }
0x1b: {  	s25 =	rddreg [dreg:$0x5]  }
0x1c: {  	s26 =	rddreg [dreg:$0x4];
	s28 =	simm.s32 $0x0  }
.LBB2_4:
0x1d: {  	s28 =	sadd.s32 $0x200, s28  }
0x1e: {  	p0 =	sne.s32 s28, $0x5000  }
.Ltmp3:
0x1f: {  	_ = 	snop;
	(pc) =	sbr.rel @!p0 .LBB2_5-.Ltmp3, $2  }
0x20: {  	_ =	sdelay $0x2  }
0x21: {  	s26 =	sadd.s32 $0x20000, s26;
	s25 =	sadd.s32 $0x20000, s25;
	s24 =	sadd.s32 $0x20, s24  }
.LBB2_2:
0x22: {  	p0 =	sgt.u32 s24, $0x4E1  }
.Ltmp4:
0x23: {  	_ = 	snop;
	(pc) =	sbr.rel @p0 .LBB2_4-.Ltmp4, $1  }
0x24: {  	_ =	sdelay $0x3  }
0x25: {  	s29 =	sadd.s32 s28, s8  }
0x26: {  	[tilespmem:s1], [sflag:$0x4] =	stream.linear.gather [hbm4b:s29+s1], $0x80, $0x38;
	[tilespmem:$0x10100] =	vst v63  }
0x27: {  	_ =	swait.ge [sflag:s11], $0x80  }
0x28: {  	[sflag:s11] =	ssyncset.done $0x0  }
0x29: {  	s29 =	sadd.s32 s28, s7;
	[sflag:s11] =	ssyncadd.s32 $0xFFFFFF80  }
0x2a: {  	[tilespmem:s31], [sflag:$0x4] =	stream.linear.gather [hbm4b:s29+s1], $0x80, $0x38;
	[tilespmem:$0x10100] =	vst v63  }
0x2b: {  	_ =	swait.ge [sflag:s11], $0x80  }
0x2c: {  	[sflag:s11] =	ssyncset.done $0x0  }
0x2d: {  	[sflag:s11] =	ssyncadd.s32 $0xFFFFFF80  }
0x2e: {  	v3 =	vld [tilespmem:$0x0];
	_ =	sdelay $0x4  }
0x2f: {  	v4 =	vshll.u32 v3, $0x1  }
0x30: {  	v3 =	vand.u32 $0x7, v3;
	v4 =	vand.u32 $0xFFFFFFF0, v4  }
0x31: {  	v3 =	vor.u32 v3, v4  }
0x32: {  	v4 =	vperm.xlane v3, v0;
	_ =	sdelay $0x1  }
0x33: {  	v3 =	vperm.xlane v3, v2;
	v4 =	vadd.s32 v1, v4;
	_ =	sdelay $0x1  }
0x34: {  	v3 =	vadd.s32 v1, v3;
	_ =	sdelay $0x2  }
0x35: {  	[tilespmem:s13], [sflag:$0x1] =	stream.indirect_vreg.gather [hbm4b:s3+s1], $0x80, v4, vm0, $0xb8;
	[tilespmem:$0x10100] =	vst v63  }
0x36: {  	s29 =	simm.s32 $0x900  }
0x37: {  	[tilespmem:s29], [sflag:$0x1] =	stream.indirect_vreg.gather [hbm4b:s3+s1], $0x80, v3, vm0, $0xb8;
	[tilespmem:$0x10100] =	vst v63  }
0x38: {  	v3 =	vld [tilespmem:$0x10];
	_ =	sdelay $0x4  }
0x39: {  	v49 =	vshll.u32 v3, $0x1  }
0x3a: {  	v3 =	vand.u32 $0x7, v3;
	v4 =	vand.u32 $0xFFFFFFF0, v49  }
0x3b: {  	v3 =	vor.u32 v3, v4  }
0x3c: {  	v4 =	vperm.xlane v3, v0;
	_ =	sdelay $0x1  }
0x3d: {  	v3 =	vperm.xlane v3, v2;
	v4 =	vadd.s32 v1, v4;
	_ =	sdelay $0x1  }
0x3e: {  	v3 =	vadd.s32 v1, v3;
	_ =	sdelay $0x1  }
0x3f: {  	s29 =	simm.s32 $0x1100  }
0x40: {  	[tilespmem:s29], [sflag:$0x1] =	stream.indirect_vreg.gather [hbm4b:s3+s1], $0x80, v4, vm0, $0xb8;
	[tilespmem:$0x10100] =	vst v63  }
0x41: {  	s29 =	simm.s32 $0x1900  }
0x42: {  	[tilespmem:s29], [sflag:$0x1] =	stream.indirect_vreg.gather [hbm4b:s3+s1], $0x80, v3, vm0, $0xb8;
	[tilespmem:$0x10100] =	vst v63  }
0x43: {  	v3 =	vld [tilespmem:$0x20];
	_ =	sdelay $0x4  }
0x44: {  	v50 =	vshll.u32 v3, $0x1  }
0x45: {  	v3 =	vand.u32 $0x7, v3;
	v4 =	vand.u32 $0xFFFFFFF0, v50  }
0x46: {  	v3 =	vor.u32 v3, v4  }
0x47: {  	v4 =	vperm.xlane v3, v0;
	_ =	sdelay $0x1  }
0x48: {  	v3 =	vperm.xlane v3, v2;
	v4 =	vadd.s32 v1, v4;
	_ =	sdelay $0x1  }
0x49: {  	v3 =	vadd.s32 v1, v3;
	_ =	sdelay $0x1  }
0x4a: {  	s29 =	simm.s32 $0x2100  }
0x4b: {  	[tilespmem:s29], [sflag:$0x1] =	stream.indirect_vreg.gather [hbm4b:s3+s1], $0x80, v4, vm0, $0xb8;
	[tilespmem:$0x10100] =	vst v63  }
0x4c: {  	s29 =	simm.s32 $0x2900  }
0x4d: {  	[tilespmem:s29], [sflag:$0x1] =	stream.indirect_vreg.gather [hbm4b:s3+s1], $0x80, v3, vm0, $0xb8;
	[tilespmem:$0x10100] =	vst v63  }
0x4e: {  	v3 =	vld [tilespmem:$0x30];
	_ =	sdelay $0x4  }
0x4f: {  	v51 =	vshll.u32 v3, $0x1  }
0x50: {  	v3 =	vand.u32 $0x7, v3;
	v4 =	vand.u32 $0xFFFFFFF0, v51  }
0x51: {  	v3 =	vor.u32 v3, v4  }
0x52: {  	v4 =	vperm.xlane v3, v0;
	_ =	sdelay $0x1  }
0x53: {  	v3 =	vperm.xlane v3, v2;
	v4 =	vadd.s32 v1, v4;
	_ =	sdelay $0x1  }
0x54: {  	v3 =	vadd.s32 v1, v3;
	_ =	sdelay $0x1  }
0x55: {  	s29 =	simm.s32 $0x3100  }
0x56: {  	[tilespmem:s29], [sflag:$0x1] =	stream.indirect_vreg.gather [hbm4b:s3+s1], $0x80, v4, vm0, $0xb8;
	[tilespmem:$0x10100] =	vst v63  }
0x57: {  	s29 =	simm.s32 $0x3900  }
0x58: {  	[tilespmem:s29], [sflag:$0x1] =	stream.indirect_vreg.gather [hbm4b:s3+s1], $0x80, v3, vm0, $0xb8;
	[tilespmem:$0x10100] =	vst v63  }
0x59: {  	v3 =	vld [tilespmem:$0x40];
	_ =	sdelay $0x4  }
0x5a: {  	v52 =	vshll.u32 v3, $0x1  }
0x5b: {  	v3 =	vand.u32 $0x7, v3;
	v4 =	vand.u32 $0xFFFFFFF0, v52  }
0x5c: {  	v3 =	vor.u32 v3, v4  }
0x5d: {  	v4 =	vperm.xlane v3, v0;
	_ =	sdelay $0x1  }
0x5e: {  	v3 =	vperm.xlane v3, v2;
	v4 =	vadd.s32 v1, v4;
	_ =	sdelay $0x1  }
0x5f: {  	v3 =	vadd.s32 v1, v3;
	_ =	sdelay $0x1  }
0x60: {  	s29 =	simm.s32 $0x4100  }
0x61: {  	[tilespmem:s29], [sflag:$0x1] =	stream.indirect_vreg.gather [hbm4b:s3+s1], $0x80, v4, vm0, $0xb8;
	[tilespmem:$0x10100] =	vst v63  }
0x62: {  	s29 =	simm.s32 $0x4900  }
0x63: {  	[tilespmem:s29], [sflag:$0x1] =	stream.indirect_vreg.gather [hbm4b:s3+s1], $0x80, v3, vm0, $0xb8;
	[tilespmem:$0x10100] =	vst v63  }
0x64: {  	v3 =	vld [tilespmem:$0x50];
	_ =	sdelay $0x4  }
0x65: {  	v53 =	vshll.u32 v3, $0x1  }
0x66: {  	v3 =	vand.u32 $0x7, v3;
	v4 =	vand.u32 $0xFFFFFFF0, v53  }
0x67: {  	v3 =	vor.u32 v3, v4  }
0x68: {  	v4 =	vperm.xlane v3, v0;
	_ =	sdelay $0x1  }
0x69: {  	v3 =	vperm.xlane v3, v2;
	v4 =	vadd.s32 v1, v4;
	_ =	sdelay $0x1  }
0x6a: {  	v3 =	vadd.s32 v1, v3;
	_ =	sdelay $0x1  }
0x6b: {  	s29 =	simm.s32 $0x5100  }
0x6c: {  	[tilespmem:s29], [sflag:$0x1] =	stream.indirect_vreg.gather [hbm4b:s3+s1], $0x80, v4, vm0, $0xb8;
	[tilespmem:$0x10100] =	vst v63  }
0x6d: {  	s29 =	simm.s32 $0x5900  }
0x6e: {  	[tilespmem:s29], [sflag:$0x1] =	stream.indirect_vreg.gather [hbm4b:s3+s1], $0x80, v3, vm0, $0xb8;
	[tilespmem:$0x10100] =	vst v63  }
0x6f: {  	v3 =	vld [tilespmem:$0x60];
	_ =	sdelay $0x4  }
0x70: {  	v54 =	vshll.u32 v3, $0x1  }
0x71: {  	v3 =	vand.u32 $0x7, v3;
	v4 =	vand.u32 $0xFFFFFFF0, v54  }
0x72: {  	v3 =	vor.u32 v3, v4  }
0x73: {  	v4 =	vperm.xlane v3, v0;
	_ =	sdelay $0x1  }
0x74: {  	v3 =	vperm.xlane v3, v2;
	v4 =	vadd.s32 v1, v4;
	_ =	sdelay $0x1  }
0x75: {  	v3 =	vadd.s32 v1, v3;
	_ =	sdelay $0x1  }
0x76: {  	s29 =	simm.s32 $0x6100  }
0x77: {  	[tilespmem:s29], [sflag:$0x1] =	stream.indirect_vreg.gather [hbm4b:s3+s1], $0x80, v4, vm0, $0xb8;
	[tilespmem:$0x10100] =	vst v63  }
0x78: {  	s29 =	simm.s32 $0x6900  }
0x79: {  	[tilespmem:s29], [sflag:$0x1] =	stream.indirect_vreg.gather [hbm4b:s3+s1], $0x80, v3, vm0, $0xb8;
	[tilespmem:$0x10100] =	vst v63  }
0x7a: {  	v3 =	vld [tilespmem:$0x70];
	_ =	sdelay $0x4  }
0x7b: {  	v55 =	vshll.u32 v3, $0x1  }
0x7c: {  	v3 =	vand.u32 $0x7, v3;
	v4 =	vand.u32 $0xFFFFFFF0, v55  }
0x7d: {  	v3 =	vor.u32 v3, v4  }
0x7e: {  	v4 =	vperm.xlane v3, v0;
	_ =	sdelay $0x1  }
0x7f: {  	v3 =	vperm.xlane v3, v2;
	v4 =	vadd.s32 v1, v4;
	_ =	sdelay $0x1  }
0x80: {  	v3 =	vadd.s32 v1, v3;
	_ =	sdelay $0x1  }
0x81: {  	s29 =	simm.s32 $0x7100  }
0x82: {  	[tilespmem:s29], [sflag:$0x1] =	stream.indirect_vreg.gather [hbm4b:s3+s1], $0x80, v4, vm0, $0xb8;
	[tilespmem:$0x10100] =	vst v63  }
0x83: {  	s29 =	simm.s32 $0x7900  }
0x84: {  	[tilespmem:s29], [sflag:$0x1] =	stream.indirect_vreg.gather [hbm4b:s3+s1], $0x80, v3, vm0, $0xb8;
	[tilespmem:$0x10100] =	vst v63  }
0x85: {  	v3 =	vld [tilespmem:$0x80];
	_ =	sdelay $0x4  }
0x86: {  	v56 =	vshll.u32 v3, $0x1  }
0x87: {  	v3 =	vand.u32 $0x7, v3;
	v4 =	vand.u32 $0xFFFFFFF0, v56  }
0x88: {  	v3 =	vor.u32 v3, v4  }
0x89: {  	v4 =	vperm.xlane v3, v0;
	_ =	sdelay $0x1  }
0x8a: {  	v3 =	vperm.xlane v3, v2;
	v4 =	vadd.s32 v1, v4;
	_ =	sdelay $0x1  }
0x8b: {  	v3 =	vadd.s32 v1, v3;
	_ =	sdelay $0x2  }
0x8c: {  	[tilespmem:s30], [sflag:$0x2] =	stream.indirect_vreg.gather [hbm4b:s4+s1], $0x80, v4, vm0, $0xb8;
	[tilespmem:$0x10100] =	vst v63  }
0x8d: {  	s29 =	simm.s32 $0x8900  }
0x8e: {  	[tilespmem:s29], [sflag:$0x2] =	stream.indirect_vreg.gather [hbm4b:s4+s1], $0x80, v3, vm0, $0xb8;
	[tilespmem:$0x10100] =	vst v63  }
0x8f: {  	v3 =	vld [tilespmem:$0x90];
	_ =	sdelay $0x4  }
0x90: {  	v57 =	vshll.u32 v3, $0x1  }
0x91: {  	v3 =	vand.u32 $0x7, v3;
	v4 =	vand.u32 $0xFFFFFFF0, v57  }
0x92: {  	v3 =	vor.u32 v3, v4  }
0x93: {  	v4 =	vperm.xlane v3, v0;
	_ =	sdelay $0x1  }
0x94: {  	v3 =	vperm.xlane v3, v2;
	v4 =	vadd.s32 v1, v4;
	_ =	sdelay $0x1  }
0x95: {  	v3 =	vadd.s32 v1, v3;
	_ =	sdelay $0x2  }
0x96: {  	[tilespmem:s0], [sflag:$0x2] =	stream.indirect_vreg.gather [hbm4b:s4+s1], $0x80, v4, vm0, $0xb8;
	[tilespmem:$0x10100] =	vst v63  }
0x97: {  	_ = 	snop  }
0x98: {  	[tilespmem:s2], [sflag:$0x2] =	stream.indirect_vreg.gather [hbm4b:s4+s1], $0x80, v3, vm0, $0xb8;
	[tilespmem:$0x10100] =	vst v63  }
0x99: {  	v3 =	vld [tilespmem:$0xA0];
	_ =	sdelay $0x4  }
0x9a: {  	v58 =	vshll.u32 v3, $0x1  }
0x9b: {  	v3 =	vand.u32 $0x7, v3;
	v4 =	vand.u32 $0xFFFFFFF0, v58  }
0x9c: {  	v3 =	vor.u32 v3, v4  }
0x9d: {  	v4 =	vperm.xlane v3, v0;
	_ =	sdelay $0x1  }
0x9e: {  	v3 =	vperm.xlane v3, v2;
	v4 =	vadd.s32 v1, v4;
	_ =	sdelay $0x1  }
0x9f: {  	v3 =	vadd.s32 v1, v3;
	_ =	sdelay $0x2  }
0xa0: {  	[tilespmem:s5], [sflag:$0x2] =	stream.indirect_vreg.gather [hbm4b:s4+s1], $0x80, v4, vm0, $0xb8;
	[tilespmem:$0x10100] =	vst v63  }
0xa1: {  	_ = 	snop  }
0xa2: {  	[tilespmem:s6], [sflag:$0x2] =	stream.indirect_vreg.gather [hbm4b:s4+s1], $0x80, v3, vm0, $0xb8;
	[tilespmem:$0x10100] =	vst v63  }
0xa3: {  	v3 =	vld [tilespmem:$0xB0];
	_ =	sdelay $0x4  }
0xa4: {  	v59 =	vshll.u32 v3, $0x1  }
0xa5: {  	v3 =	vand.u32 $0x7, v3;
	v4 =	vand.u32 $0xFFFFFFF0, v59  }
0xa6: {  	v3 =	vor.u32 v3, v4  }
0xa7: {  	v4 =	vperm.xlane v3, v0;
	_ =	sdelay $0x1  }
0xa8: {  	v3 =	vperm.xlane v3, v2;
	v4 =	vadd.s32 v1, v4;
	_ =	sdelay $0x1  }
0xa9: {  	v3 =	vadd.s32 v1, v3;
	_ =	sdelay $0x2  }
0xaa: {  	[tilespmem:s9], [sflag:$0x2] =	stream.indirect_vreg.gather [hbm4b:s4+s1], $0x80, v4, vm0, $0xb8;
	[tilespmem:$0x10100] =	vst v63  }
0xab: {  	_ = 	snop  }
0xac: {  	[tilespmem:s10], [sflag:$0x2] =	stream.indirect_vreg.gather [hbm4b:s4+s1], $0x80, v3, vm0, $0xb8;
	[tilespmem:$0x10100] =	vst v63  }
0xad: {  	v3 =	vld [tilespmem:$0xC0];
	_ =	sdelay $0x4  }
0xae: {  	v60 =	vshll.u32 v3, $0x1  }
0xaf: {  	v3 =	vand.u32 $0x7, v3;
	v4 =	vand.u32 $0xFFFFFFF0, v60  }
0xb0: {  	v3 =	vor.u32 v3, v4  }
0xb1: {  	v4 =	vperm.xlane v3, v0;
	_ =	sdelay $0x1  }
0xb2: {  	v3 =	vperm.xlane v3, v2;
	v4 =	vadd.s32 v1, v4;
	_ =	sdelay $0x1  }
0xb3: {  	v3 =	vadd.s32 v1, v3;
	_ =	sdelay $0x2  }
0xb4: {  	[tilespmem:s12], [sflag:$0x2] =	stream.indirect_vreg.gather [hbm4b:s4+s1], $0x80, v4, vm0, $0xb8;
	[tilespmem:$0x10100] =	vst v63  }
0xb5: {  	_ = 	snop  }
0xb6: {  	[tilespmem:s14], [sflag:$0x2] =	stream.indirect_vreg.gather [hbm4b:s4+s1], $0x80, v3, vm0, $0xb8;
	[tilespmem:$0x10100] =	vst v63  }
0xb7: {  	v3 =	vld [tilespmem:$0xD0];
	_ =	sdelay $0x4  }
0xb8: {  	v61 =	vshll.u32 v3, $0x1  }
0xb9: {  	v3 =	vand.u32 $0x7, v3;
	v4 =	vand.u32 $0xFFFFFFF0, v61  }
0xba: {  	v3 =	vor.u32 v3, v4  }
0xbb: {  	v4 =	vperm.xlane v3, v0;
	_ =	sdelay $0x1  }
0xbc: {  	v3 =	vperm.xlane v3, v2;
	v4 =	vadd.s32 v1, v4;
	_ =	sdelay $0x1  }
0xbd: {  	v3 =	vadd.s32 v1, v3;
	_ =	sdelay $0x2  }
0xbe: {  	[tilespmem:s15], [sflag:$0x2] =	stream.indirect_vreg.gather [hbm4b:s4+s1], $0x80, v4, vm0, $0xb8;
	[tilespmem:$0x10100] =	vst v63  }
0xbf: {  	_ = 	snop  }
0xc0: {  	[tilespmem:s16], [sflag:$0x2] =	stream.indirect_vreg.gather [hbm4b:s4+s1], $0x80, v3, vm0, $0xb8;
	[tilespmem:$0x10100] =	vst v63  }
0xc1: {  	v3 =	vld [tilespmem:$0xE0];
	_ =	sdelay $0x4  }
0xc2: {  	v62 =	vshll.u32 v3, $0x1  }
0xc3: {  	v3 =	vand.u32 $0x7, v3;
	v4 =	vand.u32 $0xFFFFFFF0, v62  }
0xc4: {  	v3 =	vor.u32 v3, v4  }
0xc5: {  	v4 =	vperm.xlane v3, v0;
	_ =	sdelay $0x1  }
0xc6: {  	v3 =	vperm.xlane v3, v2;
	v4 =	vadd.s32 v1, v4;
	_ =	sdelay $0x1  }
0xc7: {  	v3 =	vadd.s32 v1, v3;
	_ =	sdelay $0x2  }
0xc8: {  	[tilespmem:s17], [sflag:$0x2] =	stream.indirect_vreg.gather [hbm4b:s4+s1], $0x80, v4, vm0, $0xb8;
	[tilespmem:$0x10100] =	vst v63  }
0xc9: {  	_ = 	snop  }
0xca: {  	[tilespmem:s18], [sflag:$0x2] =	stream.indirect_vreg.gather [hbm4b:s4+s1], $0x80, v3, vm0, $0xb8;
	[tilespmem:$0x10100] =	vst v63  }
0xcb: {  	v3 =	vld [tilespmem:$0xF0];
	_ =	sdelay $0x4  }
0xcc: {  	v63 =	vshll.u32 v3, $0x1  }
0xcd: {  	v3 =	vand.u32 $0x7, v3;
	v4 =	vand.u32 $0xFFFFFFF0, v63  }
0xce: {  	v3 =	vor.u32 v3, v4  }
0xcf: {  	v4 =	vperm.xlane v3, v0;
	_ =	sdelay $0x1  }
0xd0: {  	v3 =	vperm.xlane v3, v2;
	v4 =	vadd.s32 v1, v4;
	_ =	sdelay $0x1  }
0xd1: {  	v3 =	vadd.s32 v1, v3;
	_ =	sdelay $0x2  }
0xd2: {  	[tilespmem:s19], [sflag:$0x2] =	stream.indirect_vreg.gather [hbm4b:s4+s1], $0x80, v4, vm0, $0xb8;
	[tilespmem:$0x10100] =	vst v63  }
0xd3: {  	_ = 	snop  }
0xd4: {  	[tilespmem:s20], [sflag:$0x2] =	stream.indirect_vreg.gather [hbm4b:s4+s1], $0x80, v3, vm0, $0xb8;
	[tilespmem:$0x10100] =	vst v63  }
0xd5: {  	_ =	swait.ge [sflag:s21], $0x8000  }
0xd6: {  	[sflag:s21] =	ssyncset.done $0x0  }
0xd7: {  	[sflag:s21] =	ssyncadd.s32 $0xFFFF8000  }
0xd8: {  	_ =	swait.ge [sflag:s22], $0x8000  }
0xd9: {  	[sflag:s22] =	ssyncset.done $0x0  }
0xda: {  	[sflag:s22] =	ssyncadd.s32 $0xFFFF8000  }
0xdb: {  	[hbm4b:s25+s1] =	stream.linear.scatter [tilespmem:s13], [sflag:$0x4], $0x8000, $0x38;
	[tilespmem:$0x10100] =	vst v63  }
0xdc: {  	_ =	swait.ge [sflag:s11], $0x8000  }
0xdd: {  	[sflag:s11] =	ssyncset.done $0x0  }
.Ltmp5:
0xde: {  	[sflag:s11] =	ssyncadd.s32 $0xFFFF8000;
	(pc) =	sbr.rel .LBB2_4-.Ltmp5, $4  }
0xdf: {  	[hbm4b:s26+s1] =	stream.linear.scatter [tilespmem:s30], [sflag:$0x3], $0x8000, $0x38;
	[tilespmem:$0x10100] =	vst v63  }
0xe0: {  	_ =	swait.ge [sflag:s23], $0x8000  }
0xe1: {  	[sflag:s23] =	ssyncset.done $0x0  }
0xe2: {  	[sflag:s23] =	ssyncadd.s32 $0xFFFF8000  }
.LBB2_6:
0xe3: {  	_ =	sfence.sel $0x180000  }
0xe4: {  	[bflag:$0x0] =	sbarrier.arrive $0xFFFF  }
0xe5: {  	_ =	strace $0x90000047  }
0xe6: {  	s0 =	stileid.u32;
	[bflag:$0x2] =	sbarrier.arrive $0xFFFF  }
0xe7: {  	p0 =	sne.s32 s0, $0x0;
	s0 =	rddreg [dreg:$0x1]  }
0xe8: {  	s0 =	sadd.s32 @!p0 $0x100000, s0  }
0xe9: {  	[sflag:s0] =	ssyncadd.tile.s32 @!p0 $0x1;
	_ =	shalt  }
.Lfunc_end2:
_tile_overlayer_lowered:
.L_overlay_start_2:
0xea: {  	(tag) =	ssettag $0x2  }
0xeb: {  	s0 =	rddreg [dreg:$0x0];
	s2 =	stileid.u32  }
0xec: {  	s1 =	rddreg [dreg:$0x1];
	p0 =	sne.s32 s2, $0x0  }
0xed: {  	s3 =	rddreg [dreg:$0x2];
	[bflag:$0x3] =	sbarrier.arrive $0xFFFF;
	s2 =	simm.s32 @!p0 $0x1C03  }
0xee: {  	[timem:s3], [sflag:s2] =	dma.local @!p0 [hbm:s0], s1  }
0xef: {  	s0 =	simm.s32 @!p0 $0x3  }
0xf0: {  	_ =	swait.ge @!p0 [sflag:s0], s1  }
0xf1: {  	s1 =	ssub.s32 @!p0 $0x0, s1;
	[sflag:s0] =	ssyncset.done @!p0 $0x0  }
0xf2: {  	[sflag:s0] =	ssyncadd.s32 @!p0 s1  }
0xf3: {  	[bflag:$0x3] =	sbarrier.arrive $0xFFFF  }
0xf4: {  	_ =	shalt  }

</sc_bundles>
